<compile_context>
chip_gen: v7x
topology: tpu7x:2x2x1
jax: 0.10.2.dev20260603
libtpu: 0.0.44.dev20260713+nightly
codegen_flags: <defaults>
</compile_context>

<pallas_src>
import jax
import jax.numpy as jnp
from jax import lax
from jax.experimental import pallas as pl
from jax.experimental.pallas import tpu as pltpu
from jax.experimental.pallas import tpu_sc as plsc

F32 = jnp.float32
I32 = jnp.int32
L = 16
NPAD = 1024
NCHUNKS = NPAD // L
M = 64
B = 8
CONF_THRESH = 0.7
IOU_THRESH = 0.5
NEG = -1e30


def _recip(x):
    r = plsc.bitcast(jnp.full((L,), 0x7EF311C3, I32) - plsc.bitcast(x, I32),
                     F32)
    for _ in range(3):
        r = r * (2.0 - x * r)
    return r


def _body(pred_hbm, gt_hbm, out_hbm, pred_v, gt_v, cconf, cpx2, cpy2, cpar,
          gmask, cconf2, cpx22, cpy22, cpar2, gtc, res_v, redbuf, ap1, ap2,
          shared):
    c = lax.axis_index("c")
    s = lax.axis_index("s")
    iota = lax.iota(I32, L)
    active = (c == 0) & (s < B)

    @pl.when(active)
    def _work():
        b = s
        pltpu.sync_copy(pred_hbm.at[b], pred_v)
        pltpu.sync_copy(gt_hbm.at[b], gt_v)
        wv = plsc.load_gather(gt_v, [jnp.full((L,), 5 * M, I32)])
        hv = plsc.load_gather(gt_v, [jnp.full((L,), 5 * M + 1, I32)])
        zero = jnp.zeros((L,), F32)

        for k in range(M // L):
            gtc[pl.ds(3 * M + k * L, L)] = zero
        csc = jnp.zeros((L,), I32)
        for k in range(M // L):
            gcls = gt_v[pl.ds(0 * M + k * L, L)]
            gx = gt_v[pl.ds(1 * M + k * L, L)] * wv
            gy = gt_v[pl.ds(2 * M + k * L, L)] * hv
            gw = gt_v[pl.ds(3 * M + k * L, L)] * wv
            gh = gt_v[pl.ds(4 * M + k * L, L)] * hv
            gx1 = gx - gw * 0.5
            gy1 = gy - gh * 0.5
            gx2 = gx1 + gw
            gy2 = gy1 + gh
            area = (gx2 - gx1) * (gy2 - gy1)
            gvb = gcls == 0.0
            cs = plsc.cumsum(jnp.where(gvb, 1, 0).astype(I32)) + csc
            csc = jnp.broadcast_to(jnp.max(cs), (L,))
            pos = cs - 1
            plsc.store_scatter(gtc, [pos], gx1, mask=gvb)
            plsc.store_scatter(gtc, [pos + M], gy1, mask=gvb)
            plsc.store_scatter(gtc, [pos + 2 * M], area, mask=gvb)
        ngv = jnp.max(csc)
        ngv_v = jnp.broadcast_to(ngv, (L,))

        def compb(j, cnt_v):
            base = j * L
            pcls = pred_v[pl.ds(base, L)]
            pconf = pred_v[pl.ds(NPAD + base, L)]
            px1 = pred_v[pl.ds(2 * NPAD + base, L)]
            py1 = pred_v[pl.ds(3 * NPAD + base, L)]
            px2 = pred_v[pl.ds(4 * NPAD + base, L)]
            py2 = pred_v[pl.ds(5 * NPAD + base, L)]
            pvb = (pcls == 0.0) & (pconf >= CONF_THRESH)
            inc = plsc.cumsum(jnp.where(pvb, 1, 0).astype(I32))
            pos = inc + (cnt_v - 1)
            plsc.store_scatter(cconf, [pos], pconf, mask=pvb)
            plsc.store_scatter(cpx2, [pos], px2, mask=pvb)
            plsc.store_scatter(cpy2, [pos], py2, mask=pvb)
            plsc.store_scatter(cpar, [pos], (px2 - px1) * (py2 - py1),
                               mask=pvb)
            return cnt_v + plsc.all_reduce_population_count(pvb)

        cnt_v = lax.fori_loop(0, NCHUNKS, compb, jnp.zeros((L,), I32))
        n_p = jnp.max(cnt_v)
        nch = lax.shift_right_logical(n_p + (L - 1), 4)

        def zb(j, carry):
            gmask[pl.ds(j * L, L)] = zero
            cconf2[pl.ds(j * L, L)] = jnp.full((L,), -1.0, F32)
            return carry

        lax.fori_loop(0, nch, zb, 0)

        def pfg(g, carry):
            gvec = jnp.broadcast_to(g, (L,))
            gx1 = plsc.load_gather(gtc, [gvec])
            gy1 = plsc.load_gather(gtc, [gvec + M])
            ga = plsc.load_gather(gtc, [gvec + 2 * M])

            def pfj(jj, carry2):
                for t in range(2):
                    sl = pl.ds((jj * 2 + t) * L, L)
                    px2 = cpx2[sl]
                    py2 = cpy2[sl]
                    pa = cpar[sl]
                    ov = jnp.abs(px2 - gx1) * jnp.abs(py2 - gy1)
                    mina = jnp.minimum(ga, pa)
                    ov = jnp.where(ov > mina, 0.0, ov)
                    un = pa + ga - ov
                    ps = ov > IOU_THRESH * un
                    gm = gmask[sl]
                    gmask[sl] = jnp.where(ps, 1.0, gm)
                return carry2

            lax.fori_loop(0, lax.shift_right_logical(nch + 1, 1), pfj, 0)
            return carry

        lax.fori_loop(0, ngv, pfg, 0)

        def comp2(j, cnt2_v):
            sl = pl.ds(j * L, L)
            keep = gmask[sl] > 0.5
            inc = plsc.cumsum(jnp.where(keep, 1, 0).astype(I32))
            pos = inc + (cnt2_v - 1)
            plsc.store_scatter(cconf2, [pos], cconf[sl], mask=keep)
            plsc.store_scatter(cpx22, [pos], cpx2[sl], mask=keep)
            plsc.store_scatter(cpy22, [pos], cpy2[sl], mask=keep)
            plsc.store_scatter(cpar2, [pos], cpar[sl], mask=keep)
            return cnt2_v + plsc.all_reduce_population_count(keep)

        cnt2_v = lax.fori_loop(0, nch, comp2, jnp.zeros((L,), I32))
        n2 = jnp.max(cnt2_v)
        nch2 = lax.shift_right_logical(n2 + (L - 1), 4)

        one16 = jnp.full((L,), 1.0, F32)
        negv = jnp.full((L,), -1.0, F32)

        def step(si, carry):
            def selA(j, mv):
                return jnp.maximum(mv, cconf2[pl.ds(j * L, L)])

            mv = lax.fori_loop(0, nch2, selA, negv)
            gsel = jnp.max(mv)

            def selB(j, st):
                j_v, found = st
                hit = plsc.all_reduce_population_count(
                    cconf2[pl.ds(j * L, L)] == gsel)
                newj = jnp.where((hit > 0) & (found == 0),
                                 jnp.broadcast_to(j, (L,)), j_v)
                return (newj, jnp.where(hit > 0, 1, found))

            j_v, _ = lax.fori_loop(0, nch2, selB,
                                   (jnp.zeros((L,), I32),
                                    jnp.zeros((L,), I32)))
            v_j = plsc.load_gather(cconf2, [j_v * L + iota])
            lane_v = plsc.all_reduce_ffs(v_j == gsel)
            bpos_v = j_v * L + lane_v
            plsc.store_scatter(cconf2, [bpos_v], negv, mask=iota == 0)
            px2 = plsc.load_gather(cpx22, [bpos_v])
            py2 = plsc.load_gather(cpy22, [bpos_v])
            p_area = plsc.load_gather(cpar2, [bpos_v])
            mious = []
            for k in range(M // L):
                gx1 = gtc[pl.ds(0 * M + k * L, L)]
                gy1 = gtc[pl.ds(1 * M + k * L, L)]
                area = gtc[pl.ds(2 * M + k * L, L)]
                mt = gtc[pl.ds(3 * M + k * L, L)]
                ov = jnp.abs(px2 - gx1) * jnp.abs(py2 - gy1)
                mina = jnp.minimum(area, p_area)
                ov = jnp.where(ov > mina, 0.0, ov)
                un = p_area + area - ov
                un = jnp.where(un == 0.0, 1e-12, un)
                iou = ov * _recip(un)
                passed = ((mt < 0.5) & (ov > IOU_THRESH * un) &
                          ((iota + k * L) < ngv_v))
                mious.append(jnp.where(passed, iou, NEG))
            mall = jnp.maximum(jnp.maximum(mious[0], mious[1]),
                               jnp.maximum(mious[2], mious[3]))
            gmax = jnp.max(mall)
            any_pass = gmax > 0.25
            found = jnp.zeros((L,), I32)
            rank_v = jnp.zeros((L,), I32)
            for k in range(M // L):
                hk = mious[k] == gmax
                lane_k = plsc.all_reduce_ffs(hk)
                has_k = (plsc.all_reduce_population_count(hk) > 0) & \
                        (found == 0)
                passed_c = mious[k] > 0.25
                cnt_here = plsc.all_reduce_population_count(
                    passed_c & (iota < lane_k))
                cnt_full = plsc.all_reduce_population_count(passed_c)
                rank_v = rank_v + jnp.where(found > 0, 0,
                                            jnp.where(has_k, cnt_here,
                                                      cnt_full))
                found = jnp.where(has_k, 1, found)
            plsc.store_scatter(gtc, [rank_v + 3 * M], one16,
                               mask=(iota == 0) & any_pass)
            return carry

        lax.fori_loop(0, n2, step, 0)

        tpa = jnp.zeros((L,), F32)
        for k in range(M // L):
            tpa = tpa + gtc[pl.ds(3 * M + k * L, L)]
        tp = jnp.broadcast_to(jnp.sum(tpa), (L,))
        g = ngv_v.astype(F32)
        npf = jnp.broadcast_to(n_p.astype(F32), (L,))
        has = n_p > 0
        prec = jnp.where(has, tp * _recip(jnp.maximum(npf, 1.0)), 0.0)
        rec = jnp.where(has, tp * _recip(jnp.maximum(g, 1.0)), 0.0)
        res_v[pl.ds(0, L)] = jnp.where(iota == b, prec, 0.0)
        pltpu.sync_copy(res_v, shared.at[pl.ds(b * L, L)])
        res_v[pl.ds(0, L)] = jnp.where(iota == b, rec, 0.0)
        pltpu.sync_copy(res_v, shared.at[pl.ds((B + b) * L, L)])

    plsc.subcore_barrier()

    @pl.when((c == 0) & (s == 0))
    def _reduce():
        pltpu.sync_copy(shared, redbuf)
        prec_vec = jnp.zeros((L,), F32)
        rec_vec = jnp.zeros((L,), F32)
        for i in range(B):
            prec_vec = prec_vec + redbuf[pl.ds(i * L, L)]
            rec_vec = rec_vec + redbuf[pl.ds((B + i) * L, L)]
        zero = jnp.zeros((L,), F32)
        ap1[pl.ds(0, L)] = zero
        ap1[pl.ds(L, L)] = zero
        ap2[pl.ds(0, L)] = zero
        ap2[pl.ds(L, L)] = zero
        plsc.store_scatter(ap1, [iota + 1], rec_vec, mask=iota < B)
        plsc.store_scatter(ap1, [jnp.full((L,), B + 1, I32)],
                           jnp.full((L,), 1.0, F32), mask=iota == 0)
        plsc.store_scatter(ap2, [iota + 1], prec_vec, mask=iota < B)
        mp = ap2[pl.ds(0, L)]
        mp = lax.rev(plsc.cummax(lax.rev(mp, (0,))), (0,))
        ap2[pl.ds(0, L)] = mp
        mrec = ap1[pl.ds(0, L)]
        mrec_n = plsc.load_gather(ap1, [iota + 1])
        mpre_n = plsc.load_gather(ap2, [iota + 1])
        terms = jnp.where(iota < B + 1, (mrec_n - mrec) * mpre_n, 0.0)
        apv = jnp.sum(terms)
        res_v[pl.ds(0, L)] = zero + apv
        pltpu.sync_copy(res_v, out_hbm)


def kernel(predicts, ground_truths, image_sizes):
    nb, n, _ = predicts.shape
    pT = jnp.transpose(predicts, (0, 2, 1)).astype(F32)
    pT = jnp.pad(pT, ((0, 0), (0, 0), (0, NPAD - n)), constant_values=-1.0)
    pred_arr = pT.reshape(nb, 6 * NPAD)
    gT = jnp.transpose(ground_truths, (0, 2, 1)).astype(F32)
    sz = jnp.pad(image_sizes.astype(F32), ((0, 0), (0, M - 2)))[:, None, :]
    gt_arr = jnp.concatenate([gT, sz], axis=1).reshape(nb, 6 * M)

    mesh = plsc.VectorSubcoreMesh(core_axis_name="c", subcore_axis_name="s")
    out = pl.kernel(
        _body,
        out_type=jax.ShapeDtypeStruct((L,), F32),
        mesh=mesh,
        compiler_params=pltpu.CompilerParams(needs_layout_passes=False),
        scratch_types=[
            pltpu.VMEM((6 * NPAD,), F32),
            pltpu.VMEM((6 * M,), F32),
            pltpu.VMEM((NPAD,), F32),
            pltpu.VMEM((NPAD,), F32),
            pltpu.VMEM((NPAD,), F32),
            pltpu.VMEM((NPAD,), F32),
            pltpu.VMEM((NPAD,), F32),
            pltpu.VMEM((NPAD,), F32),
            pltpu.VMEM((NPAD,), F32),
            pltpu.VMEM((NPAD,), F32),
            pltpu.VMEM((NPAD,), F32),
            pltpu.VMEM((4 * M,), F32),
            pltpu.VMEM((L,), F32),
            pltpu.VMEM((2 * B * L,), F32),
            pltpu.VMEM((2 * L,), F32),
            pltpu.VMEM((2 * L,), F32),
            pltpu.VMEM_SHARED((2 * B * L,), F32),
        ],
    )(pred_arr, gt_arr)
    return out[0]

# --- scband reference (transcript-rebuilt; emitter-appended) ---
"""Pipeline reference for scband-patch-evaluator-55035710931350 (READ-ONLY COPY).

The authoritative reference and input builder live on the scoring server;
editing this copy changes nothing except your own understanding.
"""

import jax, jax.numpy as jnp
import numpy as np

CLASS_ID = 0.0
CONF_THRESH = 0.7
IOU_THRESH = 0.5


def setup_inputs(seed: int = 0) -> dict:
    key = jax.random.key(seed)
    ks = jax.random.split(key, 10)
    B, N, M = 8, 1000, 64
    pcls = jax.random.randint(ks[0], (B, N), 0, 2).astype(jnp.float32)
    pconf = jax.random.uniform(ks[1], (B, N))
    px1 = jax.random.uniform(ks[2], (B, N)) * 400.0
    py1 = jax.random.uniform(ks[3], (B, N)) * 400.0
    pw = jax.random.uniform(ks[4], (B, N)) * 100.0 + 10.0
    ph = jax.random.uniform(ks[5], (B, N)) * 100.0 + 10.0
    predicts = jnp.stack([pcls, pconf, px1, py1, px1 + pw, py1 + ph], axis=-1)
    gcls = jax.random.randint(ks[6], (B, M), 0, 2).astype(jnp.float32)
    gxy = jax.random.uniform(ks[7], (B, M, 2)) * 0.8 + 0.1
    gwh = jax.random.uniform(ks[8], (B, M, 2)) * 0.15 + 0.02
    ground_truths = jnp.concatenate([gcls[..., None], gxy, gwh], axis=-1)
    image_sizes = jnp.full((B, 2), 512.0, dtype=jnp.float32)
    return {"predicts": predicts, "ground_truths": ground_truths, "image_sizes": image_sizes}


def _precision_recall(pred, gt, size):
    width = size[0]
    height = size[1]
    pcls = pred[:, 0]
    pconf = pred[:, 1]
    px1 = pred[:, 2]
    py1 = pred[:, 3]
    px2 = pred[:, 4]
    py2 = pred[:, 5]
    # p = p[p[:,0]==class_id]; p = p[p[:,1]>=0.7]  (fixed-shape via mask)
    pv = (pcls == CLASS_ID) & (pconf >= CONF_THRESH)
    n_p = jnp.sum(pv.astype(jnp.float32))
    # ground truth xywh -> xyxy scaled by image size (ground_truth_type='xywh')
    gcls = gt[:, 0]
    gx = gt[:, 1] * width
    gy = gt[:, 2] * height
    gw = gt[:, 3] * width
    gh = gt[:, 4] * height
    gx1 = gx - gw / 2.0
    gx2 = gx1 + gw
    gy1 = gy - gh / 2.0
    gy2 = gy1 + gh
    gv = (gcls == CLASS_ID)
    gt_areas = (gx2 - gx1) * (gy2 - gy1)
    M = gt.shape[0]
    csum_gv = jnp.cumsum(gv.astype(jnp.int32))
    ar = jnp.arange(M)
    # conf_sort_id = argsort(conf)[::-1] over the filtered set -> descending conf, invalid last
    order = jnp.argsort(jnp.where(pv, -pconf, jnp.inf))

    def body(matched, pi):
        valid = pv[pi]
        # gt_ = gt_[gt_[:,-1]==0] (unmatched subset, as mask)
        u = gv & (matched == 0.0)
        p_area = (px2[pi] - px1[pi]) * (py2[pi] - py1[pi])
        # faithful (buggy) overlap from the original code
        overlap = jnp.abs(px2[pi] - gx1) * jnp.abs(py2[pi] - gy1)
        min_area = jnp.minimum(gt_areas, p_area)
        overlap = jnp.where(overlap > min_area, 0.0, overlap)
        union = p_area + gt_areas - overlap
        union = jnp.where(union == 0.0, 1e-12, union)
        iou = overlap / union
        passed = u & (iou > IOU_THRESH)
        any_pass = jnp.any(passed) & valid
        # idx = argsort(iou[iou>threshold]); mark ground_truth[idx[-1]]
        # idx[-1] == rank (position) of the max iou within the passing subset
        am = jnp.argmax(jnp.where(passed, iou, -jnp.inf))
        rank = jnp.sum((passed & (ar < am)).astype(jnp.int32))
        # ground_truth[rank] in class-filtered space -> (rank+1)-th valid gt row
        t = jnp.argmax(csum_gv == (rank + 1))
        matched = jnp.where(any_pass, matched.at[t].set(1.0), matched)
        return matched, 0.0

    matched, _ = jax.lax.scan(body, jnp.zeros(M, jnp.float32), order)
    TP = jnp.sum(matched)
    G = jnp.sum(gv.astype(jnp.float32))
    precision = jnp.where(n_p > 0, TP / jnp.maximum(n_p, 1.0), 0.0)
    recall = jnp.where(n_p > 0, TP / jnp.maximum(G, 1.0), 0.0)
    return precision, recall


def _ap(predicts, ground_truths, image_sizes):
    prec, rec = jax.vmap(_precision_recall)(predicts, ground_truths, image_sizes)
    mrec = jnp.concatenate([jnp.zeros(1), rec, jnp.ones(1)])
    mpre = jnp.concatenate([jnp.zeros(1), prec, jnp.zeros(1)])
    # for i in range(size-1,0,-1): mpre[i-1]=max(mpre[i-1],mpre[i]) -> reversed cummax
    mpre = jnp.flip(jax.lax.cummax(jnp.flip(mpre), axis=0))
    diff = mrec[1:] != mrec[:-1]
    ap = jnp.sum(jnp.where(diff, (mrec[1:] - mrec[:-1]) * mpre[1:], 0.0))
    return ap


def reference(predicts, ground_truths, image_sizes):
    return _ap(predicts, ground_truths, image_sizes)

if __name__ == "__main__":
    import jax
    _d = setup_inputs()
    print(jax.jit(kernel)(*tuple(_d.values())))

</pallas_src>

<mosaic_0001>
#map = affine_map<(d0, d1) -> (0, 0)>
#map1 = affine_map<(d0, d1) -> (0)>
module attributes {stable_mosaic.version = 14 : i64} {
  func.func @_body(%arg0: i32, %arg1: i32, %arg2: memref<8x6144xf32, #tpu.memory_space<hbm>>, %arg3: memref<8x384xf32, #tpu.memory_space<hbm>>, %arg4: memref<16xf32, #tpu.memory_space<hbm>>, %arg5: memref<6144xf32, #tpu.memory_space<vmem>>, %arg6: memref<384xf32, #tpu.memory_space<vmem>>, %arg7: memref<1024xf32, #tpu.memory_space<vmem>>, %arg8: memref<1024xf32, #tpu.memory_space<vmem>>, %arg9: memref<1024xf32, #tpu.memory_space<vmem>>, %arg10: memref<1024xf32, #tpu.memory_space<vmem>>, %arg11: memref<1024xf32, #tpu.memory_space<vmem>>, %arg12: memref<1024xf32, #tpu.memory_space<vmem>>, %arg13: memref<1024xf32, #tpu.memory_space<vmem>>, %arg14: memref<1024xf32, #tpu.memory_space<vmem>>, %arg15: memref<1024xf32, #tpu.memory_space<vmem>>, %arg16: memref<256xf32, #tpu.memory_space<vmem>>, %arg17: memref<16xf32, #tpu.memory_space<vmem>>, %arg18: memref<256xf32, #tpu.memory_space<vmem>>, %arg19: memref<32xf32, #tpu.memory_space<vmem>>, %arg20: memref<32xf32, #tpu.memory_space<vmem>>, %arg21: memref<256xf32, #tpu.memory_space<vmem_shared>>) attributes {dimension_semantics = [#tpu.dimension_semantics<core_parallel>, #tpu.dimension_semantics<subcore_parallel>], iteration_bounds = array<i64: 2, 16>, scalar_prefetch = 0 : i64, scratch_operands = 17 : i64, tpu.core_type = #tpu.core_type<sc_vector_subcore>, window_params = [{transform_indices = #map}, {transform_indices = #map}, {transform_indices = #map1}]} {
    %iota3A = tpu.iota {dimensions = array<i32: 0>} : vector<16xi32>
    %eq3A = arith.constant 0 : i32
    %eq3A_0 = arith.cmpi eq, %arg0, %eq3A : i32
    %lt3A = arith.constant 8 : i32
    %lt3A_1 = arith.cmpi slt, %arg1, %lt3A : i32
    %and3A = arith.andi %eq3A_0, %lt3A_1 : i1
    %convert_element_type3A = arith.extui %and3A : i1 to i32
    %cond3A = arith.constant 0 : i32
    %cond3A_2 = arith.cmpi ne, %convert_element_type3A, %cond3A : i32
    scf.if %cond3A_2 {
      "tpu.region"() ({
        %run_scoped3A = tpu.sem_alloc : memref<!tpu.dma_semaphore, #tpu.memory_space<semaphore_mem>>
        %dma_start3A = arith.constant 0 : i32
        %dma_start3A_425 = tpu.memref_slice %arg2[%arg1, %dma_start3A] : memref<8x6144xf32, #tpu.memory_space<hbm>> -> memref<1x6144xf32, #tpu.memory_space<hbm>>
        %dma_start3A_426 = tpu.memref_squeeze %dma_start3A_425 : memref<1x6144xf32, #tpu.memory_space<hbm>> -> memref<6144xf32, #tpu.memory_space<hbm>>
        %dma_start3A_427 = arith.constant 0 : i32
        %dma_start3A_428 = tpu.memref_slice %arg2[%arg1, %dma_start3A_427] : memref<8x6144xf32, #tpu.memory_space<hbm>> -> memref<1x6144xf32, #tpu.memory_space<hbm>>
        %dma_start3A_429 = tpu.memref_squeeze %dma_start3A_428 : memref<1x6144xf32, #tpu.memory_space<hbm>> -> memref<6144xf32, #tpu.memory_space<hbm>>
        tpu.enqueue_dma source(%dma_start3A_429 : memref<6144xf32, #tpu.memory_space<hbm>>) target(%arg5 : memref<6144xf32, #tpu.memory_space<vmem>>) target_semaphore(%run_scoped3A : memref<!tpu.dma_semaphore, #tpu.memory_space<semaphore_mem>>)
        %dma_wait3A = arith.constant 0 : i32
        %dma_wait3A_430 = tpu.memref_slice %arg2[%arg1, %dma_wait3A] : memref<8x6144xf32, #tpu.memory_space<hbm>> -> memref<1x6144xf32, #tpu.memory_space<hbm>>
        %dma_wait3A_431 = tpu.memref_squeeze %dma_wait3A_430 : memref<1x6144xf32, #tpu.memory_space<hbm>> -> memref<6144xf32, #tpu.memory_space<hbm>>
        %dma_wait3A_432 = arith.constant 0 : i32
        %dma_wait3A_433 = tpu.memref_slice %arg2[%arg1, %dma_wait3A_432] : memref<8x6144xf32, #tpu.memory_space<hbm>> -> memref<1x6144xf32, #tpu.memory_space<hbm>>
        %dma_wait3A_434 = tpu.memref_squeeze %dma_wait3A_433 : memref<1x6144xf32, #tpu.memory_space<hbm>> -> memref<6144xf32, #tpu.memory_space<hbm>>
        tpu.wait_dma2 semaphore(%run_scoped3A : memref<!tpu.dma_semaphore, #tpu.memory_space<semaphore_mem>>) src(%dma_wait3A_434 : memref<6144xf32, #tpu.memory_space<hbm>>) dst(%arg5 : memref<6144xf32, #tpu.memory_space<vmem>>)
        tpu.yield
      }) : () -> ()
      "tpu.region"() ({
        %run_scoped3A = tpu.sem_alloc : memref<!tpu.dma_semaphore, #tpu.memory_space<semaphore_mem>>
        %dma_start3A = arith.constant 0 : i32
        %dma_start3A_425 = tpu.memref_slice %arg3[%arg1, %dma_start3A] : memref<8x384xf32, #tpu.memory_space<hbm>> -> memref<1x384xf32, #tpu.memory_space<hbm>>
        %dma_start3A_426 = tpu.memref_squeeze %dma_start3A_425 : memref<1x384xf32, #tpu.memory_space<hbm>> -> memref<384xf32, #tpu.memory_space<hbm>>
        %dma_start3A_427 = arith.constant 0 : i32
        %dma_start3A_428 = tpu.memref_slice %arg3[%arg1, %dma_start3A_427] : memref<8x384xf32, #tpu.memory_space<hbm>> -> memref<1x384xf32, #tpu.memory_space<hbm>>
        %dma_start3A_429 = tpu.memref_squeeze %dma_start3A_428 : memref<1x384xf32, #tpu.memory_space<hbm>> -> memref<384xf32, #tpu.memory_space<hbm>>
        tpu.enqueue_dma source(%dma_start3A_429 : memref<384xf32, #tpu.memory_space<hbm>>) target(%arg6 : memref<384xf32, #tpu.memory_space<vmem>>) target_semaphore(%run_scoped3A : memref<!tpu.dma_semaphore, #tpu.memory_space<semaphore_mem>>)
        %dma_wait3A = arith.constant 0 : i32
        %dma_wait3A_430 = tpu.memref_slice %arg3[%arg1, %dma_wait3A] : memref<8x384xf32, #tpu.memory_space<hbm>> -> memref<1x384xf32, #tpu.memory_space<hbm>>
        %dma_wait3A_431 = tpu.memref_squeeze %dma_wait3A_430 : memref<1x384xf32, #tpu.memory_space<hbm>> -> memref<384xf32, #tpu.memory_space<hbm>>
        %dma_wait3A_432 = arith.constant 0 : i32
        %dma_wait3A_433 = tpu.memref_slice %arg3[%arg1, %dma_wait3A_432] : memref<8x384xf32, #tpu.memory_space<hbm>> -> memref<1x384xf32, #tpu.memory_space<hbm>>
        %dma_wait3A_434 = tpu.memref_squeeze %dma_wait3A_433 : memref<1x384xf32, #tpu.memory_space<hbm>> -> memref<384xf32, #tpu.memory_space<hbm>>
        tpu.wait_dma2 semaphore(%run_scoped3A : memref<!tpu.dma_semaphore, #tpu.memory_space<semaphore_mem>>) src(%dma_wait3A_434 : memref<384xf32, #tpu.memory_space<hbm>>) dst(%arg6 : memref<384xf32, #tpu.memory_space<vmem>>)
        tpu.yield
      }) : () -> ()
      %broadcast_in_dim3A = arith.constant 320 : i32
      %broadcast_in_dim3A_11 = vector.broadcast %broadcast_in_dim3A : i32 to vector<16xi32>
      %gather3A = tpu.vector_load_idx %arg6[%broadcast_in_dim3A_11] : memref<384xf32, #tpu.memory_space<vmem>>[vector<16xi32>], vector<16xf32>,
      %broadcast_in_dim3A_12 = arith.constant 321 : i32
      %broadcast_in_dim3A_13 = vector.broadcast %broadcast_in_dim3A_12 : i32 to vector<16xi32>
      %gather3A_14 = tpu.vector_load_idx %arg6[%broadcast_in_dim3A_13] : memref<384xf32, #tpu.memory_space<vmem>>[vector<16xi32>], vector<16xf32>,
      %broadcast_in_dim3A_15 = arith.constant 0.000000e+00 : f32
      %broadcast_in_dim3A_16 = vector.broadcast %broadcast_in_dim3A_15 : f32 to vector<16xf32>
      %swap3A = arith.constant 192 : index
      %swap3A_17 = tpu.vector_load %arg16[%swap3A] {strides = array<i32>} : memref<256xf32, #tpu.memory_space<vmem>>, vector<16xf32>,
      tpu.vector_store %arg16[%swap3A], %broadcast_in_dim3A_16 {strides = array<i32>} : memref<256xf32, #tpu.memory_space<vmem>>, vector<16xf32>,
      %swap3A_18 = arith.constant 208 : index
      %swap3A_19 = tpu.vector_load %arg16[%swap3A_18] {strides = array<i32>} : memref<256xf32, #tpu.memory_space<vmem>>, vector<16xf32>,
      tpu.vector_store %arg16[%swap3A_18], %broadcast_in_dim3A_16 {strides = array<i32>} : memref<256xf32, #tpu.memory_space<vmem>>, vector<16xf32>,
      %swap3A_20 = arith.constant 224 : index
      %swap3A_21 = tpu.vector_load %arg16[%swap3A_20] {strides = array<i32>} : memref<256xf32, #tpu.memory_space<vmem>>, vector<16xf32>,
      tpu.vector_store %arg16[%swap3A_20], %broadcast_in_dim3A_16 {strides = array<i32>} : memref<256xf32, #tpu.memory_space<vmem>>, vector<16xf32>,
      %swap3A_22 = arith.constant 240 : index
      %swap3A_23 = tpu.vector_load %arg16[%swap3A_22] {strides = array<i32>} : memref<256xf32, #tpu.memory_space<vmem>>, vector<16xf32>,
      tpu.vector_store %arg16[%swap3A_22], %broadcast_in_dim3A_16 {strides = array<i32>} : memref<256xf32, #tpu.memory_space<vmem>>, vector<16xf32>,
      %broadcast_in_dim3A_24 = arith.constant 0 : i32
      %broadcast_in_dim3A_25 = vector.broadcast %broadcast_in_dim3A_24 : i32 to vector<16xi32>
      %get3A = arith.constant 0 : index
      %get3A_26 = tpu.vector_load %arg6[%get3A] {strides = array<i32>} : memref<384xf32, #tpu.memory_space<vmem>>, vector<16xf32>,
      %get3A_27 = arith.constant 64 : index
      %get3A_28 = tpu.vector_load %arg6[%get3A_27] {strides = array<i32>} : memref<384xf32, #tpu.memory_space<vmem>>, vector<16xf32>,
      %mul3A = arith.mulf %get3A_28, %gather3A : vector<16xf32>
      %get3A_29 = arith.constant 128 : index
      %get3A_30 = tpu.vector_load %arg6[%get3A_29] {strides = array<i32>} : memref<384xf32, #tpu.memory_space<vmem>>, vector<16xf32>,
      %mul3A_31 = arith.mulf %get3A_30, %gather3A_14 : vector<16xf32>
      %get3A_32 = arith.constant 192 : index
      %get3A_33 = tpu.vector_load %arg6[%get3A_32] {strides = array<i32>} : memref<384xf32, #tpu.memory_space<vmem>>, vector<16xf32>,
      %mul3A_34 = arith.mulf %get3A_33, %gather3A : vector<16xf32>
      %get3A_35 = arith.constant 256 : index
      %get3A_36 = tpu.vector_load %arg6[%get3A_35] {strides = array<i32>} : memref<384xf32, #tpu.memory_space<vmem>>, vector<16xf32>,
      %mul3A_37 = arith.mulf %get3A_36, %gather3A_14 : vector<16xf32>
      %mul3A_38 = arith.constant 5.000000e-01 : f32
      %mul3A_39 = vector.broadcast %mul3A_38 : f32 to vector<16xf32>
      %mul3A_40 = arith.mulf %mul3A_34, %mul3A_39 : vector<16xf32>
      %sub3A = arith.subf %mul3A, %mul3A_40 : vector<16xf32>
      %mul3A_41 = arith.constant 5.000000e-01 : f32
      %mul3A_42 = vector.broadcast %mul3A_41 : f32 to vector<16xf32>
      %mul3A_43 = arith.mulf %mul3A_37, %mul3A_42 : vector<16xf32>
      %sub3A_44 = arith.subf %mul3A_31, %mul3A_43 : vector<16xf32>
      %add3A = arith.addf %sub3A, %mul3A_34 : vector<16xf32>
      %add3A_45 = arith.addf %sub3A_44, %mul3A_37 : vector<16xf32>
      %sub3A_46 = arith.subf %add3A, %sub3A : vector<16xf32>
      %sub3A_47 = arith.subf %add3A_45, %sub3A_44 : vector<16xf32>
      %mul3A_48 = arith.mulf %sub3A_46, %sub3A_47 : vector<16xf32>
      %eq3A_49 = arith.constant 0.000000e+00 : f32
      %eq3A_50 = vector.broadcast %eq3A_49 : f32 to vector<16xf32>
      %eq3A_51 = arith.cmpf oeq, %get3A_26, %eq3A_50 : vector<16xf32>
      %jit3A = arith.constant 1 : i32
      %jit3A_52 = arith.constant 0 : i32
      %broadcast_in_dim3A_53 = vector.broadcast %jit3A : i32 to vector<16xi32>
      %broadcast_in_dim3A_54 = vector.broadcast %jit3A_52 : i32 to vector<16xi32>
      %select_n3A = arith.select %eq3A_51, %broadcast_in_dim3A_53, %broadcast_in_dim3A_54 : vector<16xi1>, vector<16xi32>
      %broadcast_in_dim3A_55 = arith.constant true
      %broadcast_in_dim3A_56 = vector.broadcast %broadcast_in_dim3A_55 : i1 to vector<16xi1>
      %masked_cumsum3A = tpu.scan <sum>, %select_n3A masked %broadcast_in_dim3A_56 : vector<16xi32>, vector<16xi1> -> vector<16xi32>
      %add3A_57 = arith.addi %masked_cumsum3A, %broadcast_in_dim3A_25 : vector<16xi32>
      %reduce_max3A = arith.constant true
      %reduce_max3A_58 = vector.broadcast %reduce_max3A : i1 to vector<16xi1>
      %reduce_max3A_59 = arith.constant -2147483648 : i32
      %reduce_max3A_60 = vector.broadcast %reduce_max3A_59 : i32 to vector<16xi32>
      %reduce_max3A_61 = arith.xori %add3A_57, %reduce_max3A_60 : vector<16xi32>
      %reduce_max3A_62 = tpu.scan <max>, %reduce_max3A_61 masked %reduce_max3A_58 : vector<16xi32>, vector<16xi1> -> vector<16xi32>
      %reduce_max3A_63 = arith.xori %reduce_max3A_62, %reduce_max3A_60 : vector<16xi32>
      %reduce_max3A_64 = vector.extract %reduce_max3A_63[15] : i32 from vector<16xi32>
      %broadcast_in_dim3A_65 = vector.broadcast %reduce_max3A_64 : i32 to vector<16xi32>
      %sub3A_66 = arith.constant 1 : i32
      %sub3A_67 = vector.broadcast %sub3A_66 : i32 to vector<16xi32>
      %sub3A_68 = arith.subi %add3A_57, %sub3A_67 : vector<16xi32>
      tpu.vector_store_idx %arg16[%sub3A_68], %sub3A masked %eq3A_51 : memref<256xf32, #tpu.memory_space<vmem>>[vector<16xi32>], vector<16xf32>, vector<16xi1>
      %add3A_69 = arith.constant 64 : i32
      %add3A_70 = vector.broadcast %add3A_69 : i32 to vector<16xi32>
      %add3A_71 = arith.addi %sub3A_68, %add3A_70 : vector<16xi32>
      tpu.vector_store_idx %arg16[%add3A_71], %sub3A_44 masked %eq3A_51 : memref<256xf32, #tpu.memory_space<vmem>>[vector<16xi32>], vector<16xf32>, vector<16xi1>
      %add3A_72 = arith.constant 128 : i32
      %add3A_73 = vector.broadcast %add3A_72 : i32 to vector<16xi32>
      %add3A_74 = arith.addi %sub3A_68, %add3A_73 : vector<16xi32>
      tpu.vector_store_idx %arg16[%add3A_74], %mul3A_48 masked %eq3A_51 : memref<256xf32, #tpu.memory_space<vmem>>[vector<16xi32>], vector<16xf32>, vector<16xi1>
      %get3A_75 = arith.constant 16 : index
      %get3A_76 = tpu.vector_load %arg6[%get3A_75] {strides = array<i32>} : memref<384xf32, #tpu.memory_space<vmem>>, vector<16xf32>,
      %get3A_77 = arith.constant 80 : index
      %get3A_78 = tpu.vector_load %arg6[%get3A_77] {strides = array<i32>} : memref<384xf32, #tpu.memory_space<vmem>>, vector<16xf32>,
      %mul3A_79 = arith.mulf %get3A_78, %gather3A : vector<16xf32>
      %get3A_80 = arith.constant 144 : index
      %get3A_81 = tpu.vector_load %arg6[%get3A_80] {strides = array<i32>} : memref<384xf32, #tpu.memory_space<vmem>>, vector<16xf32>,
      %mul3A_82 = arith.mulf %get3A_81, %gather3A_14 : vector<16xf32>
      %get3A_83 = arith.constant 208 : index
      %get3A_84 = tpu.vector_load %arg6[%get3A_83] {strides = array<i32>} : memref<384xf32, #tpu.memory_space<vmem>>, vector<16xf32>,
      %mul3A_85 = arith.mulf %get3A_84, %gather3A : vector<16xf32>
      %get3A_86 = arith.constant 272 : index
      %get3A_87 = tpu.vector_load %arg6[%get3A_86] {strides = array<i32>} : memref<384xf32, #tpu.memory_space<vmem>>, vector<16xf32>,
      %mul3A_88 = arith.mulf %get3A_87, %gather3A_14 : vector<16xf32>
      %mul3A_89 = arith.constant 5.000000e-01 : f32
      %mul3A_90 = vector.broadcast %mul3A_89 : f32 to vector<16xf32>
      %mul3A_91 = arith.mulf %mul3A_85, %mul3A_90 : vector<16xf32>
      %sub3A_92 = arith.subf %mul3A_79, %mul3A_91 : vector<16xf32>
      %mul3A_93 = arith.constant 5.000000e-01 : f32
      %mul3A_94 = vector.broadcast %mul3A_93 : f32 to vector<16xf32>
      %mul3A_95 = arith.mulf %mul3A_88, %mul3A_94 : vector<16xf32>
      %sub3A_96 = arith.subf %mul3A_82, %mul3A_95 : vector<16xf32>
      %add3A_97 = arith.addf %sub3A_92, %mul3A_85 : vector<16xf32>
      %add3A_98 = arith.addf %sub3A_96, %mul3A_88 : vector<16xf32>
      %sub3A_99 = arith.subf %add3A_97, %sub3A_92 : vector<16xf32>
      %sub3A_100 = arith.subf %add3A_98, %sub3A_96 : vector<16xf32>
      %mul3A_101 = arith.mulf %sub3A_99, %sub3A_100 : vector<16xf32>
      %eq3A_102 = arith.constant 0.000000e+00 : f32
      %eq3A_103 = vector.broadcast %eq3A_102 : f32 to vector<16xf32>
      %eq3A_104 = arith.cmpf oeq, %get3A_76, %eq3A_103 : vector<16xf32>
      %jit3A_105 = arith.constant 1 : i32
      %jit3A_106 = arith.constant 0 : i32
      %broadcast_in_dim3A_107 = vector.broadcast %jit3A_105 : i32 to vector<16xi32>
      %broadcast_in_dim3A_108 = vector.broadcast %jit3A_106 : i32 to vector<16xi32>
      %select_n3A_109 = arith.select %eq3A_104, %broadcast_in_dim3A_107, %broadcast_in_dim3A_108 : vector<16xi1>, vector<16xi32>
      %broadcast_in_dim3A_110 = arith.constant true
      %broadcast_in_dim3A_111 = vector.broadcast %broadcast_in_dim3A_110 : i1 to vector<16xi1>
      %masked_cumsum3A_112 = tpu.scan <sum>, %select_n3A_109 masked %broadcast_in_dim3A_111 : vector<16xi32>, vector<16xi1> -> vector<16xi32>
      %add3A_113 = arith.addi %masked_cumsum3A_112, %broadcast_in_dim3A_65 : vector<16xi32>
      %reduce_max3A_114 = arith.constant true
      %reduce_max3A_115 = vector.broadcast %reduce_max3A_114 : i1 to vector<16xi1>
      %reduce_max3A_116 = arith.constant -2147483648 : i32
      %reduce_max3A_117 = vector.broadcast %reduce_max3A_116 : i32 to vector<16xi32>
      %reduce_max3A_118 = arith.xori %add3A_113, %reduce_max3A_117 : vector<16xi32>
      %reduce_max3A_119 = tpu.scan <max>, %reduce_max3A_118 masked %reduce_max3A_115 : vector<16xi32>, vector<16xi1> -> vector<16xi32>
      %reduce_max3A_120 = arith.xori %reduce_max3A_119, %reduce_max3A_117 : vector<16xi32>
      %reduce_max3A_121 = vector.extract %reduce_max3A_120[15] : i32 from vector<16xi32>
      %broadcast_in_dim3A_122 = vector.broadcast %reduce_max3A_121 : i32 to vector<16xi32>
      %sub3A_123 = arith.constant 1 : i32
      %sub3A_124 = vector.broadcast %sub3A_123 : i32 to vector<16xi32>
      %sub3A_125 = arith.subi %add3A_113, %sub3A_124 : vector<16xi32>
      tpu.vector_store_idx %arg16[%sub3A_125], %sub3A_92 masked %eq3A_104 : memref<256xf32, #tpu.memory_space<vmem>>[vector<16xi32>], vector<16xf32>, vector<16xi1>
      %add3A_126 = arith.constant 64 : i32
      %add3A_127 = vector.broadcast %add3A_126 : i32 to vector<16xi32>
      %add3A_128 = arith.addi %sub3A_125, %add3A_127 : vector<16xi32>
      tpu.vector_store_idx %arg16[%add3A_128], %sub3A_96 masked %eq3A_104 : memref<256xf32, #tpu.memory_space<vmem>>[vector<16xi32>], vector<16xf32>, vector<16xi1>
      %add3A_129 = arith.constant 128 : i32
      %add3A_130 = vector.broadcast %add3A_129 : i32 to vector<16xi32>
      %add3A_131 = arith.addi %sub3A_125, %add3A_130 : vector<16xi32>
      tpu.vector_store_idx %arg16[%add3A_131], %mul3A_101 masked %eq3A_104 : memref<256xf32, #tpu.memory_space<vmem>>[vector<16xi32>], vector<16xf32>, vector<16xi1>
      %get3A_132 = arith.constant 32 : index
      %get3A_133 = tpu.vector_load %arg6[%get3A_132] {strides = array<i32>} : memref<384xf32, #tpu.memory_space<vmem>>, vector<16xf32>,
      %get3A_134 = arith.constant 96 : index
      %get3A_135 = tpu.vector_load %arg6[%get3A_134] {strides = array<i32>} : memref<384xf32, #tpu.memory_space<vmem>>, vector<16xf32>,
      %mul3A_136 = arith.mulf %get3A_135, %gather3A : vector<16xf32>
      %get3A_137 = arith.constant 160 : index
      %get3A_138 = tpu.vector_load %arg6[%get3A_137] {strides = array<i32>} : memref<384xf32, #tpu.memory_space<vmem>>, vector<16xf32>,
      %mul3A_139 = arith.mulf %get3A_138, %gather3A_14 : vector<16xf32>
      %get3A_140 = arith.constant 224 : index
      %get3A_141 = tpu.vector_load %arg6[%get3A_140] {strides = array<i32>} : memref<384xf32, #tpu.memory_space<vmem>>, vector<16xf32>,
      %mul3A_142 = arith.mulf %get3A_141, %gather3A : vector<16xf32>
      %get3A_143 = arith.constant 288 : index
      %get3A_144 = tpu.vector_load %arg6[%get3A_143] {strides = array<i32>} : memref<384xf32, #tpu.memory_space<vmem>>, vector<16xf32>,
      %mul3A_145 = arith.mulf %get3A_144, %gather3A_14 : vector<16xf32>
      %mul3A_146 = arith.constant 5.000000e-01 : f32
      %mul3A_147 = vector.broadcast %mul3A_146 : f32 to vector<16xf32>
      %mul3A_148 = arith.mulf %mul3A_142, %mul3A_147 : vector<16xf32>
      %sub3A_149 = arith.subf %mul3A_136, %mul3A_148 : vector<16xf32>
      %mul3A_150 = arith.constant 5.000000e-01 : f32
      %mul3A_151 = vector.broadcast %mul3A_150 : f32 to vector<16xf32>
      %mul3A_152 = arith.mulf %mul3A_145, %mul3A_151 : vector<16xf32>
      %sub3A_153 = arith.subf %mul3A_139, %mul3A_152 : vector<16xf32>
      %add3A_154 = arith.addf %sub3A_149, %mul3A_142 : vector<16xf32>
      %add3A_155 = arith.addf %sub3A_153, %mul3A_145 : vector<16xf32>
      %sub3A_156 = arith.subf %add3A_154, %sub3A_149 : vector<16xf32>
      %sub3A_157 = arith.subf %add3A_155, %sub3A_153 : vector<16xf32>
      %mul3A_158 = arith.mulf %sub3A_156, %sub3A_157 : vector<16xf32>
      %eq3A_159 = arith.constant 0.000000e+00 : f32
      %eq3A_160 = vector.broadcast %eq3A_159 : f32 to vector<16xf32>
      %eq3A_161 = arith.cmpf oeq, %get3A_133, %eq3A_160 : vector<16xf32>
      %jit3A_162 = arith.constant 1 : i32
      %jit3A_163 = arith.constant 0 : i32
      %broadcast_in_dim3A_164 = vector.broadcast %jit3A_162 : i32 to vector<16xi32>
      %broadcast_in_dim3A_165 = vector.broadcast %jit3A_163 : i32 to vector<16xi32>
      %select_n3A_166 = arith.select %eq3A_161, %broadcast_in_dim3A_164, %broadcast_in_dim3A_165 : vector<16xi1>, vector<16xi32>
      %broadcast_in_dim3A_167 = arith.constant true
      %broadcast_in_dim3A_168 = vector.broadcast %broadcast_in_dim3A_167 : i1 to vector<16xi1>
      %masked_cumsum3A_169 = tpu.scan <sum>, %select_n3A_166 masked %broadcast_in_dim3A_168 : vector<16xi32>, vector<16xi1> -> vector<16xi32>
      %add3A_170 = arith.addi %masked_cumsum3A_169, %broadcast_in_dim3A_122 : vector<16xi32>
      %reduce_max3A_171 = arith.constant true
      %reduce_max3A_172 = vector.broadcast %reduce_max3A_171 : i1 to vector<16xi1>
      %reduce_max3A_173 = arith.constant -2147483648 : i32
      %reduce_max3A_174 = vector.broadcast %reduce_max3A_173 : i32 to vector<16xi32>
      %reduce_max3A_175 = arith.xori %add3A_170, %reduce_max3A_174 : vector<16xi32>
      %reduce_max3A_176 = tpu.scan <max>, %reduce_max3A_175 masked %reduce_max3A_172 : vector<16xi32>, vector<16xi1> -> vector<16xi32>
      %reduce_max3A_177 = arith.xori %reduce_max3A_176, %reduce_max3A_174 : vector<16xi32>
      %reduce_max3A_178 = vector.extract %reduce_max3A_177[15] : i32 from vector<16xi32>
      %broadcast_in_dim3A_179 = vector.broadcast %reduce_max3A_178 : i32 to vector<16xi32>
      %sub3A_180 = arith.constant 1 : i32
      %sub3A_181 = vector.broadcast %sub3A_180 : i32 to vector<16xi32>
      %sub3A_182 = arith.subi %add3A_170, %sub3A_181 : vector<16xi32>
      tpu.vector_store_idx %arg16[%sub3A_182], %sub3A_149 masked %eq3A_161 : memref<256xf32, #tpu.memory_space<vmem>>[vector<16xi32>], vector<16xf32>, vector<16xi1>
      %add3A_183 = arith.constant 64 : i32
      %add3A_184 = vector.broadcast %add3A_183 : i32 to vector<16xi32>
      %add3A_185 = arith.addi %sub3A_182, %add3A_184 : vector<16xi32>
      tpu.vector_store_idx %arg16[%add3A_185], %sub3A_153 masked %eq3A_161 : memref<256xf32, #tpu.memory_space<vmem>>[vector<16xi32>], vector<16xf32>, vector<16xi1>
      %add3A_186 = arith.constant 128 : i32
      %add3A_187 = vector.broadcast %add3A_186 : i32 to vector<16xi32>
      %add3A_188 = arith.addi %sub3A_182, %add3A_187 : vector<16xi32>
      tpu.vector_store_idx %arg16[%add3A_188], %mul3A_158 masked %eq3A_161 : memref<256xf32, #tpu.memory_space<vmem>>[vector<16xi32>], vector<16xf32>, vector<16xi1>
      %get3A_189 = arith.constant 48 : index
      %get3A_190 = tpu.vector_load %arg6[%get3A_189] {strides = array<i32>} : memref<384xf32, #tpu.memory_space<vmem>>, vector<16xf32>,
      %get3A_191 = arith.constant 112 : index
      %get3A_192 = tpu.vector_load %arg6[%get3A_191] {strides = array<i32>} : memref<384xf32, #tpu.memory_space<vmem>>, vector<16xf32>,
      %mul3A_193 = arith.mulf %get3A_192, %gather3A : vector<16xf32>
      %get3A_194 = arith.constant 176 : index
      %get3A_195 = tpu.vector_load %arg6[%get3A_194] {strides = array<i32>} : memref<384xf32, #tpu.memory_space<vmem>>, vector<16xf32>,
      %mul3A_196 = arith.mulf %get3A_195, %gather3A_14 : vector<16xf32>
      %get3A_197 = arith.constant 240 : index
      %get3A_198 = tpu.vector_load %arg6[%get3A_197] {strides = array<i32>} : memref<384xf32, #tpu.memory_space<vmem>>, vector<16xf32>,
      %mul3A_199 = arith.mulf %get3A_198, %gather3A : vector<16xf32>
      %get3A_200 = arith.constant 304 : index
      %get3A_201 = tpu.vector_load %arg6[%get3A_200] {strides = array<i32>} : memref<384xf32, #tpu.memory_space<vmem>>, vector<16xf32>,
      %mul3A_202 = arith.mulf %get3A_201, %gather3A_14 : vector<16xf32>
      %mul3A_203 = arith.constant 5.000000e-01 : f32
      %mul3A_204 = vector.broadcast %mul3A_203 : f32 to vector<16xf32>
      %mul3A_205 = arith.mulf %mul3A_199, %mul3A_204 : vector<16xf32>
      %sub3A_206 = arith.subf %mul3A_193, %mul3A_205 : vector<16xf32>
      %mul3A_207 = arith.constant 5.000000e-01 : f32
      %mul3A_208 = vector.broadcast %mul3A_207 : f32 to vector<16xf32>
      %mul3A_209 = arith.mulf %mul3A_202, %mul3A_208 : vector<16xf32>
      %sub3A_210 = arith.subf %mul3A_196, %mul3A_209 : vector<16xf32>
      %add3A_211 = arith.addf %sub3A_206, %mul3A_199 : vector<16xf32>
      %add3A_212 = arith.addf %sub3A_210, %mul3A_202 : vector<16xf32>
      %sub3A_213 = arith.subf %add3A_211, %sub3A_206 : vector<16xf32>
      %sub3A_214 = arith.subf %add3A_212, %sub3A_210 : vector<16xf32>
      %mul3A_215 = arith.mulf %sub3A_213, %sub3A_214 : vector<16xf32>
      %eq3A_216 = arith.constant 0.000000e+00 : f32
      %eq3A_217 = vector.broadcast %eq3A_216 : f32 to vector<16xf32>
      %eq3A_218 = arith.cmpf oeq, %get3A_190, %eq3A_217 : vector<16xf32>
      %jit3A_219 = arith.constant 1 : i32
      %jit3A_220 = arith.constant 0 : i32
      %broadcast_in_dim3A_221 = vector.broadcast %jit3A_219 : i32 to vector<16xi32>
      %broadcast_in_dim3A_222 = vector.broadcast %jit3A_220 : i32 to vector<16xi32>
      %select_n3A_223 = arith.select %eq3A_218, %broadcast_in_dim3A_221, %broadcast_in_dim3A_222 : vector<16xi1>, vector<16xi32>
      %broadcast_in_dim3A_224 = arith.constant true
      %broadcast_in_dim3A_225 = vector.broadcast %broadcast_in_dim3A_224 : i1 to vector<16xi1>
      %masked_cumsum3A_226 = tpu.scan <sum>, %select_n3A_223 masked %broadcast_in_dim3A_225 : vector<16xi32>, vector<16xi1> -> vector<16xi32>
      %add3A_227 = arith.addi %masked_cumsum3A_226, %broadcast_in_dim3A_179 : vector<16xi32>
      %reduce_max3A_228 = arith.constant true
      %reduce_max3A_229 = vector.broadcast %reduce_max3A_228 : i1 to vector<16xi1>
      %reduce_max3A_230 = arith.constant -2147483648 : i32
      %reduce_max3A_231 = vector.broadcast %reduce_max3A_230 : i32 to vector<16xi32>
      %reduce_max3A_232 = arith.xori %add3A_227, %reduce_max3A_231 : vector<16xi32>
      %reduce_max3A_233 = tpu.scan <max>, %reduce_max3A_232 masked %reduce_max3A_229 : vector<16xi32>, vector<16xi1> -> vector<16xi32>
      %reduce_max3A_234 = arith.xori %reduce_max3A_233, %reduce_max3A_231 : vector<16xi32>
      %reduce_max3A_235 = vector.extract %reduce_max3A_234[15] : i32 from vector<16xi32>
      %broadcast_in_dim3A_236 = vector.broadcast %reduce_max3A_235 : i32 to vector<16xi32>
      %sub3A_237 = arith.constant 1 : i32
      %sub3A_238 = vector.broadcast %sub3A_237 : i32 to vector<16xi32>
      %sub3A_239 = arith.subi %add3A_227, %sub3A_238 : vector<16xi32>
      tpu.vector_store_idx %arg16[%sub3A_239], %sub3A_206 masked %eq3A_218 : memref<256xf32, #tpu.memory_space<vmem>>[vector<16xi32>], vector<16xf32>, vector<16xi1>
      %add3A_240 = arith.constant 64 : i32
      %add3A_241 = vector.broadcast %add3A_240 : i32 to vector<16xi32>
      %add3A_242 = arith.addi %sub3A_239, %add3A_241 : vector<16xi32>
      tpu.vector_store_idx %arg16[%add3A_242], %sub3A_210 masked %eq3A_218 : memref<256xf32, #tpu.memory_space<vmem>>[vector<16xi32>], vector<16xf32>, vector<16xi1>
      %add3A_243 = arith.constant 128 : i32
      %add3A_244 = vector.broadcast %add3A_243 : i32 to vector<16xi32>
      %add3A_245 = arith.addi %sub3A_239, %add3A_244 : vector<16xi32>
      tpu.vector_store_idx %arg16[%add3A_245], %mul3A_215 masked %eq3A_218 : memref<256xf32, #tpu.memory_space<vmem>>[vector<16xi32>], vector<16xf32>, vector<16xi1>
      %reduce_max3A_246 = arith.constant true
      %reduce_max3A_247 = vector.broadcast %reduce_max3A_246 : i1 to vector<16xi1>
      %reduce_max3A_248 = arith.constant -2147483648 : i32
      %reduce_max3A_249 = vector.broadcast %reduce_max3A_248 : i32 to vector<16xi32>
      %reduce_max3A_250 = arith.xori %broadcast_in_dim3A_236, %reduce_max3A_249 : vector<16xi32>
      %reduce_max3A_251 = tpu.scan <max>, %reduce_max3A_250 masked %reduce_max3A_247 : vector<16xi32>, vector<16xi1> -> vector<16xi32>
      %reduce_max3A_252 = arith.xori %reduce_max3A_251, %reduce_max3A_249 : vector<16xi32>
      %reduce_max3A_253 = vector.extract %reduce_max3A_252[15] : i32 from vector<16xi32>
      %broadcast_in_dim3A_254 = vector.broadcast %reduce_max3A_253 : i32 to vector<16xi32>
      %broadcast_in_dim3A_255 = arith.constant 0 : i32
      %broadcast_in_dim3A_256 = vector.broadcast %broadcast_in_dim3A_255 : i32 to vector<16xi32>
      %scan3A = arith.constant 0 : i32
      %scan3A_257 = arith.constant 64 : i32
      %scan3A_258 = arith.addi %scan3A, %scan3A_257 : i32
      %scan3A_259 = arith.constant 1 : i32
      %scan3A_260 = scf.for %scan3A_425 = %scan3A to %scan3A_258 step %scan3A_259 iter_args(%scan3A_426 = %broadcast_in_dim3A_256) -> (vector<16xi32>)  : i32 {
        %mul3A_427 = arith.constant 16 : i32
        %mul3A_428 = arith.muli %scan3A_425, %mul3A_427 : i32
        %get3A_429 = arith.index_cast %mul3A_428 : i32 to index
        %get3A_430 = tpu.vector_load %arg5[%get3A_429] {strides = array<i32>} : memref<6144xf32, #tpu.memory_space<vmem>>, vector<16xf32>,
        %add3A_431 = arith.constant 1024 : i32
        %add3A_432 = arith.addi %add3A_431, %mul3A_428 : i32
        %get3A_433 = arith.index_cast %add3A_432 : i32 to index
        %get3A_434 = tpu.vector_load %arg5[%get3A_433] {strides = array<i32>} : memref<6144xf32, #tpu.memory_space<vmem>>, vector<16xf32>,
        %add3A_435 = arith.constant 2048 : i32
        %add3A_436 = arith.addi %add3A_435, %mul3A_428 : i32
        %get3A_437 = arith.index_cast %add3A_436 : i32 to index
        %get3A_438 = tpu.vector_load %arg5[%get3A_437] {strides = array<i32>} : memref<6144xf32, #tpu.memory_space<vmem>>, vector<16xf32>,
        %add3A_439 = arith.constant 3072 : i32
        %add3A_440 = arith.addi %add3A_439, %mul3A_428 : i32
        %get3A_441 = arith.index_cast %add3A_440 : i32 to index
        %get3A_442 = tpu.vector_load %arg5[%get3A_441] {strides = array<i32>} : memref<6144xf32, #tpu.memory_space<vmem>>, vector<16xf32>,
        %add3A_443 = arith.constant 4096 : i32
        %add3A_444 = arith.addi %add3A_443, %mul3A_428 : i32
        %get3A_445 = arith.index_cast %add3A_444 : i32 to index
        %get3A_446 = tpu.vector_load %arg5[%get3A_445] {strides = array<i32>} : memref<6144xf32, #tpu.memory_space<vmem>>, vector<16xf32>,
        %add3A_447 = arith.constant 5120 : i32
        %add3A_448 = arith.addi %add3A_447, %mul3A_428 : i32
        %get3A_449 = arith.index_cast %add3A_448 : i32 to index
        %get3A_450 = tpu.vector_load %arg5[%get3A_449] {strides = array<i32>} : memref<6144xf32, #tpu.memory_space<vmem>>, vector<16xf32>,
        %eq3A_451 = arith.constant 0.000000e+00 : f32
        %eq3A_452 = vector.broadcast %eq3A_451 : f32 to vector<16xf32>
        %eq3A_453 = arith.cmpf oeq, %get3A_430, %eq3A_452 : vector<16xf32>
        %ge3A = arith.constant 0.699999988 : f32
        %ge3A_454 = vector.broadcast %ge3A : f32 to vector<16xf32>
        %ge3A_455 = arith.cmpf oge, %get3A_434, %ge3A_454 : vector<16xf32>
        %and3A_456 = arith.andi %eq3A_453, %ge3A_455 : vector<16xi1>
        %jit3A_457 = arith.constant 1 : i32
        %jit3A_458 = arith.constant 0 : i32
        %broadcast_in_dim3A_459 = vector.broadcast %jit3A_457 : i32 to vector<16xi32>
        %broadcast_in_dim3A_460 = vector.broadcast %jit3A_458 : i32 to vector<16xi32>
        %select_n3A_461 = arith.select %and3A_456, %broadcast_in_dim3A_459, %broadcast_in_dim3A_460 : vector<16xi1>, vector<16xi32>
        %broadcast_in_dim3A_462 = arith.constant true
        %broadcast_in_dim3A_463 = vector.broadcast %broadcast_in_dim3A_462 : i1 to vector<16xi1>
        %masked_cumsum3A_464 = tpu.scan <sum>, %select_n3A_461 masked %broadcast_in_dim3A_463 : vector<16xi32>, vector<16xi1> -> vector<16xi32>
        %sub3A_465 = arith.constant 1 : i32
        %sub3A_466 = vector.broadcast %sub3A_465 : i32 to vector<16xi32>
        %sub3A_467 = arith.subi %scan3A_426, %sub3A_466 : vector<16xi32>
        %add3A_468 = arith.addi %masked_cumsum3A_464, %sub3A_467 : vector<16xi32>
        tpu.vector_store_idx %arg7[%add3A_468], %get3A_434 masked %and3A_456 : memref<1024xf32, #tpu.memory_space<vmem>>[vector<16xi32>], vector<16xf32>, vector<16xi1>
        tpu.vector_store_idx %arg8[%add3A_468], %get3A_446 masked %and3A_456 : memref<1024xf32, #tpu.memory_space<vmem>>[vector<16xi32>], vector<16xf32>, vector<16xi1>
        tpu.vector_store_idx %arg9[%add3A_468], %get3A_450 masked %and3A_456 : memref<1024xf32, #tpu.memory_space<vmem>>[vector<16xi32>], vector<16xf32>, vector<16xi1>
        %sub3A_469 = arith.subf %get3A_446, %get3A_438 : vector<16xf32>
        %sub3A_470 = arith.subf %get3A_450, %get3A_442 : vector<16xf32>
        %mul3A_471 = arith.mulf %sub3A_469, %sub3A_470 : vector<16xf32>
        tpu.vector_store_idx %arg10[%add3A_468], %mul3A_471 masked %and3A_456 : memref<1024xf32, #tpu.memory_space<vmem>>[vector<16xi32>], vector<16xf32>, vector<16xi1>
        %all_reduce_population_count3A = tpu.all_reduce %and3A_456 {dim = 0 : i64, kind = #tpu.reduction_kind<sum>} : vector<16xi1> -> vector<16xi32>
        %add3A_472 = arith.addi %scan3A_426, %all_reduce_population_count3A : vector<16xi32>
        scf.yield %add3A_472 : vector<16xi32>
      }
      %scan3A_261 = arith.constant 64 : i32
      %reduce_max3A_262 = arith.constant true
      %reduce_max3A_263 = vector.broadcast %reduce_max3A_262 : i1 to vector<16xi1>
      %reduce_max3A_264 = arith.constant -2147483648 : i32
      %reduce_max3A_265 = vector.broadcast %reduce_max3A_264 : i32 to vector<16xi32>
      %reduce_max3A_266 = arith.xori %scan3A_260, %reduce_max3A_265 : vector<16xi32>
      %reduce_max3A_267 = tpu.scan <max>, %reduce_max3A_266 masked %reduce_max3A_263 : vector<16xi32>, vector<16xi1> -> vector<16xi32>
      %reduce_max3A_268 = arith.xori %reduce_max3A_267, %reduce_max3A_265 : vector<16xi32>
      %reduce_max3A_269 = vector.extract %reduce_max3A_268[15] : i32 from vector<16xi32>
      %add3A_270 = arith.constant 15 : i32
      %add3A_271 = arith.addi %reduce_max3A_269, %add3A_270 : i32
      %shift_right_logical3A = arith.constant 4 : i32
      %shift_right_logical3A_272 = arith.shrui %add3A_271, %shift_right_logical3A : i32
      %while3A = arith.constant 0 : i32
      %while3A_273 = arith.constant 0 : i32
      %while3A_274 = arith.subi %shift_right_logical3A_272, %while3A_273 : i32
      %while3A_275 = arith.addi %while3A_273, %while3A_274 : i32
      %while3A_276 = arith.constant 1 : i32
      %while3A_277 = arith.divsi %while3A_274, %while3A_276 : i32
      %while3A_278 = arith.muli %while3A_277, %while3A_276 : i32
      %while3A_279 = arith.addi %while3A_273, %while3A_278 : i32
      %while3A_280 = arith.constant 1 : i32
      scf.for %while3A_425 = %while3A_273 to %while3A_279 step %while3A_280  : i32 {
        %mul3A_426 = arith.constant 16 : i32
        %mul3A_427 = arith.muli %while3A_425, %mul3A_426 : i32
        %swap3A_428 = arith.index_cast %mul3A_427 : i32 to index
        %swap3A_429 = tpu.vector_load %arg11[%swap3A_428] {strides = array<i32>} : memref<1024xf32, #tpu.memory_space<vmem>>, vector<16xf32>,
        tpu.vector_store %arg11[%swap3A_428], %broadcast_in_dim3A_16 {strides = array<i32>} : memref<1024xf32, #tpu.memory_space<vmem>>, vector<16xf32>,
        %broadcast_in_dim3A_430 = arith.constant -1.000000e+00 : f32
        %broadcast_in_dim3A_431 = vector.broadcast %broadcast_in_dim3A_430 : f32 to vector<16xf32>
        %mul3A_432 = arith.constant 16 : i32
        %mul3A_433 = arith.muli %while3A_425, %mul3A_432 : i32
        %swap3A_434 = arith.index_cast %mul3A_433 : i32 to index
        %swap3A_435 = tpu.vector_load %arg12[%swap3A_434] {strides = array<i32>} : memref<1024xf32, #tpu.memory_space<vmem>>, vector<16xf32>,
        tpu.vector_store %arg12[%swap3A_434], %broadcast_in_dim3A_431 {strides = array<i32>} : memref<1024xf32, #tpu.memory_space<vmem>>, vector<16xf32>,
      }
      %while3A_281 = arith.constant 1 : i32
      scf.for %while3A_425 = %while3A_279 to %while3A_275 step %while3A_281  : i32 {
        %mul3A_426 = arith.constant 16 : i32
        %mul3A_427 = arith.muli %while3A_425, %mul3A_426 : i32
        %swap3A_428 = arith.index_cast %mul3A_427 : i32 to index
        %swap3A_429 = tpu.vector_load %arg11[%swap3A_428] {strides = array<i32>} : memref<1024xf32, #tpu.memory_space<vmem>>, vector<16xf32>,
        tpu.vector_store %arg11[%swap3A_428], %broadcast_in_dim3A_16 {strides = array<i32>} : memref<1024xf32, #tpu.memory_space<vmem>>, vector<16xf32>,
        %broadcast_in_dim3A_430 = arith.constant -1.000000e+00 : f32
        %broadcast_in_dim3A_431 = vector.broadcast %broadcast_in_dim3A_430 : f32 to vector<16xf32>
        %mul3A_432 = arith.constant 16 : i32
        %mul3A_433 = arith.muli %while3A_425, %mul3A_432 : i32
        %swap3A_434 = arith.index_cast %mul3A_433 : i32 to index
        %swap3A_435 = tpu.vector_load %arg12[%swap3A_434] {strides = array<i32>} : memref<1024xf32, #tpu.memory_space<vmem>>, vector<16xf32>,
        tpu.vector_store %arg12[%swap3A_434], %broadcast_in_dim3A_431 {strides = array<i32>} : memref<1024xf32, #tpu.memory_space<vmem>>, vector<16xf32>,
      }
      %while3A_282 = arith.constant 0 : i32
      %while3A_283 = arith.constant 0 : i32
      %while3A_284 = arith.subi %reduce_max3A_253, %while3A_283 : i32
      %while3A_285 = arith.addi %while3A_283, %while3A_284 : i32
      %while3A_286 = arith.constant 1 : i32
      %while3A_287 = arith.divsi %while3A_284, %while3A_286 : i32
      %while3A_288 = arith.muli %while3A_287, %while3A_286 : i32
      %while3A_289 = arith.addi %while3A_283, %while3A_288 : i32
      %while3A_290 = arith.constant 1 : i32
      scf.for %while3A_425 = %while3A_283 to %while3A_289 step %while3A_290  : i32 {
        %broadcast_in_dim3A_426 = vector.broadcast %while3A_425 : i32 to vector<16xi32>
        %gather3A_427 = tpu.vector_load_idx %arg16[%broadcast_in_dim3A_426] : memref<256xf32, #tpu.memory_space<vmem>>[vector<16xi32>], vector<16xf32>,
        %add3A_428 = arith.constant 64 : i32
        %add3A_429 = vector.broadcast %add3A_428 : i32 to vector<16xi32>
        %add3A_430 = arith.addi %broadcast_in_dim3A_426, %add3A_429 : vector<16xi32>
        %gather3A_431 = tpu.vector_load_idx %arg16[%add3A_430] : memref<256xf32, #tpu.memory_space<vmem>>[vector<16xi32>], vector<16xf32>,
        %add3A_432 = arith.constant 128 : i32
        %add3A_433 = vector.broadcast %add3A_432 : i32 to vector<16xi32>
        %add3A_434 = arith.addi %broadcast_in_dim3A_426, %add3A_433 : vector<16xi32>
        %gather3A_435 = tpu.vector_load_idx %arg16[%add3A_434] : memref<256xf32, #tpu.memory_space<vmem>>[vector<16xi32>], vector<16xf32>,
        %add3A_436 = arith.constant 1 : i32
        %add3A_437 = arith.addi %shift_right_logical3A_272, %add3A_436 : i32
        %shift_right_logical3A_438 = arith.constant 1 : i32
        %shift_right_logical3A_439 = arith.shrui %add3A_437, %shift_right_logical3A_438 : i32
        %while3A_440 = arith.constant 0 : i32
        %while3A_441 = arith.constant 0 : i32
        %while3A_442 = arith.subi %shift_right_logical3A_439, %while3A_441 : i32
        %while3A_443 = arith.addi %while3A_441, %while3A_442 : i32
        %while3A_444 = arith.constant 1 : i32
        %while3A_445 = arith.divsi %while3A_442, %while3A_444 : i32
        %while3A_446 = arith.muli %while3A_445, %while3A_444 : i32
        %while3A_447 = arith.addi %while3A_441, %while3A_446 : i32
        %while3A_448 = arith.constant 1 : i32
        scf.for %while3A_450 = %while3A_441 to %while3A_447 step %while3A_448  : i32 {
          %mul3A_451 = arith.constant 2 : i32
          %mul3A_452 = arith.muli %while3A_450, %mul3A_451 : i32
          %add3A_453 = arith.constant 0 : i32
          %add3A_454 = arith.addi %mul3A_452, %add3A_453 : i32
          %mul3A_455 = arith.constant 16 : i32
          %mul3A_456 = arith.muli %add3A_454, %mul3A_455 : i32
          %get3A_457 = arith.index_cast %mul3A_456 : i32 to index
          %get3A_458 = tpu.vector_load %arg8[%get3A_457] {strides = array<i32>} : memref<1024xf32, #tpu.memory_space<vmem>>, vector<16xf32>,
          %get3A_459 = arith.index_cast %mul3A_456 : i32 to index
          %get3A_460 = tpu.vector_load %arg9[%get3A_459] {strides = array<i32>} : memref<1024xf32, #tpu.memory_space<vmem>>, vector<16xf32>,
          %get3A_461 = arith.index_cast %mul3A_456 : i32 to index
          %get3A_462 = tpu.vector_load %arg10[%get3A_461] {strides = array<i32>} : memref<1024xf32, #tpu.memory_space<vmem>>, vector<16xf32>,
          %sub3A_463 = arith.subf %get3A_458, %gather3A_427 : vector<16xf32>
          %abs3A = math.absf %sub3A_463 : vector<16xf32>
          %sub3A_464 = arith.subf %get3A_460, %gather3A_431 : vector<16xf32>
          %abs3A_465 = math.absf %sub3A_464 : vector<16xf32>
          %mul3A_466 = arith.mulf %abs3A, %abs3A_465 : vector<16xf32>
          %min3A = arith.minimumf %gather3A_435, %get3A_462 : vector<16xf32>
          %gt3A_467 = arith.cmpf ogt, %mul3A_466, %min3A : vector<16xf32>
          %jit3A_468 = arith.constant 0.000000e+00 : f32
          %broadcast_in_dim3A_469 = vector.broadcast %jit3A_468 : f32 to vector<16xf32>
          %select_n3A_470 = arith.select %gt3A_467, %broadcast_in_dim3A_469, %mul3A_466 : vector<16xi1>, vector<16xf32>
          %add3A_471 = arith.addf %get3A_462, %gather3A_435 : vector<16xf32>
          %sub3A_472 = arith.subf %add3A_471, %select_n3A_470 : vector<16xf32>
          %mul3A_473 = arith.constant 5.000000e-01 : f32
          %mul3A_474 = vector.broadcast %mul3A_473 : f32 to vector<16xf32>
          %mul3A_475 = arith.mulf %mul3A_474, %sub3A_472 : vector<16xf32>
          %gt3A_476 = arith.cmpf ogt, %select_n3A_470, %mul3A_475 : vector<16xf32>
          %get3A_477 = arith.index_cast %mul3A_456 : i32 to index
          %get3A_478 = tpu.vector_load %arg11[%get3A_477] {strides = array<i32>} : memref<1024xf32, #tpu.memory_space<vmem>>, vector<16xf32>,
          %jit3A_479 = arith.constant 1.000000e+00 : f32
          %broadcast_in_dim3A_480 = vector.broadcast %jit3A_479 : f32 to vector<16xf32>
          %select_n3A_481 = arith.select %gt3A_476, %broadcast_in_dim3A_480, %get3A_478 : vector<16xi1>, vector<16xf32>
          %swap3A_482 = arith.index_cast %mul3A_456 : i32 to index
          %swap3A_483 = tpu.vector_load %arg11[%swap3A_482] {strides = array<i32>} : memref<1024xf32, #tpu.memory_space<vmem>>, vector<16xf32>,
          tpu.vector_store %arg11[%swap3A_482], %select_n3A_481 {strides = array<i32>} : memref<1024xf32, #tpu.memory_space<vmem>>, vector<16xf32>,
          %mul3A_484 = arith.constant 2 : i32
          %mul3A_485 = arith.muli %while3A_450, %mul3A_484 : i32
          %add3A_486 = arith.constant 1 : i32
          %add3A_487 = arith.addi %mul3A_485, %add3A_486 : i32
          %mul3A_488 = arith.constant 16 : i32
          %mul3A_489 = arith.muli %add3A_487, %mul3A_488 : i32
          %get3A_490 = arith.index_cast %mul3A_489 : i32 to index
          %get3A_491 = tpu.vector_load %arg8[%get3A_490] {strides = array<i32>} : memref<1024xf32, #tpu.memory_space<vmem>>, vector<16xf32>,
          %get3A_492 = arith.index_cast %mul3A_489 : i32 to index
          %get3A_493 = tpu.vector_load %arg9[%get3A_492] {strides = array<i32>} : memref<1024xf32, #tpu.memory_space<vmem>>, vector<16xf32>,
          %get3A_494 = arith.index_cast %mul3A_489 : i32 to index
          %get3A_495 = tpu.vector_load %arg10[%get3A_494] {strides = array<i32>} : memref<1024xf32, #tpu.memory_space<vmem>>, vector<16xf32>,
          %sub3A_496 = arith.subf %get3A_491, %gather3A_427 : vector<16xf32>
          %abs3A_497 = math.absf %sub3A_496 : vector<16xf32>
          %sub3A_498 = arith.subf %get3A_493, %gather3A_431 : vector<16xf32>
          %abs3A_499 = math.absf %sub3A_498 : vector<16xf32>
          %mul3A_500 = arith.mulf %abs3A_497, %abs3A_499 : vector<16xf32>
          %min3A_501 = arith.minimumf %gather3A_435, %get3A_495 : vector<16xf32>
          %gt3A_502 = arith.cmpf ogt, %mul3A_500, %min3A_501 : vector<16xf32>
          %jit3A_503 = arith.constant 0.000000e+00 : f32
          %broadcast_in_dim3A_504 = vector.broadcast %jit3A_503 : f32 to vector<16xf32>
          %select_n3A_505 = arith.select %gt3A_502, %broadcast_in_dim3A_504, %mul3A_500 : vector<16xi1>, vector<16xf32>
          %add3A_506 = arith.addf %get3A_495, %gather3A_435 : vector<16xf32>
          %sub3A_507 = arith.subf %add3A_506, %select_n3A_505 : vector<16xf32>
          %mul3A_508 = arith.constant 5.000000e-01 : f32
          %mul3A_509 = vector.broadcast %mul3A_508 : f32 to vector<16xf32>
          %mul3A_510 = arith.mulf %mul3A_509, %sub3A_507 : vector<16xf32>
          %gt3A_511 = arith.cmpf ogt, %select_n3A_505, %mul3A_510 : vector<16xf32>
          %get3A_512 = arith.index_cast %mul3A_489 : i32 to index
          %get3A_513 = tpu.vector_load %arg11[%get3A_512] {strides = array<i32>} : memref<1024xf32, #tpu.memory_space<vmem>>, vector<16xf32>,
          %jit3A_514 = arith.constant 1.000000e+00 : f32
          %broadcast_in_dim3A_515 = vector.broadcast %jit3A_514 : f32 to vector<16xf32>
          %select_n3A_516 = arith.select %gt3A_511, %broadcast_in_dim3A_515, %get3A_513 : vector<16xi1>, vector<16xf32>
          %swap3A_517 = arith.index_cast %mul3A_489 : i32 to index
          %swap3A_518 = tpu.vector_load %arg11[%swap3A_517] {strides = array<i32>} : memref<1024xf32, #tpu.memory_space<vmem>>, vector<16xf32>,
          tpu.vector_store %arg11[%swap3A_517], %select_n3A_516 {strides = array<i32>} : memref<1024xf32, #tpu.memory_space<vmem>>, vector<16xf32>,
        }
        %while3A_449 = arith.constant 1 : i32
        scf.for %while3A_450 = %while3A_447 to %while3A_443 step %while3A_449  : i32 {
          %mul3A_451 = arith.constant 2 : i32
          %mul3A_452 = arith.muli %while3A_450, %mul3A_451 : i32
          %add3A_453 = arith.constant 0 : i32
          %add3A_454 = arith.addi %mul3A_452, %add3A_453 : i32
          %mul3A_455 = arith.constant 16 : i32
          %mul3A_456 = arith.muli %add3A_454, %mul3A_455 : i32
          %get3A_457 = arith.index_cast %mul3A_456 : i32 to index
          %get3A_458 = tpu.vector_load %arg8[%get3A_457] {strides = array<i32>} : memref<1024xf32, #tpu.memory_space<vmem>>, vector<16xf32>,
          %get3A_459 = arith.index_cast %mul3A_456 : i32 to index
          %get3A_460 = tpu.vector_load %arg9[%get3A_459] {strides = array<i32>} : memref<1024xf32, #tpu.memory_space<vmem>>, vector<16xf32>,
          %get3A_461 = arith.index_cast %mul3A_456 : i32 to index
          %get3A_462 = tpu.vector_load %arg10[%get3A_461] {strides = array<i32>} : memref<1024xf32, #tpu.memory_space<vmem>>, vector<16xf32>,
          %sub3A_463 = arith.subf %get3A_458, %gather3A_427 : vector<16xf32>
          %abs3A = math.absf %sub3A_463 : vector<16xf32>
          %sub3A_464 = arith.subf %get3A_460, %gather3A_431 : vector<16xf32>
          %abs3A_465 = math.absf %sub3A_464 : vector<16xf32>
          %mul3A_466 = arith.mulf %abs3A, %abs3A_465 : vector<16xf32>
          %min3A = arith.minimumf %gather3A_435, %get3A_462 : vector<16xf32>
          %gt3A_467 = arith.cmpf ogt, %mul3A_466, %min3A : vector<16xf32>
          %jit3A_468 = arith.constant 0.000000e+00 : f32
          %broadcast_in_dim3A_469 = vector.broadcast %jit3A_468 : f32 to vector<16xf32>
          %select_n3A_470 = arith.select %gt3A_467, %broadcast_in_dim3A_469, %mul3A_466 : vector<16xi1>, vector<16xf32>
          %add3A_471 = arith.addf %get3A_462, %gather3A_435 : vector<16xf32>
          %sub3A_472 = arith.subf %add3A_471, %select_n3A_470 : vector<16xf32>
          %mul3A_473 = arith.constant 5.000000e-01 : f32
          %mul3A_474 = vector.broadcast %mul3A_473 : f32 to vector<16xf32>
          %mul3A_475 = arith.mulf %mul3A_474, %sub3A_472 : vector<16xf32>
          %gt3A_476 = arith.cmpf ogt, %select_n3A_470, %mul3A_475 : vector<16xf32>
          %get3A_477 = arith.index_cast %mul3A_456 : i32 to index
          %get3A_478 = tpu.vector_load %arg11[%get3A_477] {strides = array<i32>} : memref<1024xf32, #tpu.memory_space<vmem>>, vector<16xf32>,
          %jit3A_479 = arith.constant 1.000000e+00 : f32
          %broadcast_in_dim3A_480 = vector.broadcast %jit3A_479 : f32 to vector<16xf32>
          %select_n3A_481 = arith.select %gt3A_476, %broadcast_in_dim3A_480, %get3A_478 : vector<16xi1>, vector<16xf32>
          %swap3A_482 = arith.index_cast %mul3A_456 : i32 to index
          %swap3A_483 = tpu.vector_load %arg11[%swap3A_482] {strides = array<i32>} : memref<1024xf32, #tpu.memory_space<vmem>>, vector<16xf32>,
          tpu.vector_store %arg11[%swap3A_482], %select_n3A_481 {strides = array<i32>} : memref<1024xf32, #tpu.memory_space<vmem>>, vector<16xf32>,
          %mul3A_484 = arith.constant 2 : i32
          %mul3A_485 = arith.muli %while3A_450, %mul3A_484 : i32
          %add3A_486 = arith.constant 1 : i32
          %add3A_487 = arith.addi %mul3A_485, %add3A_486 : i32
          %mul3A_488 = arith.constant 16 : i32
          %mul3A_489 = arith.muli %add3A_487, %mul3A_488 : i32
          %get3A_490 = arith.index_cast %mul3A_489 : i32 to index
          %get3A_491 = tpu.vector_load %arg8[%get3A_490] {strides = array<i32>} : memref<1024xf32, #tpu.memory_space<vmem>>, vector<16xf32>,
          %get3A_492 = arith.index_cast %mul3A_489 : i32 to index
          %get3A_493 = tpu.vector_load %arg9[%get3A_492] {strides = array<i32>} : memref<1024xf32, #tpu.memory_space<vmem>>, vector<16xf32>,
          %get3A_494 = arith.index_cast %mul3A_489 : i32 to index
          %get3A_495 = tpu.vector_load %arg10[%get3A_494] {strides = array<i32>} : memref<1024xf32, #tpu.memory_space<vmem>>, vector<16xf32>,
          %sub3A_496 = arith.subf %get3A_491, %gather3A_427 : vector<16xf32>
          %abs3A_497 = math.absf %sub3A_496 : vector<16xf32>
          %sub3A_498 = arith.subf %get3A_493, %gather3A_431 : vector<16xf32>
          %abs3A_499 = math.absf %sub3A_498 : vector<16xf32>
          %mul3A_500 = arith.mulf %abs3A_497, %abs3A_499 : vector<16xf32>
          %min3A_501 = arith.minimumf %gather3A_435, %get3A_495 : vector<16xf32>
          %gt3A_502 = arith.cmpf ogt, %mul3A_500, %min3A_501 : vector<16xf32>
          %jit3A_503 = arith.constant 0.000000e+00 : f32
          %broadcast_in_dim3A_504 = vector.broadcast %jit3A_503 : f32 to vector<16xf32>
          %select_n3A_505 = arith.select %gt3A_502, %broadcast_in_dim3A_504, %mul3A_500 : vector<16xi1>, vector<16xf32>
          %add3A_506 = arith.addf %get3A_495, %gather3A_435 : vector<16xf32>
          %sub3A_507 = arith.subf %add3A_506, %select_n3A_505 : vector<16xf32>
          %mul3A_508 = arith.constant 5.000000e-01 : f32
          %mul3A_509 = vector.broadcast %mul3A_508 : f32 to vector<16xf32>
          %mul3A_510 = arith.mulf %mul3A_509, %sub3A_507 : vector<16xf32>
          %gt3A_511 = arith.cmpf ogt, %select_n3A_505, %mul3A_510 : vector<16xf32>
          %get3A_512 = arith.index_cast %mul3A_489 : i32 to index
          %get3A_513 = tpu.vector_load %arg11[%get3A_512] {strides = array<i32>} : memref<1024xf32, #tpu.memory_space<vmem>>, vector<16xf32>,
          %jit3A_514 = arith.constant 1.000000e+00 : f32
          %broadcast_in_dim3A_515 = vector.broadcast %jit3A_514 : f32 to vector<16xf32>
          %select_n3A_516 = arith.select %gt3A_511, %broadcast_in_dim3A_515, %get3A_513 : vector<16xi1>, vector<16xf32>
          %swap3A_517 = arith.index_cast %mul3A_489 : i32 to index
          %swap3A_518 = tpu.vector_load %arg11[%swap3A_517] {strides = array<i32>} : memref<1024xf32, #tpu.memory_space<vmem>>, vector<16xf32>,
          tpu.vector_store %arg11[%swap3A_517], %select_n3A_516 {strides = array<i32>} : memref<1024xf32, #tpu.memory_space<vmem>>, vector<16xf32>,
        }
      }
      %while3A_291 = arith.constant 1 : i32
      scf.for %while3A_425 = %while3A_289 to %while3A_285 step %while3A_291  : i32 {
        %broadcast_in_dim3A_426 = vector.broadcast %while3A_425 : i32 to vector<16xi32>
        %gather3A_427 = tpu.vector_load_idx %arg16[%broadcast_in_dim3A_426] : memref<256xf32, #tpu.memory_space<vmem>>[vector<16xi32>], vector<16xf32>,
        %add3A_428 = arith.constant 64 : i32
        %add3A_429 = vector.broadcast %add3A_428 : i32 to vector<16xi32>
        %add3A_430 = arith.addi %broadcast_in_dim3A_426, %add3A_429 : vector<16xi32>
        %gather3A_431 = tpu.vector_load_idx %arg16[%add3A_430] : memref<256xf32, #tpu.memory_space<vmem>>[vector<16xi32>], vector<16xf32>,
        %add3A_432 = arith.constant 128 : i32
        %add3A_433 = vector.broadcast %add3A_432 : i32 to vector<16xi32>
        %add3A_434 = arith.addi %broadcast_in_dim3A_426, %add3A_433 : vector<16xi32>
        %gather3A_435 = tpu.vector_load_idx %arg16[%add3A_434] : memref<256xf32, #tpu.memory_space<vmem>>[vector<16xi32>], vector<16xf32>,
        %add3A_436 = arith.constant 1 : i32
        %add3A_437 = arith.addi %shift_right_logical3A_272, %add3A_436 : i32
        %shift_right_logical3A_438 = arith.constant 1 : i32
        %shift_right_logical3A_439 = arith.shrui %add3A_437, %shift_right_logical3A_438 : i32
        %while3A_440 = arith.constant 0 : i32
        %while3A_441 = arith.constant 0 : i32
        %while3A_442 = arith.subi %shift_right_logical3A_439, %while3A_441 : i32
        %while3A_443 = arith.addi %while3A_441, %while3A_442 : i32
        %while3A_444 = arith.constant 1 : i32
        %while3A_445 = arith.divsi %while3A_442, %while3A_444 : i32
        %while3A_446 = arith.muli %while3A_445, %while3A_444 : i32
        %while3A_447 = arith.addi %while3A_441, %while3A_446 : i32
        %while3A_448 = arith.constant 1 : i32
        scf.for %while3A_450 = %while3A_441 to %while3A_447 step %while3A_448  : i32 {
          %mul3A_451 = arith.constant 2 : i32
          %mul3A_452 = arith.muli %while3A_450, %mul3A_451 : i32
          %add3A_453 = arith.constant 0 : i32
          %add3A_454 = arith.addi %mul3A_452, %add3A_453 : i32
          %mul3A_455 = arith.constant 16 : i32
          %mul3A_456 = arith.muli %add3A_454, %mul3A_455 : i32
          %get3A_457 = arith.index_cast %mul3A_456 : i32 to index
          %get3A_458 = tpu.vector_load %arg8[%get3A_457] {strides = array<i32>} : memref<1024xf32, #tpu.memory_space<vmem>>, vector<16xf32>,
          %get3A_459 = arith.index_cast %mul3A_456 : i32 to index
          %get3A_460 = tpu.vector_load %arg9[%get3A_459] {strides = array<i32>} : memref<1024xf32, #tpu.memory_space<vmem>>, vector<16xf32>,
          %get3A_461 = arith.index_cast %mul3A_456 : i32 to index
          %get3A_462 = tpu.vector_load %arg10[%get3A_461] {strides = array<i32>} : memref<1024xf32, #tpu.memory_space<vmem>>, vector<16xf32>,
          %sub3A_463 = arith.subf %get3A_458, %gather3A_427 : vector<16xf32>
          %abs3A = math.absf %sub3A_463 : vector<16xf32>
          %sub3A_464 = arith.subf %get3A_460, %gather3A_431 : vector<16xf32>
          %abs3A_465 = math.absf %sub3A_464 : vector<16xf32>
          %mul3A_466 = arith.mulf %abs3A, %abs3A_465 : vector<16xf32>
          %min3A = arith.minimumf %gather3A_435, %get3A_462 : vector<16xf32>
          %gt3A_467 = arith.cmpf ogt, %mul3A_466, %min3A : vector<16xf32>
          %jit3A_468 = arith.constant 0.000000e+00 : f32
          %broadcast_in_dim3A_469 = vector.broadcast %jit3A_468 : f32 to vector<16xf32>
          %select_n3A_470 = arith.select %gt3A_467, %broadcast_in_dim3A_469, %mul3A_466 : vector<16xi1>, vector<16xf32>
          %add3A_471 = arith.addf %get3A_462, %gather3A_435 : vector<16xf32>
          %sub3A_472 = arith.subf %add3A_471, %select_n3A_470 : vector<16xf32>
          %mul3A_473 = arith.constant 5.000000e-01 : f32
          %mul3A_474 = vector.broadcast %mul3A_473 : f32 to vector<16xf32>
          %mul3A_475 = arith.mulf %mul3A_474, %sub3A_472 : vector<16xf32>
          %gt3A_476 = arith.cmpf ogt, %select_n3A_470, %mul3A_475 : vector<16xf32>
          %get3A_477 = arith.index_cast %mul3A_456 : i32 to index
          %get3A_478 = tpu.vector_load %arg11[%get3A_477] {strides = array<i32>} : memref<1024xf32, #tpu.memory_space<vmem>>, vector<16xf32>,
          %jit3A_479 = arith.constant 1.000000e+00 : f32
          %broadcast_in_dim3A_480 = vector.broadcast %jit3A_479 : f32 to vector<16xf32>
          %select_n3A_481 = arith.select %gt3A_476, %broadcast_in_dim3A_480, %get3A_478 : vector<16xi1>, vector<16xf32>
          %swap3A_482 = arith.index_cast %mul3A_456 : i32 to index
          %swap3A_483 = tpu.vector_load %arg11[%swap3A_482] {strides = array<i32>} : memref<1024xf32, #tpu.memory_space<vmem>>, vector<16xf32>,
          tpu.vector_store %arg11[%swap3A_482], %select_n3A_481 {strides = array<i32>} : memref<1024xf32, #tpu.memory_space<vmem>>, vector<16xf32>,
          %mul3A_484 = arith.constant 2 : i32
          %mul3A_485 = arith.muli %while3A_450, %mul3A_484 : i32
          %add3A_486 = arith.constant 1 : i32
          %add3A_487 = arith.addi %mul3A_485, %add3A_486 : i32
          %mul3A_488 = arith.constant 16 : i32
          %mul3A_489 = arith.muli %add3A_487, %mul3A_488 : i32
          %get3A_490 = arith.index_cast %mul3A_489 : i32 to index
          %get3A_491 = tpu.vector_load %arg8[%get3A_490] {strides = array<i32>} : memref<1024xf32, #tpu.memory_space<vmem>>, vector<16xf32>,
          %get3A_492 = arith.index_cast %mul3A_489 : i32 to index
          %get3A_493 = tpu.vector_load %arg9[%get3A_492] {strides = array<i32>} : memref<1024xf32, #tpu.memory_space<vmem>>, vector<16xf32>,
          %get3A_494 = arith.index_cast %mul3A_489 : i32 to index
          %get3A_495 = tpu.vector_load %arg10[%get3A_494] {strides = array<i32>} : memref<1024xf32, #tpu.memory_space<vmem>>, vector<16xf32>,
          %sub3A_496 = arith.subf %get3A_491, %gather3A_427 : vector<16xf32>
          %abs3A_497 = math.absf %sub3A_496 : vector<16xf32>
          %sub3A_498 = arith.subf %get3A_493, %gather3A_431 : vector<16xf32>
          %abs3A_499 = math.absf %sub3A_498 : vector<16xf32>
          %mul3A_500 = arith.mulf %abs3A_497, %abs3A_499 : vector<16xf32>
          %min3A_501 = arith.minimumf %gather3A_435, %get3A_495 : vector<16xf32>
          %gt3A_502 = arith.cmpf ogt, %mul3A_500, %min3A_501 : vector<16xf32>
          %jit3A_503 = arith.constant 0.000000e+00 : f32
          %broadcast_in_dim3A_504 = vector.broadcast %jit3A_503 : f32 to vector<16xf32>
          %select_n3A_505 = arith.select %gt3A_502, %broadcast_in_dim3A_504, %mul3A_500 : vector<16xi1>, vector<16xf32>
          %add3A_506 = arith.addf %get3A_495, %gather3A_435 : vector<16xf32>
          %sub3A_507 = arith.subf %add3A_506, %select_n3A_505 : vector<16xf32>
          %mul3A_508 = arith.constant 5.000000e-01 : f32
          %mul3A_509 = vector.broadcast %mul3A_508 : f32 to vector<16xf32>
          %mul3A_510 = arith.mulf %mul3A_509, %sub3A_507 : vector<16xf32>
          %gt3A_511 = arith.cmpf ogt, %select_n3A_505, %mul3A_510 : vector<16xf32>
          %get3A_512 = arith.index_cast %mul3A_489 : i32 to index
          %get3A_513 = tpu.vector_load %arg11[%get3A_512] {strides = array<i32>} : memref<1024xf32, #tpu.memory_space<vmem>>, vector<16xf32>,
          %jit3A_514 = arith.constant 1.000000e+00 : f32
          %broadcast_in_dim3A_515 = vector.broadcast %jit3A_514 : f32 to vector<16xf32>
          %select_n3A_516 = arith.select %gt3A_511, %broadcast_in_dim3A_515, %get3A_513 : vector<16xi1>, vector<16xf32>
          %swap3A_517 = arith.index_cast %mul3A_489 : i32 to index
          %swap3A_518 = tpu.vector_load %arg11[%swap3A_517] {strides = array<i32>} : memref<1024xf32, #tpu.memory_space<vmem>>, vector<16xf32>,
          tpu.vector_store %arg11[%swap3A_517], %select_n3A_516 {strides = array<i32>} : memref<1024xf32, #tpu.memory_space<vmem>>, vector<16xf32>,
        }
        %while3A_449 = arith.constant 1 : i32
        scf.for %while3A_450 = %while3A_447 to %while3A_443 step %while3A_449  : i32 {
          %mul3A_451 = arith.constant 2 : i32
          %mul3A_452 = arith.muli %while3A_450, %mul3A_451 : i32
          %add3A_453 = arith.constant 0 : i32
          %add3A_454 = arith.addi %mul3A_452, %add3A_453 : i32
          %mul3A_455 = arith.constant 16 : i32
          %mul3A_456 = arith.muli %add3A_454, %mul3A_455 : i32
          %get3A_457 = arith.index_cast %mul3A_456 : i32 to index
          %get3A_458 = tpu.vector_load %arg8[%get3A_457] {strides = array<i32>} : memref<1024xf32, #tpu.memory_space<vmem>>, vector<16xf32>,
          %get3A_459 = arith.index_cast %mul3A_456 : i32 to index
          %get3A_460 = tpu.vector_load %arg9[%get3A_459] {strides = array<i32>} : memref<1024xf32, #tpu.memory_space<vmem>>, vector<16xf32>,
          %get3A_461 = arith.index_cast %mul3A_456 : i32 to index
          %get3A_462 = tpu.vector_load %arg10[%get3A_461] {strides = array<i32>} : memref<1024xf32, #tpu.memory_space<vmem>>, vector<16xf32>,
          %sub3A_463 = arith.subf %get3A_458, %gather3A_427 : vector<16xf32>
          %abs3A = math.absf %sub3A_463 : vector<16xf32>
          %sub3A_464 = arith.subf %get3A_460, %gather3A_431 : vector<16xf32>
          %abs3A_465 = math.absf %sub3A_464 : vector<16xf32>
          %mul3A_466 = arith.mulf %abs3A, %abs3A_465 : vector<16xf32>
          %min3A = arith.minimumf %gather3A_435, %get3A_462 : vector<16xf32>
          %gt3A_467 = arith.cmpf ogt, %mul3A_466, %min3A : vector<16xf32>
          %jit3A_468 = arith.constant 0.000000e+00 : f32
          %broadcast_in_dim3A_469 = vector.broadcast %jit3A_468 : f32 to vector<16xf32>
          %select_n3A_470 = arith.select %gt3A_467, %broadcast_in_dim3A_469, %mul3A_466 : vector<16xi1>, vector<16xf32>
          %add3A_471 = arith.addf %get3A_462, %gather3A_435 : vector<16xf32>
          %sub3A_472 = arith.subf %add3A_471, %select_n3A_470 : vector<16xf32>
          %mul3A_473 = arith.constant 5.000000e-01 : f32
          %mul3A_474 = vector.broadcast %mul3A_473 : f32 to vector<16xf32>
          %mul3A_475 = arith.mulf %mul3A_474, %sub3A_472 : vector<16xf32>
          %gt3A_476 = arith.cmpf ogt, %select_n3A_470, %mul3A_475 : vector<16xf32>
          %get3A_477 = arith.index_cast %mul3A_456 : i32 to index
          %get3A_478 = tpu.vector_load %arg11[%get3A_477] {strides = array<i32>} : memref<1024xf32, #tpu.memory_space<vmem>>, vector<16xf32>,
          %jit3A_479 = arith.constant 1.000000e+00 : f32
          %broadcast_in_dim3A_480 = vector.broadcast %jit3A_479 : f32 to vector<16xf32>
          %select_n3A_481 = arith.select %gt3A_476, %broadcast_in_dim3A_480, %get3A_478 : vector<16xi1>, vector<16xf32>
          %swap3A_482 = arith.index_cast %mul3A_456 : i32 to index
          %swap3A_483 = tpu.vector_load %arg11[%swap3A_482] {strides = array<i32>} : memref<1024xf32, #tpu.memory_space<vmem>>, vector<16xf32>,
          tpu.vector_store %arg11[%swap3A_482], %select_n3A_481 {strides = array<i32>} : memref<1024xf32, #tpu.memory_space<vmem>>, vector<16xf32>,
          %mul3A_484 = arith.constant 2 : i32
          %mul3A_485 = arith.muli %while3A_450, %mul3A_484 : i32
          %add3A_486 = arith.constant 1 : i32
          %add3A_487 = arith.addi %mul3A_485, %add3A_486 : i32
          %mul3A_488 = arith.constant 16 : i32
          %mul3A_489 = arith.muli %add3A_487, %mul3A_488 : i32
          %get3A_490 = arith.index_cast %mul3A_489 : i32 to index
          %get3A_491 = tpu.vector_load %arg8[%get3A_490] {strides = array<i32>} : memref<1024xf32, #tpu.memory_space<vmem>>, vector<16xf32>,
          %get3A_492 = arith.index_cast %mul3A_489 : i32 to index
          %get3A_493 = tpu.vector_load %arg9[%get3A_492] {strides = array<i32>} : memref<1024xf32, #tpu.memory_space<vmem>>, vector<16xf32>,
          %get3A_494 = arith.index_cast %mul3A_489 : i32 to index
          %get3A_495 = tpu.vector_load %arg10[%get3A_494] {strides = array<i32>} : memref<1024xf32, #tpu.memory_space<vmem>>, vector<16xf32>,
          %sub3A_496 = arith.subf %get3A_491, %gather3A_427 : vector<16xf32>
          %abs3A_497 = math.absf %sub3A_496 : vector<16xf32>
          %sub3A_498 = arith.subf %get3A_493, %gather3A_431 : vector<16xf32>
          %abs3A_499 = math.absf %sub3A_498 : vector<16xf32>
          %mul3A_500 = arith.mulf %abs3A_497, %abs3A_499 : vector<16xf32>
          %min3A_501 = arith.minimumf %gather3A_435, %get3A_495 : vector<16xf32>
          %gt3A_502 = arith.cmpf ogt, %mul3A_500, %min3A_501 : vector<16xf32>
          %jit3A_503 = arith.constant 0.000000e+00 : f32
          %broadcast_in_dim3A_504 = vector.broadcast %jit3A_503 : f32 to vector<16xf32>
          %select_n3A_505 = arith.select %gt3A_502, %broadcast_in_dim3A_504, %mul3A_500 : vector<16xi1>, vector<16xf32>
          %add3A_506 = arith.addf %get3A_495, %gather3A_435 : vector<16xf32>
          %sub3A_507 = arith.subf %add3A_506, %select_n3A_505 : vector<16xf32>
          %mul3A_508 = arith.constant 5.000000e-01 : f32
          %mul3A_509 = vector.broadcast %mul3A_508 : f32 to vector<16xf32>
          %mul3A_510 = arith.mulf %mul3A_509, %sub3A_507 : vector<16xf32>
          %gt3A_511 = arith.cmpf ogt, %select_n3A_505, %mul3A_510 : vector<16xf32>
          %get3A_512 = arith.index_cast %mul3A_489 : i32 to index
          %get3A_513 = tpu.vector_load %arg11[%get3A_512] {strides = array<i32>} : memref<1024xf32, #tpu.memory_space<vmem>>, vector<16xf32>,
          %jit3A_514 = arith.constant 1.000000e+00 : f32
          %broadcast_in_dim3A_515 = vector.broadcast %jit3A_514 : f32 to vector<16xf32>
          %select_n3A_516 = arith.select %gt3A_511, %broadcast_in_dim3A_515, %get3A_513 : vector<16xi1>, vector<16xf32>
          %swap3A_517 = arith.index_cast %mul3A_489 : i32 to index
          %swap3A_518 = tpu.vector_load %arg11[%swap3A_517] {strides = array<i32>} : memref<1024xf32, #tpu.memory_space<vmem>>, vector<16xf32>,
          tpu.vector_store %arg11[%swap3A_517], %select_n3A_516 {strides = array<i32>} : memref<1024xf32, #tpu.memory_space<vmem>>, vector<16xf32>,
        }
      }
      %broadcast_in_dim3A_292 = arith.constant 0 : i32
      %broadcast_in_dim3A_293 = vector.broadcast %broadcast_in_dim3A_292 : i32 to vector<16xi32>
      %while3A_294 = arith.constant 0 : i32
      %while3A_295 = arith.subi %shift_right_logical3A_272, %while3A_294 : i32
      %while3A_296 = arith.addi %while3A_294, %while3A_295 : i32
      %while3A_297 = arith.constant 1 : i32
      %while3A_298 = arith.divsi %while3A_295, %while3A_297 : i32
      %while3A_299 = arith.muli %while3A_298, %while3A_297 : i32
      %while3A_300 = arith.addi %while3A_294, %while3A_299 : i32
      %while3A_301 = arith.constant 1 : i32
      %while3A_302 = scf.for %while3A_425 = %while3A_294 to %while3A_300 step %while3A_301 iter_args(%while3A_426 = %broadcast_in_dim3A_293) -> (vector<16xi32>)  : i32 {
        %mul3A_427 = arith.constant 16 : i32
        %mul3A_428 = arith.muli %while3A_425, %mul3A_427 : i32
        %get3A_429 = arith.index_cast %mul3A_428 : i32 to index
        %get3A_430 = tpu.vector_load %arg11[%get3A_429] {strides = array<i32>} : memref<1024xf32, #tpu.memory_space<vmem>>, vector<16xf32>,
        %gt3A_431 = arith.constant 5.000000e-01 : f32
        %gt3A_432 = vector.broadcast %gt3A_431 : f32 to vector<16xf32>
        %gt3A_433 = arith.cmpf ogt, %get3A_430, %gt3A_432 : vector<16xf32>
        %jit3A_434 = arith.constant 1 : i32
        %jit3A_435 = arith.constant 0 : i32
        %broadcast_in_dim3A_436 = vector.broadcast %jit3A_434 : i32 to vector<16xi32>
        %broadcast_in_dim3A_437 = vector.broadcast %jit3A_435 : i32 to vector<16xi32>
        %select_n3A_438 = arith.select %gt3A_433, %broadcast_in_dim3A_436, %broadcast_in_dim3A_437 : vector<16xi1>, vector<16xi32>
        %broadcast_in_dim3A_439 = arith.constant true
        %broadcast_in_dim3A_440 = vector.broadcast %broadcast_in_dim3A_439 : i1 to vector<16xi1>
        %masked_cumsum3A_441 = tpu.scan <sum>, %select_n3A_438 masked %broadcast_in_dim3A_440 : vector<16xi32>, vector<16xi1> -> vector<16xi32>
        %sub3A_442 = arith.constant 1 : i32
        %sub3A_443 = vector.broadcast %sub3A_442 : i32 to vector<16xi32>
        %sub3A_444 = arith.subi %while3A_426, %sub3A_443 : vector<16xi32>
        %add3A_445 = arith.addi %masked_cumsum3A_441, %sub3A_444 : vector<16xi32>
        %get3A_446 = arith.index_cast %mul3A_428 : i32 to index
        %get3A_447 = tpu.vector_load %arg7[%get3A_446] {strides = array<i32>} : memref<1024xf32, #tpu.memory_space<vmem>>, vector<16xf32>,
        tpu.vector_store_idx %arg12[%add3A_445], %get3A_447 masked %gt3A_433 : memref<1024xf32, #tpu.memory_space<vmem>>[vector<16xi32>], vector<16xf32>, vector<16xi1>
        %get3A_448 = arith.index_cast %mul3A_428 : i32 to index
        %get3A_449 = tpu.vector_load %arg8[%get3A_448] {strides = array<i32>} : memref<1024xf32, #tpu.memory_space<vmem>>, vector<16xf32>,
        tpu.vector_store_idx %arg13[%add3A_445], %get3A_449 masked %gt3A_433 : memref<1024xf32, #tpu.memory_space<vmem>>[vector<16xi32>], vector<16xf32>, vector<16xi1>
        %get3A_450 = arith.index_cast %mul3A_428 : i32 to index
        %get3A_451 = tpu.vector_load %arg9[%get3A_450] {strides = array<i32>} : memref<1024xf32, #tpu.memory_space<vmem>>, vector<16xf32>,
        tpu.vector_store_idx %arg14[%add3A_445], %get3A_451 masked %gt3A_433 : memref<1024xf32, #tpu.memory_space<vmem>>[vector<16xi32>], vector<16xf32>, vector<16xi1>
        %get3A_452 = arith.index_cast %mul3A_428 : i32 to index
        %get3A_453 = tpu.vector_load %arg10[%get3A_452] {strides = array<i32>} : memref<1024xf32, #tpu.memory_space<vmem>>, vector<16xf32>,
        tpu.vector_store_idx %arg15[%add3A_445], %get3A_453 masked %gt3A_433 : memref<1024xf32, #tpu.memory_space<vmem>>[vector<16xi32>], vector<16xf32>, vector<16xi1>
        %all_reduce_population_count3A = tpu.all_reduce %gt3A_433 {dim = 0 : i64, kind = #tpu.reduction_kind<sum>} : vector<16xi1> -> vector<16xi32>
        %add3A_454 = arith.addi %while3A_426, %all_reduce_population_count3A : vector<16xi32>
        scf.yield %add3A_454 : vector<16xi32>
      }
      %while3A_303 = arith.constant 1 : i32
      %while3A_304 = scf.for %while3A_425 = %while3A_300 to %while3A_296 step %while3A_303 iter_args(%while3A_426 = %while3A_302) -> (vector<16xi32>)  : i32 {
        %mul3A_427 = arith.constant 16 : i32
        %mul3A_428 = arith.muli %while3A_425, %mul3A_427 : i32
        %get3A_429 = arith.index_cast %mul3A_428 : i32 to index
        %get3A_430 = tpu.vector_load %arg11[%get3A_429] {strides = array<i32>} : memref<1024xf32, #tpu.memory_space<vmem>>, vector<16xf32>,
        %gt3A_431 = arith.constant 5.000000e-01 : f32
        %gt3A_432 = vector.broadcast %gt3A_431 : f32 to vector<16xf32>
        %gt3A_433 = arith.cmpf ogt, %get3A_430, %gt3A_432 : vector<16xf32>
        %jit3A_434 = arith.constant 1 : i32
        %jit3A_435 = arith.constant 0 : i32
        %broadcast_in_dim3A_436 = vector.broadcast %jit3A_434 : i32 to vector<16xi32>
        %broadcast_in_dim3A_437 = vector.broadcast %jit3A_435 : i32 to vector<16xi32>
        %select_n3A_438 = arith.select %gt3A_433, %broadcast_in_dim3A_436, %broadcast_in_dim3A_437 : vector<16xi1>, vector<16xi32>
        %broadcast_in_dim3A_439 = arith.constant true
        %broadcast_in_dim3A_440 = vector.broadcast %broadcast_in_dim3A_439 : i1 to vector<16xi1>
        %masked_cumsum3A_441 = tpu.scan <sum>, %select_n3A_438 masked %broadcast_in_dim3A_440 : vector<16xi32>, vector<16xi1> -> vector<16xi32>
        %sub3A_442 = arith.constant 1 : i32
        %sub3A_443 = vector.broadcast %sub3A_442 : i32 to vector<16xi32>
        %sub3A_444 = arith.subi %while3A_426, %sub3A_443 : vector<16xi32>
        %add3A_445 = arith.addi %masked_cumsum3A_441, %sub3A_444 : vector<16xi32>
        %get3A_446 = arith.index_cast %mul3A_428 : i32 to index
        %get3A_447 = tpu.vector_load %arg7[%get3A_446] {strides = array<i32>} : memref<1024xf32, #tpu.memory_space<vmem>>, vector<16xf32>,
        tpu.vector_store_idx %arg12[%add3A_445], %get3A_447 masked %gt3A_433 : memref<1024xf32, #tpu.memory_space<vmem>>[vector<16xi32>], vector<16xf32>, vector<16xi1>
        %get3A_448 = arith.index_cast %mul3A_428 : i32 to index
        %get3A_449 = tpu.vector_load %arg8[%get3A_448] {strides = array<i32>} : memref<1024xf32, #tpu.memory_space<vmem>>, vector<16xf32>,
        tpu.vector_store_idx %arg13[%add3A_445], %get3A_449 masked %gt3A_433 : memref<1024xf32, #tpu.memory_space<vmem>>[vector<16xi32>], vector<16xf32>, vector<16xi1>
        %get3A_450 = arith.index_cast %mul3A_428 : i32 to index
        %get3A_451 = tpu.vector_load %arg9[%get3A_450] {strides = array<i32>} : memref<1024xf32, #tpu.memory_space<vmem>>, vector<16xf32>,
        tpu.vector_store_idx %arg14[%add3A_445], %get3A_451 masked %gt3A_433 : memref<1024xf32, #tpu.memory_space<vmem>>[vector<16xi32>], vector<16xf32>, vector<16xi1>
        %get3A_452 = arith.index_cast %mul3A_428 : i32 to index
        %get3A_453 = tpu.vector_load %arg10[%get3A_452] {strides = array<i32>} : memref<1024xf32, #tpu.memory_space<vmem>>, vector<16xf32>,
        tpu.vector_store_idx %arg15[%add3A_445], %get3A_453 masked %gt3A_433 : memref<1024xf32, #tpu.memory_space<vmem>>[vector<16xi32>], vector<16xf32>, vector<16xi1>
        %all_reduce_population_count3A = tpu.all_reduce %gt3A_433 {dim = 0 : i64, kind = #tpu.reduction_kind<sum>} : vector<16xi1> -> vector<16xi32>
        %add3A_454 = arith.addi %while3A_426, %all_reduce_population_count3A : vector<16xi32>
        scf.yield %add3A_454 : vector<16xi32>
      }
      %reduce_max3A_305 = arith.constant true
      %reduce_max3A_306 = vector.broadcast %reduce_max3A_305 : i1 to vector<16xi1>
      %reduce_max3A_307 = arith.constant -2147483648 : i32
      %reduce_max3A_308 = vector.broadcast %reduce_max3A_307 : i32 to vector<16xi32>
      %reduce_max3A_309 = arith.xori %while3A_304, %reduce_max3A_308 : vector<16xi32>
      %reduce_max3A_310 = tpu.scan <max>, %reduce_max3A_309 masked %reduce_max3A_306 : vector<16xi32>, vector<16xi1> -> vector<16xi32>
      %reduce_max3A_311 = arith.xori %reduce_max3A_310, %reduce_max3A_308 : vector<16xi32>
      %reduce_max3A_312 = vector.extract %reduce_max3A_311[15] : i32 from vector<16xi32>
      %add3A_313 = arith.constant 15 : i32
      %add3A_314 = arith.addi %reduce_max3A_312, %add3A_313 : i32
      %shift_right_logical3A_315 = arith.constant 4 : i32
      %shift_right_logical3A_316 = arith.shrui %add3A_314, %shift_right_logical3A_315 : i32
      %broadcast_in_dim3A_317 = arith.constant 1.000000e+00 : f32
      %broadcast_in_dim3A_318 = vector.broadcast %broadcast_in_dim3A_317 : f32 to vector<16xf32>
      %broadcast_in_dim3A_319 = arith.constant -1.000000e+00 : f32
      %broadcast_in_dim3A_320 = vector.broadcast %broadcast_in_dim3A_319 : f32 to vector<16xf32>
      %while3A_321 = arith.constant 0 : i32
      %while3A_322 = arith.constant 0 : i32
      %while3A_323 = arith.subi %reduce_max3A_312, %while3A_322 : i32
      %while3A_324 = arith.addi %while3A_322, %while3A_323 : i32
      %while3A_325 = arith.constant 1 : i32
      %while3A_326 = arith.divsi %while3A_323, %while3A_325 : i32
      %while3A_327 = arith.muli %while3A_326, %while3A_325 : i32
      %while3A_328 = arith.addi %while3A_322, %while3A_327 : i32
      %while3A_329 = arith.constant 1 : i32
      scf.for %while3A_425 = %while3A_322 to %while3A_328 step %while3A_329  : i32 {
        %while3A_426 = arith.constant 0 : i32
        %while3A_427 = arith.subi %shift_right_logical3A_316, %while3A_426 : i32
        %while3A_428 = arith.addi %while3A_426, %while3A_427 : i32
        %while3A_429 = arith.constant 1 : i32
        %while3A_430 = arith.divsi %while3A_427, %while3A_429 : i32
        %while3A_431 = arith.muli %while3A_430, %while3A_429 : i32
        %while3A_432 = arith.addi %while3A_426, %while3A_431 : i32
        %while3A_433 = arith.constant 1 : i32
        %while3A_434 = scf.for %while3A_859 = %while3A_426 to %while3A_432 step %while3A_433 iter_args(%while3A_860 = %broadcast_in_dim3A_320) -> (vector<16xf32>)  : i32 {
          %mul3A_861 = arith.constant 16 : i32
          %mul3A_862 = arith.muli %while3A_859, %mul3A_861 : i32
          %get3A_863 = arith.index_cast %mul3A_862 : i32 to index
          %get3A_864 = tpu.vector_load %arg12[%get3A_863] {strides = array<i32>} : memref<1024xf32, #tpu.memory_space<vmem>>, vector<16xf32>,
          %max3A_865 = arith.maximumf %while3A_860, %get3A_864 : vector<16xf32>
          scf.yield %max3A_865 : vector<16xf32>
        }
        %while3A_435 = arith.constant 1 : i32
        %while3A_436 = scf.for %while3A_859 = %while3A_432 to %while3A_428 step %while3A_435 iter_args(%while3A_860 = %while3A_434) -> (vector<16xf32>)  : i32 {
          %mul3A_861 = arith.constant 16 : i32
          %mul3A_862 = arith.muli %while3A_859, %mul3A_861 : i32
          %get3A_863 = arith.index_cast %mul3A_862 : i32 to index
          %get3A_864 = tpu.vector_load %arg12[%get3A_863] {strides = array<i32>} : memref<1024xf32, #tpu.memory_space<vmem>>, vector<16xf32>,
          %max3A_865 = arith.maximumf %while3A_860, %get3A_864 : vector<16xf32>
          scf.yield %max3A_865 : vector<16xf32>
        }
        %reduce_max3A_437 = arith.constant true
        %reduce_max3A_438 = vector.broadcast %reduce_max3A_437 : i1 to vector<16xi1>
        %reduce_max3A_439 = tpu.scan <max>, %while3A_436 masked %reduce_max3A_438 : vector<16xf32>, vector<16xi1> -> vector<16xf32>
        %reduce_max3A_440 = vector.extract %reduce_max3A_439[15] : f32 from vector<16xf32>
        %broadcast_in_dim3A_441 = arith.constant 0 : i32
        %broadcast_in_dim3A_442 = vector.broadcast %broadcast_in_dim3A_441 : i32 to vector<16xi32>
        %broadcast_in_dim3A_443 = arith.constant 0 : i32
        %broadcast_in_dim3A_444 = vector.broadcast %broadcast_in_dim3A_443 : i32 to vector<16xi32>
        %while3A_445 = arith.constant 0 : i32
        %while3A_446 = arith.subi %shift_right_logical3A_316, %while3A_445 : i32
        %while3A_447 = arith.addi %while3A_445, %while3A_446 : i32
        %while3A_448 = arith.constant 1 : i32
        %while3A_449 = arith.divsi %while3A_446, %while3A_448 : i32
        %while3A_450 = arith.muli %while3A_449, %while3A_448 : i32
        %while3A_451 = arith.addi %while3A_445, %while3A_450 : i32
        %while3A_452 = arith.constant 1 : i32
        %while3A_453:2 = scf.for %while3A_859 = %while3A_445 to %while3A_451 step %while3A_452 iter_args(%while3A_860 = %broadcast_in_dim3A_442, %while3A_861 = %broadcast_in_dim3A_444) -> (vector<16xi32>, vector<16xi32>)  : i32 {
          %mul3A_862 = arith.constant 16 : i32
          %mul3A_863 = arith.muli %while3A_859, %mul3A_862 : i32
          %get3A_864 = arith.index_cast %mul3A_863 : i32 to index
          %get3A_865 = tpu.vector_load %arg12[%get3A_864] {strides = array<i32>} : memref<1024xf32, #tpu.memory_space<vmem>>, vector<16xf32>,
          %eq3A_866 = vector.broadcast %reduce_max3A_440 : f32 to vector<16xf32>
          %eq3A_867 = arith.cmpf oeq, %get3A_865, %eq3A_866 : vector<16xf32>
          %all_reduce_population_count3A_868 = tpu.all_reduce %eq3A_867 {dim = 0 : i64, kind = #tpu.reduction_kind<sum>} : vector<16xi1> -> vector<16xi32>
          %gt3A_869 = arith.constant 0 : i32
          %gt3A_870 = vector.broadcast %gt3A_869 : i32 to vector<16xi32>
          %gt3A_871 = arith.cmpi sgt, %all_reduce_population_count3A_868, %gt3A_870 : vector<16xi32>
          %eq3A_872 = arith.constant 0 : i32
          %eq3A_873 = vector.broadcast %eq3A_872 : i32 to vector<16xi32>
          %eq3A_874 = arith.cmpi eq, %while3A_861, %eq3A_873 : vector<16xi32>
          %and3A_875 = arith.andi %gt3A_871, %eq3A_874 : vector<16xi1>
          %broadcast_in_dim3A_876 = vector.broadcast %while3A_859 : i32 to vector<16xi32>
          %select_n3A_877 = arith.select %and3A_875, %broadcast_in_dim3A_876, %while3A_860 : vector<16xi1>, vector<16xi32>
          %gt3A_878 = arith.constant 0 : i32
          %gt3A_879 = vector.broadcast %gt3A_878 : i32 to vector<16xi32>
          %gt3A_880 = arith.cmpi sgt, %all_reduce_population_count3A_868, %gt3A_879 : vector<16xi32>
          %jit3A_881 = arith.constant 1 : i32
          %broadcast_in_dim3A_882 = vector.broadcast %jit3A_881 : i32 to vector<16xi32>
          %select_n3A_883 = arith.select %gt3A_880, %broadcast_in_dim3A_882, %while3A_861 : vector<16xi1>, vector<16xi32>
          scf.yield %select_n3A_877, %select_n3A_883 : vector<16xi32>, vector<16xi32>
        }
        %while3A_454 = arith.constant 1 : i32
        %while3A_455:2 = scf.for %while3A_859 = %while3A_451 to %while3A_447 step %while3A_454 iter_args(%while3A_860 = %while3A_453#0, %while3A_861 = %while3A_453#1) -> (vector<16xi32>, vector<16xi32>)  : i32 {
          %mul3A_862 = arith.constant 16 : i32
          %mul3A_863 = arith.muli %while3A_859, %mul3A_862 : i32
          %get3A_864 = arith.index_cast %mul3A_863 : i32 to index
          %get3A_865 = tpu.vector_load %arg12[%get3A_864] {strides = array<i32>} : memref<1024xf32, #tpu.memory_space<vmem>>, vector<16xf32>,
          %eq3A_866 = vector.broadcast %reduce_max3A_440 : f32 to vector<16xf32>
          %eq3A_867 = arith.cmpf oeq, %get3A_865, %eq3A_866 : vector<16xf32>
          %all_reduce_population_count3A_868 = tpu.all_reduce %eq3A_867 {dim = 0 : i64, kind = #tpu.reduction_kind<sum>} : vector<16xi1> -> vector<16xi32>
          %gt3A_869 = arith.constant 0 : i32
          %gt3A_870 = vector.broadcast %gt3A_869 : i32 to vector<16xi32>
          %gt3A_871 = arith.cmpi sgt, %all_reduce_population_count3A_868, %gt3A_870 : vector<16xi32>
          %eq3A_872 = arith.constant 0 : i32
          %eq3A_873 = vector.broadcast %eq3A_872 : i32 to vector<16xi32>
          %eq3A_874 = arith.cmpi eq, %while3A_861, %eq3A_873 : vector<16xi32>
          %and3A_875 = arith.andi %gt3A_871, %eq3A_874 : vector<16xi1>
          %broadcast_in_dim3A_876 = vector.broadcast %while3A_859 : i32 to vector<16xi32>
          %select_n3A_877 = arith.select %and3A_875, %broadcast_in_dim3A_876, %while3A_860 : vector<16xi1>, vector<16xi32>
          %gt3A_878 = arith.constant 0 : i32
          %gt3A_879 = vector.broadcast %gt3A_878 : i32 to vector<16xi32>
          %gt3A_880 = arith.cmpi sgt, %all_reduce_population_count3A_868, %gt3A_879 : vector<16xi32>
          %jit3A_881 = arith.constant 1 : i32
          %broadcast_in_dim3A_882 = vector.broadcast %jit3A_881 : i32 to vector<16xi32>
          %select_n3A_883 = arith.select %gt3A_880, %broadcast_in_dim3A_882, %while3A_861 : vector<16xi1>, vector<16xi32>
          scf.yield %select_n3A_877, %select_n3A_883 : vector<16xi32>, vector<16xi32>
        }
        %mul3A_456 = arith.constant 16 : i32
        %mul3A_457 = vector.broadcast %mul3A_456 : i32 to vector<16xi32>
        %mul3A_458 = arith.muli %while3A_455#0, %mul3A_457 : vector<16xi32>
        %add3A_459 = arith.addi %mul3A_458, %iota3A : vector<16xi32>
        %gather3A_460 = tpu.vector_load_idx %arg12[%add3A_459] : memref<1024xf32, #tpu.memory_space<vmem>>[vector<16xi32>], vector<16xf32>,
        %eq3A_461 = vector.broadcast %reduce_max3A_440 : f32 to vector<16xf32>
        %eq3A_462 = arith.cmpf oeq, %gather3A_460, %eq3A_461 : vector<16xf32>
        %all_reduce_ffs3A = tpu.all_reduce %eq3A_462 {dim = 0 : i64, kind = #tpu.reduction_kind<find_first_set>} : vector<16xi1> -> vector<16xi32>
        %mul3A_463 = arith.constant 16 : i32
        %mul3A_464 = vector.broadcast %mul3A_463 : i32 to vector<16xi32>
        %mul3A_465 = arith.muli %while3A_455#0, %mul3A_464 : vector<16xi32>
        %add3A_466 = arith.addi %mul3A_465, %all_reduce_ffs3A : vector<16xi32>
        %eq3A_467 = arith.constant 0 : i32
        %eq3A_468 = vector.broadcast %eq3A_467 : i32 to vector<16xi32>
        %eq3A_469 = arith.cmpi eq, %iota3A, %eq3A_468 : vector<16xi32>
        tpu.vector_store_idx %arg12[%add3A_466], %broadcast_in_dim3A_320 masked %eq3A_469 : memref<1024xf32, #tpu.memory_space<vmem>>[vector<16xi32>], vector<16xf32>, vector<16xi1>
        %gather3A_470 = tpu.vector_load_idx %arg13[%add3A_466] : memref<1024xf32, #tpu.memory_space<vmem>>[vector<16xi32>], vector<16xf32>,
        %gather3A_471 = tpu.vector_load_idx %arg14[%add3A_466] : memref<1024xf32, #tpu.memory_space<vmem>>[vector<16xi32>], vector<16xf32>,
        %gather3A_472 = tpu.vector_load_idx %arg15[%add3A_466] : memref<1024xf32, #tpu.memory_space<vmem>>[vector<16xi32>], vector<16xf32>,
        %get3A_473 = arith.constant 0 : index
        %get3A_474 = tpu.vector_load %arg16[%get3A_473] {strides = array<i32>} : memref<256xf32, #tpu.memory_space<vmem>>, vector<16xf32>,
        %get3A_475 = arith.constant 64 : index
        %get3A_476 = tpu.vector_load %arg16[%get3A_475] {strides = array<i32>} : memref<256xf32, #tpu.memory_space<vmem>>, vector<16xf32>,
        %get3A_477 = arith.constant 128 : index
        %get3A_478 = tpu.vector_load %arg16[%get3A_477] {strides = array<i32>} : memref<256xf32, #tpu.memory_space<vmem>>, vector<16xf32>,
        %get3A_479 = arith.constant 192 : index
        %get3A_480 = tpu.vector_load %arg16[%get3A_479] {strides = array<i32>} : memref<256xf32, #tpu.memory_space<vmem>>, vector<16xf32>,
        %sub3A_481 = arith.subf %gather3A_470, %get3A_474 : vector<16xf32>
        %abs3A = math.absf %sub3A_481 : vector<16xf32>
        %sub3A_482 = arith.subf %gather3A_471, %get3A_476 : vector<16xf32>
        %abs3A_483 = math.absf %sub3A_482 : vector<16xf32>
        %mul3A_484 = arith.mulf %abs3A, %abs3A_483 : vector<16xf32>
        %min3A = arith.minimumf %get3A_478, %gather3A_472 : vector<16xf32>
        %gt3A_485 = arith.cmpf ogt, %mul3A_484, %min3A : vector<16xf32>
        %jit3A_486 = arith.constant 0.000000e+00 : f32
        %broadcast_in_dim3A_487 = vector.broadcast %jit3A_486 : f32 to vector<16xf32>
        %select_n3A_488 = arith.select %gt3A_485, %broadcast_in_dim3A_487, %mul3A_484 : vector<16xi1>, vector<16xf32>
        %add3A_489 = arith.addf %gather3A_472, %get3A_478 : vector<16xf32>
        %sub3A_490 = arith.subf %add3A_489, %select_n3A_488 : vector<16xf32>
        %eq3A_491 = arith.constant 0.000000e+00 : f32
        %eq3A_492 = vector.broadcast %eq3A_491 : f32 to vector<16xf32>
        %eq3A_493 = arith.cmpf oeq, %sub3A_490, %eq3A_492 : vector<16xf32>
        %jit3A_494 = arith.constant 9.99999996E-13 : f32
        %broadcast_in_dim3A_495 = vector.broadcast %jit3A_494 : f32 to vector<16xf32>
        %select_n3A_496 = arith.select %eq3A_493, %broadcast_in_dim3A_495, %sub3A_490 : vector<16xi1>, vector<16xf32>
        %broadcast_in_dim3A_497 = arith.constant 2129859011 : i32
        %broadcast_in_dim3A_498 = vector.broadcast %broadcast_in_dim3A_497 : i32 to vector<16xi32>
        %bitcast3A_499 = vector.bitcast %select_n3A_496 : vector<16xf32> to vector<16xi32>
        %sub3A_500 = arith.subi %broadcast_in_dim3A_498, %bitcast3A_499 : vector<16xi32>
        %bitcast3A_501 = vector.bitcast %sub3A_500 : vector<16xi32> to vector<16xf32>
        %mul3A_502 = arith.mulf %select_n3A_496, %bitcast3A_501 : vector<16xf32>
        %sub3A_503 = arith.constant 2.000000e+00 : f32
        %sub3A_504 = vector.broadcast %sub3A_503 : f32 to vector<16xf32>
        %sub3A_505 = arith.subf %sub3A_504, %mul3A_502 : vector<16xf32>
        %mul3A_506 = arith.mulf %bitcast3A_501, %sub3A_505 : vector<16xf32>
        %mul3A_507 = arith.mulf %select_n3A_496, %mul3A_506 : vector<16xf32>
        %sub3A_508 = arith.constant 2.000000e+00 : f32
        %sub3A_509 = vector.broadcast %sub3A_508 : f32 to vector<16xf32>
        %sub3A_510 = arith.subf %sub3A_509, %mul3A_507 : vector<16xf32>
        %mul3A_511 = arith.mulf %mul3A_506, %sub3A_510 : vector<16xf32>
        %mul3A_512 = arith.mulf %select_n3A_496, %mul3A_511 : vector<16xf32>
        %sub3A_513 = arith.constant 2.000000e+00 : f32
        %sub3A_514 = vector.broadcast %sub3A_513 : f32 to vector<16xf32>
        %sub3A_515 = arith.subf %sub3A_514, %mul3A_512 : vector<16xf32>
        %mul3A_516 = arith.mulf %mul3A_511, %sub3A_515 : vector<16xf32>
        %mul3A_517 = arith.mulf %select_n3A_488, %mul3A_516 : vector<16xf32>
        %lt3A_518 = arith.constant 5.000000e-01 : f32
        %lt3A_519 = vector.broadcast %lt3A_518 : f32 to vector<16xf32>
        %lt3A_520 = arith.cmpf olt, %get3A_480, %lt3A_519 : vector<16xf32>
        %mul3A_521 = arith.constant 5.000000e-01 : f32
        %mul3A_522 = vector.broadcast %mul3A_521 : f32 to vector<16xf32>
        %mul3A_523 = arith.mulf %mul3A_522, %select_n3A_496 : vector<16xf32>
        %gt3A_524 = arith.cmpf ogt, %select_n3A_488, %mul3A_523 : vector<16xf32>
        %and3A_525 = arith.andi %lt3A_520, %gt3A_524 : vector<16xi1>
        %add3A_526 = arith.constant 0 : i32
        %add3A_527 = vector.broadcast %add3A_526 : i32 to vector<16xi32>
        %add3A_528 = arith.addi %iota3A, %add3A_527 : vector<16xi32>
        %lt3A_529 = arith.cmpi slt, %add3A_528, %broadcast_in_dim3A_254 : vector<16xi32>
        %and3A_530 = arith.andi %and3A_525, %lt3A_529 : vector<16xi1>
        %jit3A_531 = arith.constant -1.000000e+30 : f32
        %broadcast_in_dim3A_532 = vector.broadcast %jit3A_531 : f32 to vector<16xf32>
        %select_n3A_533 = arith.select %and3A_530, %mul3A_517, %broadcast_in_dim3A_532 : vector<16xi1>, vector<16xf32>
        %get3A_534 = arith.constant 16 : index
        %get3A_535 = tpu.vector_load %arg16[%get3A_534] {strides = array<i32>} : memref<256xf32, #tpu.memory_space<vmem>>, vector<16xf32>,
        %get3A_536 = arith.constant 80 : index
        %get3A_537 = tpu.vector_load %arg16[%get3A_536] {strides = array<i32>} : memref<256xf32, #tpu.memory_space<vmem>>, vector<16xf32>,
        %get3A_538 = arith.constant 144 : index
        %get3A_539 = tpu.vector_load %arg16[%get3A_538] {strides = array<i32>} : memref<256xf32, #tpu.memory_space<vmem>>, vector<16xf32>,
        %get3A_540 = arith.constant 208 : index
        %get3A_541 = tpu.vector_load %arg16[%get3A_540] {strides = array<i32>} : memref<256xf32, #tpu.memory_space<vmem>>, vector<16xf32>,
        %sub3A_542 = arith.subf %gather3A_470, %get3A_535 : vector<16xf32>
        %abs3A_543 = math.absf %sub3A_542 : vector<16xf32>
        %sub3A_544 = arith.subf %gather3A_471, %get3A_537 : vector<16xf32>
        %abs3A_545 = math.absf %sub3A_544 : vector<16xf32>
        %mul3A_546 = arith.mulf %abs3A_543, %abs3A_545 : vector<16xf32>
        %min3A_547 = arith.minimumf %get3A_539, %gather3A_472 : vector<16xf32>
        %gt3A_548 = arith.cmpf ogt, %mul3A_546, %min3A_547 : vector<16xf32>
        %jit3A_549 = arith.constant 0.000000e+00 : f32
        %broadcast_in_dim3A_550 = vector.broadcast %jit3A_549 : f32 to vector<16xf32>
        %select_n3A_551 = arith.select %gt3A_548, %broadcast_in_dim3A_550, %mul3A_546 : vector<16xi1>, vector<16xf32>
        %add3A_552 = arith.addf %gather3A_472, %get3A_539 : vector<16xf32>
        %sub3A_553 = arith.subf %add3A_552, %select_n3A_551 : vector<16xf32>
        %eq3A_554 = arith.constant 0.000000e+00 : f32
        %eq3A_555 = vector.broadcast %eq3A_554 : f32 to vector<16xf32>
        %eq3A_556 = arith.cmpf oeq, %sub3A_553, %eq3A_555 : vector<16xf32>
        %jit3A_557 = arith.constant 9.99999996E-13 : f32
        %broadcast_in_dim3A_558 = vector.broadcast %jit3A_557 : f32 to vector<16xf32>
        %select_n3A_559 = arith.select %eq3A_556, %broadcast_in_dim3A_558, %sub3A_553 : vector<16xi1>, vector<16xf32>
        %broadcast_in_dim3A_560 = arith.constant 2129859011 : i32
        %broadcast_in_dim3A_561 = vector.broadcast %broadcast_in_dim3A_560 : i32 to vector<16xi32>
        %bitcast3A_562 = vector.bitcast %select_n3A_559 : vector<16xf32> to vector<16xi32>
        %sub3A_563 = arith.subi %broadcast_in_dim3A_561, %bitcast3A_562 : vector<16xi32>
        %bitcast3A_564 = vector.bitcast %sub3A_563 : vector<16xi32> to vector<16xf32>
        %mul3A_565 = arith.mulf %select_n3A_559, %bitcast3A_564 : vector<16xf32>
        %sub3A_566 = arith.constant 2.000000e+00 : f32
        %sub3A_567 = vector.broadcast %sub3A_566 : f32 to vector<16xf32>
        %sub3A_568 = arith.subf %sub3A_567, %mul3A_565 : vector<16xf32>
        %mul3A_569 = arith.mulf %bitcast3A_564, %sub3A_568 : vector<16xf32>
        %mul3A_570 = arith.mulf %select_n3A_559, %mul3A_569 : vector<16xf32>
        %sub3A_571 = arith.constant 2.000000e+00 : f32
        %sub3A_572 = vector.broadcast %sub3A_571 : f32 to vector<16xf32>
        %sub3A_573 = arith.subf %sub3A_572, %mul3A_570 : vector<16xf32>
        %mul3A_574 = arith.mulf %mul3A_569, %sub3A_573 : vector<16xf32>
        %mul3A_575 = arith.mulf %select_n3A_559, %mul3A_574 : vector<16xf32>
        %sub3A_576 = arith.constant 2.000000e+00 : f32
        %sub3A_577 = vector.broadcast %sub3A_576 : f32 to vector<16xf32>
        %sub3A_578 = arith.subf %sub3A_577, %mul3A_575 : vector<16xf32>
        %mul3A_579 = arith.mulf %mul3A_574, %sub3A_578 : vector<16xf32>
        %mul3A_580 = arith.mulf %select_n3A_551, %mul3A_579 : vector<16xf32>
        %lt3A_581 = arith.constant 5.000000e-01 : f32
        %lt3A_582 = vector.broadcast %lt3A_581 : f32 to vector<16xf32>
        %lt3A_583 = arith.cmpf olt, %get3A_541, %lt3A_582 : vector<16xf32>
        %mul3A_584 = arith.constant 5.000000e-01 : f32
        %mul3A_585 = vector.broadcast %mul3A_584 : f32 to vector<16xf32>
        %mul3A_586 = arith.mulf %mul3A_585, %select_n3A_559 : vector<16xf32>
        %gt3A_587 = arith.cmpf ogt, %select_n3A_551, %mul3A_586 : vector<16xf32>
        %and3A_588 = arith.andi %lt3A_583, %gt3A_587 : vector<16xi1>
        %add3A_589 = arith.constant 16 : i32
        %add3A_590 = vector.broadcast %add3A_589 : i32 to vector<16xi32>
        %add3A_591 = arith.addi %iota3A, %add3A_590 : vector<16xi32>
        %lt3A_592 = arith.cmpi slt, %add3A_591, %broadcast_in_dim3A_254 : vector<16xi32>
        %and3A_593 = arith.andi %and3A_588, %lt3A_592 : vector<16xi1>
        %jit3A_594 = arith.constant -1.000000e+30 : f32
        %broadcast_in_dim3A_595 = vector.broadcast %jit3A_594 : f32 to vector<16xf32>
        %select_n3A_596 = arith.select %and3A_593, %mul3A_580, %broadcast_in_dim3A_595 : vector<16xi1>, vector<16xf32>
        %get3A_597 = arith.constant 32 : index
        %get3A_598 = tpu.vector_load %arg16[%get3A_597] {strides = array<i32>} : memref<256xf32, #tpu.memory_space<vmem>>, vector<16xf32>,
        %get3A_599 = arith.constant 96 : index
        %get3A_600 = tpu.vector_load %arg16[%get3A_599] {strides = array<i32>} : memref<256xf32, #tpu.memory_space<vmem>>, vector<16xf32>,
        %get3A_601 = arith.constant 160 : index
        %get3A_602 = tpu.vector_load %arg16[%get3A_601] {strides = array<i32>} : memref<256xf32, #tpu.memory_space<vmem>>, vector<16xf32>,
        %get3A_603 = arith.constant 224 : index
        %get3A_604 = tpu.vector_load %arg16[%get3A_603] {strides = array<i32>} : memref<256xf32, #tpu.memory_space<vmem>>, vector<16xf32>,
        %sub3A_605 = arith.subf %gather3A_470, %get3A_598 : vector<16xf32>
        %abs3A_606 = math.absf %sub3A_605 : vector<16xf32>
        %sub3A_607 = arith.subf %gather3A_471, %get3A_600 : vector<16xf32>
        %abs3A_608 = math.absf %sub3A_607 : vector<16xf32>
        %mul3A_609 = arith.mulf %abs3A_606, %abs3A_608 : vector<16xf32>
        %min3A_610 = arith.minimumf %get3A_602, %gather3A_472 : vector<16xf32>
        %gt3A_611 = arith.cmpf ogt, %mul3A_609, %min3A_610 : vector<16xf32>
        %jit3A_612 = arith.constant 0.000000e+00 : f32
        %broadcast_in_dim3A_613 = vector.broadcast %jit3A_612 : f32 to vector<16xf32>
        %select_n3A_614 = arith.select %gt3A_611, %broadcast_in_dim3A_613, %mul3A_609 : vector<16xi1>, vector<16xf32>
        %add3A_615 = arith.addf %gather3A_472, %get3A_602 : vector<16xf32>
        %sub3A_616 = arith.subf %add3A_615, %select_n3A_614 : vector<16xf32>
        %eq3A_617 = arith.constant 0.000000e+00 : f32
        %eq3A_618 = vector.broadcast %eq3A_617 : f32 to vector<16xf32>
        %eq3A_619 = arith.cmpf oeq, %sub3A_616, %eq3A_618 : vector<16xf32>
        %jit3A_620 = arith.constant 9.99999996E-13 : f32
        %broadcast_in_dim3A_621 = vector.broadcast %jit3A_620 : f32 to vector<16xf32>
        %select_n3A_622 = arith.select %eq3A_619, %broadcast_in_dim3A_621, %sub3A_616 : vector<16xi1>, vector<16xf32>
        %broadcast_in_dim3A_623 = arith.constant 2129859011 : i32
        %broadcast_in_dim3A_624 = vector.broadcast %broadcast_in_dim3A_623 : i32 to vector<16xi32>
        %bitcast3A_625 = vector.bitcast %select_n3A_622 : vector<16xf32> to vector<16xi32>
        %sub3A_626 = arith.subi %broadcast_in_dim3A_624, %bitcast3A_625 : vector<16xi32>
        %bitcast3A_627 = vector.bitcast %sub3A_626 : vector<16xi32> to vector<16xf32>
        %mul3A_628 = arith.mulf %select_n3A_622, %bitcast3A_627 : vector<16xf32>
        %sub3A_629 = arith.constant 2.000000e+00 : f32
        %sub3A_630 = vector.broadcast %sub3A_629 : f32 to vector<16xf32>
        %sub3A_631 = arith.subf %sub3A_630, %mul3A_628 : vector<16xf32>
        %mul3A_632 = arith.mulf %bitcast3A_627, %sub3A_631 : vector<16xf32>
        %mul3A_633 = arith.mulf %select_n3A_622, %mul3A_632 : vector<16xf32>
        %sub3A_634 = arith.constant 2.000000e+00 : f32
        %sub3A_635 = vector.broadcast %sub3A_634 : f32 to vector<16xf32>
        %sub3A_636 = arith.subf %sub3A_635, %mul3A_633 : vector<16xf32>
        %mul3A_637 = arith.mulf %mul3A_632, %sub3A_636 : vector<16xf32>
        %mul3A_638 = arith.mulf %select_n3A_622, %mul3A_637 : vector<16xf32>
        %sub3A_639 = arith.constant 2.000000e+00 : f32
        %sub3A_640 = vector.broadcast %sub3A_639 : f32 to vector<16xf32>
        %sub3A_641 = arith.subf %sub3A_640, %mul3A_638 : vector<16xf32>
        %mul3A_642 = arith.mulf %mul3A_637, %sub3A_641 : vector<16xf32>
        %mul3A_643 = arith.mulf %select_n3A_614, %mul3A_642 : vector<16xf32>
        %lt3A_644 = arith.constant 5.000000e-01 : f32
        %lt3A_645 = vector.broadcast %lt3A_644 : f32 to vector<16xf32>
        %lt3A_646 = arith.cmpf olt, %get3A_604, %lt3A_645 : vector<16xf32>
        %mul3A_647 = arith.constant 5.000000e-01 : f32
        %mul3A_648 = vector.broadcast %mul3A_647 : f32 to vector<16xf32>
        %mul3A_649 = arith.mulf %mul3A_648, %select_n3A_622 : vector<16xf32>
        %gt3A_650 = arith.cmpf ogt, %select_n3A_614, %mul3A_649 : vector<16xf32>
        %and3A_651 = arith.andi %lt3A_646, %gt3A_650 : vector<16xi1>
        %add3A_652 = arith.constant 32 : i32
        %add3A_653 = vector.broadcast %add3A_652 : i32 to vector<16xi32>
        %add3A_654 = arith.addi %iota3A, %add3A_653 : vector<16xi32>
        %lt3A_655 = arith.cmpi slt, %add3A_654, %broadcast_in_dim3A_254 : vector<16xi32>
        %and3A_656 = arith.andi %and3A_651, %lt3A_655 : vector<16xi1>
        %jit3A_657 = arith.constant -1.000000e+30 : f32
        %broadcast_in_dim3A_658 = vector.broadcast %jit3A_657 : f32 to vector<16xf32>
        %select_n3A_659 = arith.select %and3A_656, %mul3A_643, %broadcast_in_dim3A_658 : vector<16xi1>, vector<16xf32>
        %get3A_660 = arith.constant 48 : index
        %get3A_661 = tpu.vector_load %arg16[%get3A_660] {strides = array<i32>} : memref<256xf32, #tpu.memory_space<vmem>>, vector<16xf32>,
        %get3A_662 = arith.constant 112 : index
        %get3A_663 = tpu.vector_load %arg16[%get3A_662] {strides = array<i32>} : memref<256xf32, #tpu.memory_space<vmem>>, vector<16xf32>,
        %get3A_664 = arith.constant 176 : index
        %get3A_665 = tpu.vector_load %arg16[%get3A_664] {strides = array<i32>} : memref<256xf32, #tpu.memory_space<vmem>>, vector<16xf32>,
        %get3A_666 = arith.constant 240 : index
        %get3A_667 = tpu.vector_load %arg16[%get3A_666] {strides = array<i32>} : memref<256xf32, #tpu.memory_space<vmem>>, vector<16xf32>,
        %sub3A_668 = arith.subf %gather3A_470, %get3A_661 : vector<16xf32>
        %abs3A_669 = math.absf %sub3A_668 : vector<16xf32>
        %sub3A_670 = arith.subf %gather3A_471, %get3A_663 : vector<16xf32>
        %abs3A_671 = math.absf %sub3A_670 : vector<16xf32>
        %mul3A_672 = arith.mulf %abs3A_669, %abs3A_671 : vector<16xf32>
        %min3A_673 = arith.minimumf %get3A_665, %gather3A_472 : vector<16xf32>
        %gt3A_674 = arith.cmpf ogt, %mul3A_672, %min3A_673 : vector<16xf32>
        %jit3A_675 = arith.constant 0.000000e+00 : f32
        %broadcast_in_dim3A_676 = vector.broadcast %jit3A_675 : f32 to vector<16xf32>
        %select_n3A_677 = arith.select %gt3A_674, %broadcast_in_dim3A_676, %mul3A_672 : vector<16xi1>, vector<16xf32>
        %add3A_678 = arith.addf %gather3A_472, %get3A_665 : vector<16xf32>
        %sub3A_679 = arith.subf %add3A_678, %select_n3A_677 : vector<16xf32>
        %eq3A_680 = arith.constant 0.000000e+00 : f32
        %eq3A_681 = vector.broadcast %eq3A_680 : f32 to vector<16xf32>
        %eq3A_682 = arith.cmpf oeq, %sub3A_679, %eq3A_681 : vector<16xf32>
        %jit3A_683 = arith.constant 9.99999996E-13 : f32
        %broadcast_in_dim3A_684 = vector.broadcast %jit3A_683 : f32 to vector<16xf32>
        %select_n3A_685 = arith.select %eq3A_682, %broadcast_in_dim3A_684, %sub3A_679 : vector<16xi1>, vector<16xf32>
        %broadcast_in_dim3A_686 = arith.constant 2129859011 : i32
        %broadcast_in_dim3A_687 = vector.broadcast %broadcast_in_dim3A_686 : i32 to vector<16xi32>
        %bitcast3A_688 = vector.bitcast %select_n3A_685 : vector<16xf32> to vector<16xi32>
        %sub3A_689 = arith.subi %broadcast_in_dim3A_687, %bitcast3A_688 : vector<16xi32>
        %bitcast3A_690 = vector.bitcast %sub3A_689 : vector<16xi32> to vector<16xf32>
        %mul3A_691 = arith.mulf %select_n3A_685, %bitcast3A_690 : vector<16xf32>
        %sub3A_692 = arith.constant 2.000000e+00 : f32
        %sub3A_693 = vector.broadcast %sub3A_692 : f32 to vector<16xf32>
        %sub3A_694 = arith.subf %sub3A_693, %mul3A_691 : vector<16xf32>
        %mul3A_695 = arith.mulf %bitcast3A_690, %sub3A_694 : vector<16xf32>
        %mul3A_696 = arith.mulf %select_n3A_685, %mul3A_695 : vector<16xf32>
        %sub3A_697 = arith.constant 2.000000e+00 : f32
        %sub3A_698 = vector.broadcast %sub3A_697 : f32 to vector<16xf32>
        %sub3A_699 = arith.subf %sub3A_698, %mul3A_696 : vector<16xf32>
        %mul3A_700 = arith.mulf %mul3A_695, %sub3A_699 : vector<16xf32>
        %mul3A_701 = arith.mulf %select_n3A_685, %mul3A_700 : vector<16xf32>
        %sub3A_702 = arith.constant 2.000000e+00 : f32
        %sub3A_703 = vector.broadcast %sub3A_702 : f32 to vector<16xf32>
        %sub3A_704 = arith.subf %sub3A_703, %mul3A_701 : vector<16xf32>
        %mul3A_705 = arith.mulf %mul3A_700, %sub3A_704 : vector<16xf32>
        %mul3A_706 = arith.mulf %select_n3A_677, %mul3A_705 : vector<16xf32>
        %lt3A_707 = arith.constant 5.000000e-01 : f32
        %lt3A_708 = vector.broadcast %lt3A_707 : f32 to vector<16xf32>
        %lt3A_709 = arith.cmpf olt, %get3A_667, %lt3A_708 : vector<16xf32>
        %mul3A_710 = arith.constant 5.000000e-01 : f32
        %mul3A_711 = vector.broadcast %mul3A_710 : f32 to vector<16xf32>
        %mul3A_712 = arith.mulf %mul3A_711, %select_n3A_685 : vector<16xf32>
        %gt3A_713 = arith.cmpf ogt, %select_n3A_677, %mul3A_712 : vector<16xf32>
        %and3A_714 = arith.andi %lt3A_709, %gt3A_713 : vector<16xi1>
        %add3A_715 = arith.constant 48 : i32
        %add3A_716 = vector.broadcast %add3A_715 : i32 to vector<16xi32>
        %add3A_717 = arith.addi %iota3A, %add3A_716 : vector<16xi32>
        %lt3A_718 = arith.cmpi slt, %add3A_717, %broadcast_in_dim3A_254 : vector<16xi32>
        %and3A_719 = arith.andi %and3A_714, %lt3A_718 : vector<16xi1>
        %jit3A_720 = arith.constant -1.000000e+30 : f32
        %broadcast_in_dim3A_721 = vector.broadcast %jit3A_720 : f32 to vector<16xf32>
        %select_n3A_722 = arith.select %and3A_719, %mul3A_706, %broadcast_in_dim3A_721 : vector<16xi1>, vector<16xf32>
        %max3A_723 = arith.maximumf %select_n3A_533, %select_n3A_596 : vector<16xf32>
        %max3A_724 = arith.maximumf %select_n3A_659, %select_n3A_722 : vector<16xf32>
        %max3A_725 = arith.maximumf %max3A_723, %max3A_724 : vector<16xf32>
        %reduce_max3A_726 = arith.constant true
        %reduce_max3A_727 = vector.broadcast %reduce_max3A_726 : i1 to vector<16xi1>
        %reduce_max3A_728 = tpu.scan <max>, %max3A_725 masked %reduce_max3A_727 : vector<16xf32>, vector<16xi1> -> vector<16xf32>
        %reduce_max3A_729 = vector.extract %reduce_max3A_728[15] : f32 from vector<16xf32>
        %gt3A_730 = arith.constant 2.500000e-01 : f32
        %gt3A_731 = arith.cmpf ogt, %reduce_max3A_729, %gt3A_730 : f32
        %broadcast_in_dim3A_732 = arith.constant 0 : i32
        %broadcast_in_dim3A_733 = vector.broadcast %broadcast_in_dim3A_732 : i32 to vector<16xi32>
        %broadcast_in_dim3A_734 = arith.constant 0 : i32
        %broadcast_in_dim3A_735 = vector.broadcast %broadcast_in_dim3A_734 : i32 to vector<16xi32>
        %eq3A_736 = vector.broadcast %reduce_max3A_729 : f32 to vector<16xf32>
        %eq3A_737 = arith.cmpf oeq, %select_n3A_533, %eq3A_736 : vector<16xf32>
        %all_reduce_ffs3A_738 = tpu.all_reduce %eq3A_737 {dim = 0 : i64, kind = #tpu.reduction_kind<find_first_set>} : vector<16xi1> -> vector<16xi32>
        %all_reduce_population_count3A = tpu.all_reduce %eq3A_737 {dim = 0 : i64, kind = #tpu.reduction_kind<sum>} : vector<16xi1> -> vector<16xi32>
        %gt3A_739 = arith.constant 0 : i32
        %gt3A_740 = vector.broadcast %gt3A_739 : i32 to vector<16xi32>
        %gt3A_741 = arith.cmpi sgt, %all_reduce_population_count3A, %gt3A_740 : vector<16xi32>
        %eq3A_742 = arith.constant 0 : i32
        %eq3A_743 = vector.broadcast %eq3A_742 : i32 to vector<16xi32>
        %eq3A_744 = arith.cmpi eq, %broadcast_in_dim3A_733, %eq3A_743 : vector<16xi32>
        %and3A_745 = arith.andi %gt3A_741, %eq3A_744 : vector<16xi1>
        %gt3A_746 = arith.constant 2.500000e-01 : f32
        %gt3A_747 = vector.broadcast %gt3A_746 : f32 to vector<16xf32>
        %gt3A_748 = arith.cmpf ogt, %select_n3A_533, %gt3A_747 : vector<16xf32>
        %lt3A_749 = arith.cmpi slt, %iota3A, %all_reduce_ffs3A_738 : vector<16xi32>
        %and3A_750 = arith.andi %gt3A_748, %lt3A_749 : vector<16xi1>
        %all_reduce_population_count3A_751 = tpu.all_reduce %and3A_750 {dim = 0 : i64, kind = #tpu.reduction_kind<sum>} : vector<16xi1> -> vector<16xi32>
        %all_reduce_population_count3A_752 = tpu.all_reduce %gt3A_748 {dim = 0 : i64, kind = #tpu.reduction_kind<sum>} : vector<16xi1> -> vector<16xi32>
        %gt3A_753 = arith.constant 0 : i32
        %gt3A_754 = vector.broadcast %gt3A_753 : i32 to vector<16xi32>
        %gt3A_755 = arith.cmpi sgt, %broadcast_in_dim3A_733, %gt3A_754 : vector<16xi32>
        %select_n3A_756 = arith.select %and3A_745, %all_reduce_population_count3A_751, %all_reduce_population_count3A_752 : vector<16xi1>, vector<16xi32>
        %jit3A_757 = arith.constant 0 : i32
        %broadcast_in_dim3A_758 = vector.broadcast %jit3A_757 : i32 to vector<16xi32>
        %select_n3A_759 = arith.select %gt3A_755, %broadcast_in_dim3A_758, %select_n3A_756 : vector<16xi1>, vector<16xi32>
        %add3A_760 = arith.addi %broadcast_in_dim3A_735, %select_n3A_759 : vector<16xi32>
        %jit3A_761 = arith.constant 1 : i32
        %broadcast_in_dim3A_762 = vector.broadcast %jit3A_761 : i32 to vector<16xi32>
        %select_n3A_763 = arith.select %and3A_745, %broadcast_in_dim3A_762, %broadcast_in_dim3A_733 : vector<16xi1>, vector<16xi32>
        %eq3A_764 = vector.broadcast %reduce_max3A_729 : f32 to vector<16xf32>
        %eq3A_765 = arith.cmpf oeq, %select_n3A_596, %eq3A_764 : vector<16xf32>
        %all_reduce_ffs3A_766 = tpu.all_reduce %eq3A_765 {dim = 0 : i64, kind = #tpu.reduction_kind<find_first_set>} : vector<16xi1> -> vector<16xi32>
        %all_reduce_population_count3A_767 = tpu.all_reduce %eq3A_765 {dim = 0 : i64, kind = #tpu.reduction_kind<sum>} : vector<16xi1> -> vector<16xi32>
        %gt3A_768 = arith.constant 0 : i32
        %gt3A_769 = vector.broadcast %gt3A_768 : i32 to vector<16xi32>
        %gt3A_770 = arith.cmpi sgt, %all_reduce_population_count3A_767, %gt3A_769 : vector<16xi32>
        %eq3A_771 = arith.constant 0 : i32
        %eq3A_772 = vector.broadcast %eq3A_771 : i32 to vector<16xi32>
        %eq3A_773 = arith.cmpi eq, %select_n3A_763, %eq3A_772 : vector<16xi32>
        %and3A_774 = arith.andi %gt3A_770, %eq3A_773 : vector<16xi1>
        %gt3A_775 = arith.constant 2.500000e-01 : f32
        %gt3A_776 = vector.broadcast %gt3A_775 : f32 to vector<16xf32>
        %gt3A_777 = arith.cmpf ogt, %select_n3A_596, %gt3A_776 : vector<16xf32>
        %lt3A_778 = arith.cmpi slt, %iota3A, %all_reduce_ffs3A_766 : vector<16xi32>
        %and3A_779 = arith.andi %gt3A_777, %lt3A_778 : vector<16xi1>
        %all_reduce_population_count3A_780 = tpu.all_reduce %and3A_779 {dim = 0 : i64, kind = #tpu.reduction_kind<sum>} : vector<16xi1> -> vector<16xi32>
        %all_reduce_population_count3A_781 = tpu.all_reduce %gt3A_777 {dim = 0 : i64, kind = #tpu.reduction_kind<sum>} : vector<16xi1> -> vector<16xi32>
        %gt3A_782 = arith.constant 0 : i32
        %gt3A_783 = vector.broadcast %gt3A_782 : i32 to vector<16xi32>
        %gt3A_784 = arith.cmpi sgt, %select_n3A_763, %gt3A_783 : vector<16xi32>
        %select_n3A_785 = arith.select %and3A_774, %all_reduce_population_count3A_780, %all_reduce_population_count3A_781 : vector<16xi1>, vector<16xi32>
        %jit3A_786 = arith.constant 0 : i32
        %broadcast_in_dim3A_787 = vector.broadcast %jit3A_786 : i32 to vector<16xi32>
        %select_n3A_788 = arith.select %gt3A_784, %broadcast_in_dim3A_787, %select_n3A_785 : vector<16xi1>, vector<16xi32>
        %add3A_789 = arith.addi %add3A_760, %select_n3A_788 : vector<16xi32>
        %jit3A_790 = arith.constant 1 : i32
        %broadcast_in_dim3A_791 = vector.broadcast %jit3A_790 : i32 to vector<16xi32>
        %select_n3A_792 = arith.select %and3A_774, %broadcast_in_dim3A_791, %select_n3A_763 : vector<16xi1>, vector<16xi32>
        %eq3A_793 = vector.broadcast %reduce_max3A_729 : f32 to vector<16xf32>
        %eq3A_794 = arith.cmpf oeq, %select_n3A_659, %eq3A_793 : vector<16xf32>
        %all_reduce_ffs3A_795 = tpu.all_reduce %eq3A_794 {dim = 0 : i64, kind = #tpu.reduction_kind<find_first_set>} : vector<16xi1> -> vector<16xi32>
        %all_reduce_population_count3A_796 = tpu.all_reduce %eq3A_794 {dim = 0 : i64, kind = #tpu.reduction_kind<sum>} : vector<16xi1> -> vector<16xi32>
        %gt3A_797 = arith.constant 0 : i32
        %gt3A_798 = vector.broadcast %gt3A_797 : i32 to vector<16xi32>
        %gt3A_799 = arith.cmpi sgt, %all_reduce_population_count3A_796, %gt3A_798 : vector<16xi32>
        %eq3A_800 = arith.constant 0 : i32
        %eq3A_801 = vector.broadcast %eq3A_800 : i32 to vector<16xi32>
        %eq3A_802 = arith.cmpi eq, %select_n3A_792, %eq3A_801 : vector<16xi32>
        %and3A_803 = arith.andi %gt3A_799, %eq3A_802 : vector<16xi1>
        %gt3A_804 = arith.constant 2.500000e-01 : f32
        %gt3A_805 = vector.broadcast %gt3A_804 : f32 to vector<16xf32>
        %gt3A_806 = arith.cmpf ogt, %select_n3A_659, %gt3A_805 : vector<16xf32>
        %lt3A_807 = arith.cmpi slt, %iota3A, %all_reduce_ffs3A_795 : vector<16xi32>
        %and3A_808 = arith.andi %gt3A_806, %lt3A_807 : vector<16xi1>
        %all_reduce_population_count3A_809 = tpu.all_reduce %and3A_808 {dim = 0 : i64, kind = #tpu.reduction_kind<sum>} : vector<16xi1> -> vector<16xi32>
        %all_reduce_population_count3A_810 = tpu.all_reduce %gt3A_806 {dim = 0 : i64, kind = #tpu.reduction_kind<sum>} : vector<16xi1> -> vector<16xi32>
        %gt3A_811 = arith.constant 0 : i32
        %gt3A_812 = vector.broadcast %gt3A_811 : i32 to vector<16xi32>
        %gt3A_813 = arith.cmpi sgt, %select_n3A_792, %gt3A_812 : vector<16xi32>
        %select_n3A_814 = arith.select %and3A_803, %all_reduce_population_count3A_809, %all_reduce_population_count3A_810 : vector<16xi1>, vector<16xi32>
        %jit3A_815 = arith.constant 0 : i32
        %broadcast_in_dim3A_816 = vector.broadcast %jit3A_815 : i32 to vector<16xi32>
        %select_n3A_817 = arith.select %gt3A_813, %broadcast_in_dim3A_816, %select_n3A_814 : vector<16xi1>, vector<16xi32>
        %add3A_818 = arith.addi %add3A_789, %select_n3A_817 : vector<16xi32>
        %jit3A_819 = arith.constant 1 : i32
        %broadcast_in_dim3A_820 = vector.broadcast %jit3A_819 : i32 to vector<16xi32>
        %select_n3A_821 = arith.select %and3A_803, %broadcast_in_dim3A_820, %select_n3A_792 : vector<16xi1>, vector<16xi32>
        %eq3A_822 = vector.broadcast %reduce_max3A_729 : f32 to vector<16xf32>
        %eq3A_823 = arith.cmpf oeq, %select_n3A_722, %eq3A_822 : vector<16xf32>
        %all_reduce_ffs3A_824 = tpu.all_reduce %eq3A_823 {dim = 0 : i64, kind = #tpu.reduction_kind<find_first_set>} : vector<16xi1> -> vector<16xi32>
        %all_reduce_population_count3A_825 = tpu.all_reduce %eq3A_823 {dim = 0 : i64, kind = #tpu.reduction_kind<sum>} : vector<16xi1> -> vector<16xi32>
        %gt3A_826 = arith.constant 0 : i32
        %gt3A_827 = vector.broadcast %gt3A_826 : i32 to vector<16xi32>
        %gt3A_828 = arith.cmpi sgt, %all_reduce_population_count3A_825, %gt3A_827 : vector<16xi32>
        %eq3A_829 = arith.constant 0 : i32
        %eq3A_830 = vector.broadcast %eq3A_829 : i32 to vector<16xi32>
        %eq3A_831 = arith.cmpi eq, %select_n3A_821, %eq3A_830 : vector<16xi32>
        %and3A_832 = arith.andi %gt3A_828, %eq3A_831 : vector<16xi1>
        %gt3A_833 = arith.constant 2.500000e-01 : f32
        %gt3A_834 = vector.broadcast %gt3A_833 : f32 to vector<16xf32>
        %gt3A_835 = arith.cmpf ogt, %select_n3A_722, %gt3A_834 : vector<16xf32>
        %lt3A_836 = arith.cmpi slt, %iota3A, %all_reduce_ffs3A_824 : vector<16xi32>
        %and3A_837 = arith.andi %gt3A_835, %lt3A_836 : vector<16xi1>
        %all_reduce_population_count3A_838 = tpu.all_reduce %and3A_837 {dim = 0 : i64, kind = #tpu.reduction_kind<sum>} : vector<16xi1> -> vector<16xi32>
        %all_reduce_population_count3A_839 = tpu.all_reduce %gt3A_835 {dim = 0 : i64, kind = #tpu.reduction_kind<sum>} : vector<16xi1> -> vector<16xi32>
        %gt3A_840 = arith.constant 0 : i32
        %gt3A_841 = vector.broadcast %gt3A_840 : i32 to vector<16xi32>
        %gt3A_842 = arith.cmpi sgt, %select_n3A_821, %gt3A_841 : vector<16xi32>
        %select_n3A_843 = arith.select %and3A_832, %all_reduce_population_count3A_838, %all_reduce_population_count3A_839 : vector<16xi1>, vector<16xi32>
        %jit3A_844 = arith.constant 0 : i32
        %broadcast_in_dim3A_845 = vector.broadcast %jit3A_844 : i32 to vector<16xi32>
        %select_n3A_846 = arith.select %gt3A_842, %broadcast_in_dim3A_845, %select_n3A_843 : vector<16xi1>, vector<16xi32>
        %add3A_847 = arith.addi %add3A_818, %select_n3A_846 : vector<16xi32>
        %jit3A_848 = arith.constant 1 : i32
        %broadcast_in_dim3A_849 = vector.broadcast %jit3A_848 : i32 to vector<16xi32>
        %select_n3A_850 = arith.select %and3A_832, %broadcast_in_dim3A_849, %select_n3A_821 : vector<16xi1>, vector<16xi32>
        %add3A_851 = arith.constant 192 : i32
        %add3A_852 = vector.broadcast %add3A_851 : i32 to vector<16xi32>
        %add3A_853 = arith.addi %add3A_847, %add3A_852 : vector<16xi32>
        %eq3A_854 = arith.constant 0 : i32
        %eq3A_855 = vector.broadcast %eq3A_854 : i32 to vector<16xi32>
        %eq3A_856 = arith.cmpi eq, %iota3A, %eq3A_855 : vector<16xi32>
        %and3A_857 = vector.broadcast %gt3A_731 : i1 to vector<16xi1>
        %and3A_858 = arith.andi %eq3A_856, %and3A_857 : vector<16xi1>
        tpu.vector_store_idx %arg16[%add3A_853], %broadcast_in_dim3A_318 masked %and3A_858 : memref<256xf32, #tpu.memory_space<vmem>>[vector<16xi32>], vector<16xf32>, vector<16xi1>
      }
      %while3A_330 = arith.constant 1 : i32
      scf.for %while3A_425 = %while3A_328 to %while3A_324 step %while3A_330  : i32 {
        %while3A_426 = arith.constant 0 : i32
        %while3A_427 = arith.subi %shift_right_logical3A_316, %while3A_426 : i32
        %while3A_428 = arith.addi %while3A_426, %while3A_427 : i32
        %while3A_429 = arith.constant 1 : i32
        %while3A_430 = arith.divsi %while3A_427, %while3A_429 : i32
        %while3A_431 = arith.muli %while3A_430, %while3A_429 : i32
        %while3A_432 = arith.addi %while3A_426, %while3A_431 : i32
        %while3A_433 = arith.constant 1 : i32
        %while3A_434 = scf.for %while3A_859 = %while3A_426 to %while3A_432 step %while3A_433 iter_args(%while3A_860 = %broadcast_in_dim3A_320) -> (vector<16xf32>)  : i32 {
          %mul3A_861 = arith.constant 16 : i32
          %mul3A_862 = arith.muli %while3A_859, %mul3A_861 : i32
          %get3A_863 = arith.index_cast %mul3A_862 : i32 to index
          %get3A_864 = tpu.vector_load %arg12[%get3A_863] {strides = array<i32>} : memref<1024xf32, #tpu.memory_space<vmem>>, vector<16xf32>,
          %max3A_865 = arith.maximumf %while3A_860, %get3A_864 : vector<16xf32>
          scf.yield %max3A_865 : vector<16xf32>
        }
        %while3A_435 = arith.constant 1 : i32
        %while3A_436 = scf.for %while3A_859 = %while3A_432 to %while3A_428 step %while3A_435 iter_args(%while3A_860 = %while3A_434) -> (vector<16xf32>)  : i32 {
          %mul3A_861 = arith.constant 16 : i32
          %mul3A_862 = arith.muli %while3A_859, %mul3A_861 : i32
          %get3A_863 = arith.index_cast %mul3A_862 : i32 to index
          %get3A_864 = tpu.vector_load %arg12[%get3A_863] {strides = array<i32>} : memref<1024xf32, #tpu.memory_space<vmem>>, vector<16xf32>,
          %max3A_865 = arith.maximumf %while3A_860, %get3A_864 : vector<16xf32>
          scf.yield %max3A_865 : vector<16xf32>
        }
        %reduce_max3A_437 = arith.constant true
        %reduce_max3A_438 = vector.broadcast %reduce_max3A_437 : i1 to vector<16xi1>
        %reduce_max3A_439 = tpu.scan <max>, %while3A_436 masked %reduce_max3A_438 : vector<16xf32>, vector<16xi1> -> vector<16xf32>
        %reduce_max3A_440 = vector.extract %reduce_max3A_439[15] : f32 from vector<16xf32>
        %broadcast_in_dim3A_441 = arith.constant 0 : i32
        %broadcast_in_dim3A_442 = vector.broadcast %broadcast_in_dim3A_441 : i32 to vector<16xi32>
        %broadcast_in_dim3A_443 = arith.constant 0 : i32
        %broadcast_in_dim3A_444 = vector.broadcast %broadcast_in_dim3A_443 : i32 to vector<16xi32>
        %while3A_445 = arith.constant 0 : i32
        %while3A_446 = arith.subi %shift_right_logical3A_316, %while3A_445 : i32
        %while3A_447 = arith.addi %while3A_445, %while3A_446 : i32
        %while3A_448 = arith.constant 1 : i32
        %while3A_449 = arith.divsi %while3A_446, %while3A_448 : i32
        %while3A_450 = arith.muli %while3A_449, %while3A_448 : i32
        %while3A_451 = arith.addi %while3A_445, %while3A_450 : i32
        %while3A_452 = arith.constant 1 : i32
        %while3A_453:2 = scf.for %while3A_859 = %while3A_445 to %while3A_451 step %while3A_452 iter_args(%while3A_860 = %broadcast_in_dim3A_442, %while3A_861 = %broadcast_in_dim3A_444) -> (vector<16xi32>, vector<16xi32>)  : i32 {
          %mul3A_862 = arith.constant 16 : i32
          %mul3A_863 = arith.muli %while3A_859, %mul3A_862 : i32
          %get3A_864 = arith.index_cast %mul3A_863 : i32 to index
          %get3A_865 = tpu.vector_load %arg12[%get3A_864] {strides = array<i32>} : memref<1024xf32, #tpu.memory_space<vmem>>, vector<16xf32>,
          %eq3A_866 = vector.broadcast %reduce_max3A_440 : f32 to vector<16xf32>
          %eq3A_867 = arith.cmpf oeq, %get3A_865, %eq3A_866 : vector<16xf32>
          %all_reduce_population_count3A_868 = tpu.all_reduce %eq3A_867 {dim = 0 : i64, kind = #tpu.reduction_kind<sum>} : vector<16xi1> -> vector<16xi32>
          %gt3A_869 = arith.constant 0 : i32
          %gt3A_870 = vector.broadcast %gt3A_869 : i32 to vector<16xi32>
          %gt3A_871 = arith.cmpi sgt, %all_reduce_population_count3A_868, %gt3A_870 : vector<16xi32>
          %eq3A_872 = arith.constant 0 : i32
          %eq3A_873 = vector.broadcast %eq3A_872 : i32 to vector<16xi32>
          %eq3A_874 = arith.cmpi eq, %while3A_861, %eq3A_873 : vector<16xi32>
          %and3A_875 = arith.andi %gt3A_871, %eq3A_874 : vector<16xi1>
          %broadcast_in_dim3A_876 = vector.broadcast %while3A_859 : i32 to vector<16xi32>
          %select_n3A_877 = arith.select %and3A_875, %broadcast_in_dim3A_876, %while3A_860 : vector<16xi1>, vector<16xi32>
          %gt3A_878 = arith.constant 0 : i32
          %gt3A_879 = vector.broadcast %gt3A_878 : i32 to vector<16xi32>
          %gt3A_880 = arith.cmpi sgt, %all_reduce_population_count3A_868, %gt3A_879 : vector<16xi32>
          %jit3A_881 = arith.constant 1 : i32
          %broadcast_in_dim3A_882 = vector.broadcast %jit3A_881 : i32 to vector<16xi32>
          %select_n3A_883 = arith.select %gt3A_880, %broadcast_in_dim3A_882, %while3A_861 : vector<16xi1>, vector<16xi32>
          scf.yield %select_n3A_877, %select_n3A_883 : vector<16xi32>, vector<16xi32>
        }
        %while3A_454 = arith.constant 1 : i32
        %while3A_455:2 = scf.for %while3A_859 = %while3A_451 to %while3A_447 step %while3A_454 iter_args(%while3A_860 = %while3A_453#0, %while3A_861 = %while3A_453#1) -> (vector<16xi32>, vector<16xi32>)  : i32 {
          %mul3A_862 = arith.constant 16 : i32
          %mul3A_863 = arith.muli %while3A_859, %mul3A_862 : i32
          %get3A_864 = arith.index_cast %mul3A_863 : i32 to index
          %get3A_865 = tpu.vector_load %arg12[%get3A_864] {strides = array<i32>} : memref<1024xf32, #tpu.memory_space<vmem>>, vector<16xf32>,
          %eq3A_866 = vector.broadcast %reduce_max3A_440 : f32 to vector<16xf32>
          %eq3A_867 = arith.cmpf oeq, %get3A_865, %eq3A_866 : vector<16xf32>
          %all_reduce_population_count3A_868 = tpu.all_reduce %eq3A_867 {dim = 0 : i64, kind = #tpu.reduction_kind<sum>} : vector<16xi1> -> vector<16xi32>
          %gt3A_869 = arith.constant 0 : i32
          %gt3A_870 = vector.broadcast %gt3A_869 : i32 to vector<16xi32>
          %gt3A_871 = arith.cmpi sgt, %all_reduce_population_count3A_868, %gt3A_870 : vector<16xi32>
          %eq3A_872 = arith.constant 0 : i32
          %eq3A_873 = vector.broadcast %eq3A_872 : i32 to vector<16xi32>
          %eq3A_874 = arith.cmpi eq, %while3A_861, %eq3A_873 : vector<16xi32>
          %and3A_875 = arith.andi %gt3A_871, %eq3A_874 : vector<16xi1>
          %broadcast_in_dim3A_876 = vector.broadcast %while3A_859 : i32 to vector<16xi32>
          %select_n3A_877 = arith.select %and3A_875, %broadcast_in_dim3A_876, %while3A_860 : vector<16xi1>, vector<16xi32>
          %gt3A_878 = arith.constant 0 : i32
          %gt3A_879 = vector.broadcast %gt3A_878 : i32 to vector<16xi32>
          %gt3A_880 = arith.cmpi sgt, %all_reduce_population_count3A_868, %gt3A_879 : vector<16xi32>
          %jit3A_881 = arith.constant 1 : i32
          %broadcast_in_dim3A_882 = vector.broadcast %jit3A_881 : i32 to vector<16xi32>
          %select_n3A_883 = arith.select %gt3A_880, %broadcast_in_dim3A_882, %while3A_861 : vector<16xi1>, vector<16xi32>
          scf.yield %select_n3A_877, %select_n3A_883 : vector<16xi32>, vector<16xi32>
        }
        %mul3A_456 = arith.constant 16 : i32
        %mul3A_457 = vector.broadcast %mul3A_456 : i32 to vector<16xi32>
        %mul3A_458 = arith.muli %while3A_455#0, %mul3A_457 : vector<16xi32>
        %add3A_459 = arith.addi %mul3A_458, %iota3A : vector<16xi32>
        %gather3A_460 = tpu.vector_load_idx %arg12[%add3A_459] : memref<1024xf32, #tpu.memory_space<vmem>>[vector<16xi32>], vector<16xf32>,
        %eq3A_461 = vector.broadcast %reduce_max3A_440 : f32 to vector<16xf32>
        %eq3A_462 = arith.cmpf oeq, %gather3A_460, %eq3A_461 : vector<16xf32>
        %all_reduce_ffs3A = tpu.all_reduce %eq3A_462 {dim = 0 : i64, kind = #tpu.reduction_kind<find_first_set>} : vector<16xi1> -> vector<16xi32>
        %mul3A_463 = arith.constant 16 : i32
        %mul3A_464 = vector.broadcast %mul3A_463 : i32 to vector<16xi32>
        %mul3A_465 = arith.muli %while3A_455#0, %mul3A_464 : vector<16xi32>
        %add3A_466 = arith.addi %mul3A_465, %all_reduce_ffs3A : vector<16xi32>
        %eq3A_467 = arith.constant 0 : i32
        %eq3A_468 = vector.broadcast %eq3A_467 : i32 to vector<16xi32>
        %eq3A_469 = arith.cmpi eq, %iota3A, %eq3A_468 : vector<16xi32>
        tpu.vector_store_idx %arg12[%add3A_466], %broadcast_in_dim3A_320 masked %eq3A_469 : memref<1024xf32, #tpu.memory_space<vmem>>[vector<16xi32>], vector<16xf32>, vector<16xi1>
        %gather3A_470 = tpu.vector_load_idx %arg13[%add3A_466] : memref<1024xf32, #tpu.memory_space<vmem>>[vector<16xi32>], vector<16xf32>,
        %gather3A_471 = tpu.vector_load_idx %arg14[%add3A_466] : memref<1024xf32, #tpu.memory_space<vmem>>[vector<16xi32>], vector<16xf32>,
        %gather3A_472 = tpu.vector_load_idx %arg15[%add3A_466] : memref<1024xf32, #tpu.memory_space<vmem>>[vector<16xi32>], vector<16xf32>,
        %get3A_473 = arith.constant 0 : index
        %get3A_474 = tpu.vector_load %arg16[%get3A_473] {strides = array<i32>} : memref<256xf32, #tpu.memory_space<vmem>>, vector<16xf32>,
        %get3A_475 = arith.constant 64 : index
        %get3A_476 = tpu.vector_load %arg16[%get3A_475] {strides = array<i32>} : memref<256xf32, #tpu.memory_space<vmem>>, vector<16xf32>,
        %get3A_477 = arith.constant 128 : index
        %get3A_478 = tpu.vector_load %arg16[%get3A_477] {strides = array<i32>} : memref<256xf32, #tpu.memory_space<vmem>>, vector<16xf32>,
        %get3A_479 = arith.constant 192 : index
        %get3A_480 = tpu.vector_load %arg16[%get3A_479] {strides = array<i32>} : memref<256xf32, #tpu.memory_space<vmem>>, vector<16xf32>,
        %sub3A_481 = arith.subf %gather3A_470, %get3A_474 : vector<16xf32>
        %abs3A = math.absf %sub3A_481 : vector<16xf32>
        %sub3A_482 = arith.subf %gather3A_471, %get3A_476 : vector<16xf32>
        %abs3A_483 = math.absf %sub3A_482 : vector<16xf32>
        %mul3A_484 = arith.mulf %abs3A, %abs3A_483 : vector<16xf32>
        %min3A = arith.minimumf %get3A_478, %gather3A_472 : vector<16xf32>
        %gt3A_485 = arith.cmpf ogt, %mul3A_484, %min3A : vector<16xf32>
        %jit3A_486 = arith.constant 0.000000e+00 : f32
        %broadcast_in_dim3A_487 = vector.broadcast %jit3A_486 : f32 to vector<16xf32>
        %select_n3A_488 = arith.select %gt3A_485, %broadcast_in_dim3A_487, %mul3A_484 : vector<16xi1>, vector<16xf32>
        %add3A_489 = arith.addf %gather3A_472, %get3A_478 : vector<16xf32>
        %sub3A_490 = arith.subf %add3A_489, %select_n3A_488 : vector<16xf32>
        %eq3A_491 = arith.constant 0.000000e+00 : f32
        %eq3A_492 = vector.broadcast %eq3A_491 : f32 to vector<16xf32>
        %eq3A_493 = arith.cmpf oeq, %sub3A_490, %eq3A_492 : vector<16xf32>
        %jit3A_494 = arith.constant 9.99999996E-13 : f32
        %broadcast_in_dim3A_495 = vector.broadcast %jit3A_494 : f32 to vector<16xf32>
        %select_n3A_496 = arith.select %eq3A_493, %broadcast_in_dim3A_495, %sub3A_490 : vector<16xi1>, vector<16xf32>
        %broadcast_in_dim3A_497 = arith.constant 2129859011 : i32
        %broadcast_in_dim3A_498 = vector.broadcast %broadcast_in_dim3A_497 : i32 to vector<16xi32>
        %bitcast3A_499 = vector.bitcast %select_n3A_496 : vector<16xf32> to vector<16xi32>
        %sub3A_500 = arith.subi %broadcast_in_dim3A_498, %bitcast3A_499 : vector<16xi32>
        %bitcast3A_501 = vector.bitcast %sub3A_500 : vector<16xi32> to vector<16xf32>
        %mul3A_502 = arith.mulf %select_n3A_496, %bitcast3A_501 : vector<16xf32>
        %sub3A_503 = arith.constant 2.000000e+00 : f32
        %sub3A_504 = vector.broadcast %sub3A_503 : f32 to vector<16xf32>
        %sub3A_505 = arith.subf %sub3A_504, %mul3A_502 : vector<16xf32>
        %mul3A_506 = arith.mulf %bitcast3A_501, %sub3A_505 : vector<16xf32>
        %mul3A_507 = arith.mulf %select_n3A_496, %mul3A_506 : vector<16xf32>
        %sub3A_508 = arith.constant 2.000000e+00 : f32
        %sub3A_509 = vector.broadcast %sub3A_508 : f32 to vector<16xf32>
        %sub3A_510 = arith.subf %sub3A_509, %mul3A_507 : vector<16xf32>
        %mul3A_511 = arith.mulf %mul3A_506, %sub3A_510 : vector<16xf32>
        %mul3A_512 = arith.mulf %select_n3A_496, %mul3A_511 : vector<16xf32>
        %sub3A_513 = arith.constant 2.000000e+00 : f32
        %sub3A_514 = vector.broadcast %sub3A_513 : f32 to vector<16xf32>
        %sub3A_515 = arith.subf %sub3A_514, %mul3A_512 : vector<16xf32>
        %mul3A_516 = arith.mulf %mul3A_511, %sub3A_515 : vector<16xf32>
        %mul3A_517 = arith.mulf %select_n3A_488, %mul3A_516 : vector<16xf32>
        %lt3A_518 = arith.constant 5.000000e-01 : f32
        %lt3A_519 = vector.broadcast %lt3A_518 : f32 to vector<16xf32>
        %lt3A_520 = arith.cmpf olt, %get3A_480, %lt3A_519 : vector<16xf32>
        %mul3A_521 = arith.constant 5.000000e-01 : f32
        %mul3A_522 = vector.broadcast %mul3A_521 : f32 to vector<16xf32>
        %mul3A_523 = arith.mulf %mul3A_522, %select_n3A_496 : vector<16xf32>
        %gt3A_524 = arith.cmpf ogt, %select_n3A_488, %mul3A_523 : vector<16xf32>
        %and3A_525 = arith.andi %lt3A_520, %gt3A_524 : vector<16xi1>
        %add3A_526 = arith.constant 0 : i32
        %add3A_527 = vector.broadcast %add3A_526 : i32 to vector<16xi32>
        %add3A_528 = arith.addi %iota3A, %add3A_527 : vector<16xi32>
        %lt3A_529 = arith.cmpi slt, %add3A_528, %broadcast_in_dim3A_254 : vector<16xi32>
        %and3A_530 = arith.andi %and3A_525, %lt3A_529 : vector<16xi1>
        %jit3A_531 = arith.constant -1.000000e+30 : f32
        %broadcast_in_dim3A_532 = vector.broadcast %jit3A_531 : f32 to vector<16xf32>
        %select_n3A_533 = arith.select %and3A_530, %mul3A_517, %broadcast_in_dim3A_532 : vector<16xi1>, vector<16xf32>
        %get3A_534 = arith.constant 16 : index
        %get3A_535 = tpu.vector_load %arg16[%get3A_534] {strides = array<i32>} : memref<256xf32, #tpu.memory_space<vmem>>, vector<16xf32>,
        %get3A_536 = arith.constant 80 : index
        %get3A_537 = tpu.vector_load %arg16[%get3A_536] {strides = array<i32>} : memref<256xf32, #tpu.memory_space<vmem>>, vector<16xf32>,
        %get3A_538 = arith.constant 144 : index
        %get3A_539 = tpu.vector_load %arg16[%get3A_538] {strides = array<i32>} : memref<256xf32, #tpu.memory_space<vmem>>, vector<16xf32>,
        %get3A_540 = arith.constant 208 : index
        %get3A_541 = tpu.vector_load %arg16[%get3A_540] {strides = array<i32>} : memref<256xf32, #tpu.memory_space<vmem>>, vector<16xf32>,
        %sub3A_542 = arith.subf %gather3A_470, %get3A_535 : vector<16xf32>
        %abs3A_543 = math.absf %sub3A_542 : vector<16xf32>
        %sub3A_544 = arith.subf %gather3A_471, %get3A_537 : vector<16xf32>
        %abs3A_545 = math.absf %sub3A_544 : vector<16xf32>
        %mul3A_546 = arith.mulf %abs3A_543, %abs3A_545 : vector<16xf32>
        %min3A_547 = arith.minimumf %get3A_539, %gather3A_472 : vector<16xf32>
        %gt3A_548 = arith.cmpf ogt, %mul3A_546, %min3A_547 : vector<16xf32>
        %jit3A_549 = arith.constant 0.000000e+00 : f32
        %broadcast_in_dim3A_550 = vector.broadcast %jit3A_549 : f32 to vector<16xf32>
        %select_n3A_551 = arith.select %gt3A_548, %broadcast_in_dim3A_550, %mul3A_546 : vector<16xi1>, vector<16xf32>
        %add3A_552 = arith.addf %gather3A_472, %get3A_539 : vector<16xf32>
        %sub3A_553 = arith.subf %add3A_552, %select_n3A_551 : vector<16xf32>
        %eq3A_554 = arith.constant 0.000000e+00 : f32
        %eq3A_555 = vector.broadcast %eq3A_554 : f32 to vector<16xf32>
        %eq3A_556 = arith.cmpf oeq, %sub3A_553, %eq3A_555 : vector<16xf32>
        %jit3A_557 = arith.constant 9.99999996E-13 : f32
        %broadcast_in_dim3A_558 = vector.broadcast %jit3A_557 : f32 to vector<16xf32>
        %select_n3A_559 = arith.select %eq3A_556, %broadcast_in_dim3A_558, %sub3A_553 : vector<16xi1>, vector<16xf32>
        %broadcast_in_dim3A_560 = arith.constant 2129859011 : i32
        %broadcast_in_dim3A_561 = vector.broadcast %broadcast_in_dim3A_560 : i32 to vector<16xi32>
        %bitcast3A_562 = vector.bitcast %select_n3A_559 : vector<16xf32> to vector<16xi32>
        %sub3A_563 = arith.subi %broadcast_in_dim3A_561, %bitcast3A_562 : vector<16xi32>
        %bitcast3A_564 = vector.bitcast %sub3A_563 : vector<16xi32> to vector<16xf32>
        %mul3A_565 = arith.mulf %select_n3A_559, %bitcast3A_564 : vector<16xf32>
        %sub3A_566 = arith.constant 2.000000e+00 : f32
        %sub3A_567 = vector.broadcast %sub3A_566 : f32 to vector<16xf32>
        %sub3A_568 = arith.subf %sub3A_567, %mul3A_565 : vector<16xf32>
        %mul3A_569 = arith.mulf %bitcast3A_564, %sub3A_568 : vector<16xf32>
        %mul3A_570 = arith.mulf %select_n3A_559, %mul3A_569 : vector<16xf32>
        %sub3A_571 = arith.constant 2.000000e+00 : f32
        %sub3A_572 = vector.broadcast %sub3A_571 : f32 to vector<16xf32>
        %sub3A_573 = arith.subf %sub3A_572, %mul3A_570 : vector<16xf32>
        %mul3A_574 = arith.mulf %mul3A_569, %sub3A_573 : vector<16xf32>
        %mul3A_575 = arith.mulf %select_n3A_559, %mul3A_574 : vector<16xf32>
        %sub3A_576 = arith.constant 2.000000e+00 : f32
        %sub3A_577 = vector.broadcast %sub3A_576 : f32 to vector<16xf32>
        %sub3A_578 = arith.subf %sub3A_577, %mul3A_575 : vector<16xf32>
        %mul3A_579 = arith.mulf %mul3A_574, %sub3A_578 : vector<16xf32>
        %mul3A_580 = arith.mulf %select_n3A_551, %mul3A_579 : vector<16xf32>
        %lt3A_581 = arith.constant 5.000000e-01 : f32
        %lt3A_582 = vector.broadcast %lt3A_581 : f32 to vector<16xf32>
        %lt3A_583 = arith.cmpf olt, %get3A_541, %lt3A_582 : vector<16xf32>
        %mul3A_584 = arith.constant 5.000000e-01 : f32
        %mul3A_585 = vector.broadcast %mul3A_584 : f32 to vector<16xf32>
        %mul3A_586 = arith.mulf %mul3A_585, %select_n3A_559 : vector<16xf32>
        %gt3A_587 = arith.cmpf ogt, %select_n3A_551, %mul3A_586 : vector<16xf32>
        %and3A_588 = arith.andi %lt3A_583, %gt3A_587 : vector<16xi1>
        %add3A_589 = arith.constant 16 : i32
        %add3A_590 = vector.broadcast %add3A_589 : i32 to vector<16xi32>
        %add3A_591 = arith.addi %iota3A, %add3A_590 : vector<16xi32>
        %lt3A_592 = arith.cmpi slt, %add3A_591, %broadcast_in_dim3A_254 : vector<16xi32>
        %and3A_593 = arith.andi %and3A_588, %lt3A_592 : vector<16xi1>
        %jit3A_594 = arith.constant -1.000000e+30 : f32
        %broadcast_in_dim3A_595 = vector.broadcast %jit3A_594 : f32 to vector<16xf32>
        %select_n3A_596 = arith.select %and3A_593, %mul3A_580, %broadcast_in_dim3A_595 : vector<16xi1>, vector<16xf32>
        %get3A_597 = arith.constant 32 : index
        %get3A_598 = tpu.vector_load %arg16[%get3A_597] {strides = array<i32>} : memref<256xf32, #tpu.memory_space<vmem>>, vector<16xf32>,
        %get3A_599 = arith.constant 96 : index
        %get3A_600 = tpu.vector_load %arg16[%get3A_599] {strides = array<i32>} : memref<256xf32, #tpu.memory_space<vmem>>, vector<16xf32>,
        %get3A_601 = arith.constant 160 : index
        %get3A_602 = tpu.vector_load %arg16[%get3A_601] {strides = array<i32>} : memref<256xf32, #tpu.memory_space<vmem>>, vector<16xf32>,
        %get3A_603 = arith.constant 224 : index
        %get3A_604 = tpu.vector_load %arg16[%get3A_603] {strides = array<i32>} : memref<256xf32, #tpu.memory_space<vmem>>, vector<16xf32>,
        %sub3A_605 = arith.subf %gather3A_470, %get3A_598 : vector<16xf32>
        %abs3A_606 = math.absf %sub3A_605 : vector<16xf32>
        %sub3A_607 = arith.subf %gather3A_471, %get3A_600 : vector<16xf32>
        %abs3A_608 = math.absf %sub3A_607 : vector<16xf32>
        %mul3A_609 = arith.mulf %abs3A_606, %abs3A_608 : vector<16xf32>
        %min3A_610 = arith.minimumf %get3A_602, %gather3A_472 : vector<16xf32>
        %gt3A_611 = arith.cmpf ogt, %mul3A_609, %min3A_610 : vector<16xf32>
        %jit3A_612 = arith.constant 0.000000e+00 : f32
        %broadcast_in_dim3A_613 = vector.broadcast %jit3A_612 : f32 to vector<16xf32>
        %select_n3A_614 = arith.select %gt3A_611, %broadcast_in_dim3A_613, %mul3A_609 : vector<16xi1>, vector<16xf32>
        %add3A_615 = arith.addf %gather3A_472, %get3A_602 : vector<16xf32>
        %sub3A_616 = arith.subf %add3A_615, %select_n3A_614 : vector<16xf32>
        %eq3A_617 = arith.constant 0.000000e+00 : f32
        %eq3A_618 = vector.broadcast %eq3A_617 : f32 to vector<16xf32>
        %eq3A_619 = arith.cmpf oeq, %sub3A_616, %eq3A_618 : vector<16xf32>
        %jit3A_620 = arith.constant 9.99999996E-13 : f32
        %broadcast_in_dim3A_621 = vector.broadcast %jit3A_620 : f32 to vector<16xf32>
        %select_n3A_622 = arith.select %eq3A_619, %broadcast_in_dim3A_621, %sub3A_616 : vector<16xi1>, vector<16xf32>
        %broadcast_in_dim3A_623 = arith.constant 2129859011 : i32
        %broadcast_in_dim3A_624 = vector.broadcast %broadcast_in_dim3A_623 : i32 to vector<16xi32>
        %bitcast3A_625 = vector.bitcast %select_n3A_622 : vector<16xf32> to vector<16xi32>
        %sub3A_626 = arith.subi %broadcast_in_dim3A_624, %bitcast3A_625 : vector<16xi32>
        %bitcast3A_627 = vector.bitcast %sub3A_626 : vector<16xi32> to vector<16xf32>
        %mul3A_628 = arith.mulf %select_n3A_622, %bitcast3A_627 : vector<16xf32>
        %sub3A_629 = arith.constant 2.000000e+00 : f32
        %sub3A_630 = vector.broadcast %sub3A_629 : f32 to vector<16xf32>
        %sub3A_631 = arith.subf %sub3A_630, %mul3A_628 : vector<16xf32>
        %mul3A_632 = arith.mulf %bitcast3A_627, %sub3A_631 : vector<16xf32>
        %mul3A_633 = arith.mulf %select_n3A_622, %mul3A_632 : vector<16xf32>
        %sub3A_634 = arith.constant 2.000000e+00 : f32
        %sub3A_635 = vector.broadcast %sub3A_634 : f32 to vector<16xf32>
        %sub3A_636 = arith.subf %sub3A_635, %mul3A_633 : vector<16xf32>
        %mul3A_637 = arith.mulf %mul3A_632, %sub3A_636 : vector<16xf32>
        %mul3A_638 = arith.mulf %select_n3A_622, %mul3A_637 : vector<16xf32>
        %sub3A_639 = arith.constant 2.000000e+00 : f32
        %sub3A_640 = vector.broadcast %sub3A_639 : f32 to vector<16xf32>
        %sub3A_641 = arith.subf %sub3A_640, %mul3A_638 : vector<16xf32>
        %mul3A_642 = arith.mulf %mul3A_637, %sub3A_641 : vector<16xf32>
        %mul3A_643 = arith.mulf %select_n3A_614, %mul3A_642 : vector<16xf32>
        %lt3A_644 = arith.constant 5.000000e-01 : f32
        %lt3A_645 = vector.broadcast %lt3A_644 : f32 to vector<16xf32>
        %lt3A_646 = arith.cmpf olt, %get3A_604, %lt3A_645 : vector<16xf32>
        %mul3A_647 = arith.constant 5.000000e-01 : f32
        %mul3A_648 = vector.broadcast %mul3A_647 : f32 to vector<16xf32>
        %mul3A_649 = arith.mulf %mul3A_648, %select_n3A_622 : vector<16xf32>
        %gt3A_650 = arith.cmpf ogt, %select_n3A_614, %mul3A_649 : vector<16xf32>
        %and3A_651 = arith.andi %lt3A_646, %gt3A_650 : vector<16xi1>
        %add3A_652 = arith.constant 32 : i32
        %add3A_653 = vector.broadcast %add3A_652 : i32 to vector<16xi32>
        %add3A_654 = arith.addi %iota3A, %add3A_653 : vector<16xi32>
        %lt3A_655 = arith.cmpi slt, %add3A_654, %broadcast_in_dim3A_254 : vector<16xi32>
        %and3A_656 = arith.andi %and3A_651, %lt3A_655 : vector<16xi1>
        %jit3A_657 = arith.constant -1.000000e+30 : f32
        %broadcast_in_dim3A_658 = vector.broadcast %jit3A_657 : f32 to vector<16xf32>
        %select_n3A_659 = arith.select %and3A_656, %mul3A_643, %broadcast_in_dim3A_658 : vector<16xi1>, vector<16xf32>
        %get3A_660 = arith.constant 48 : index
        %get3A_661 = tpu.vector_load %arg16[%get3A_660] {strides = array<i32>} : memref<256xf32, #tpu.memory_space<vmem>>, vector<16xf32>,
        %get3A_662 = arith.constant 112 : index
        %get3A_663 = tpu.vector_load %arg16[%get3A_662] {strides = array<i32>} : memref<256xf32, #tpu.memory_space<vmem>>, vector<16xf32>,
        %get3A_664 = arith.constant 176 : index
        %get3A_665 = tpu.vector_load %arg16[%get3A_664] {strides = array<i32>} : memref<256xf32, #tpu.memory_space<vmem>>, vector<16xf32>,
        %get3A_666 = arith.constant 240 : index
        %get3A_667 = tpu.vector_load %arg16[%get3A_666] {strides = array<i32>} : memref<256xf32, #tpu.memory_space<vmem>>, vector<16xf32>,
        %sub3A_668 = arith.subf %gather3A_470, %get3A_661 : vector<16xf32>
        %abs3A_669 = math.absf %sub3A_668 : vector<16xf32>
        %sub3A_670 = arith.subf %gather3A_471, %get3A_663 : vector<16xf32>
        %abs3A_671 = math.absf %sub3A_670 : vector<16xf32>
        %mul3A_672 = arith.mulf %abs3A_669, %abs3A_671 : vector<16xf32>
        %min3A_673 = arith.minimumf %get3A_665, %gather3A_472 : vector<16xf32>
        %gt3A_674 = arith.cmpf ogt, %mul3A_672, %min3A_673 : vector<16xf32>
        %jit3A_675 = arith.constant 0.000000e+00 : f32
        %broadcast_in_dim3A_676 = vector.broadcast %jit3A_675 : f32 to vector<16xf32>
        %select_n3A_677 = arith.select %gt3A_674, %broadcast_in_dim3A_676, %mul3A_672 : vector<16xi1>, vector<16xf32>
        %add3A_678 = arith.addf %gather3A_472, %get3A_665 : vector<16xf32>
        %sub3A_679 = arith.subf %add3A_678, %select_n3A_677 : vector<16xf32>
        %eq3A_680 = arith.constant 0.000000e+00 : f32
        %eq3A_681 = vector.broadcast %eq3A_680 : f32 to vector<16xf32>
        %eq3A_682 = arith.cmpf oeq, %sub3A_679, %eq3A_681 : vector<16xf32>
        %jit3A_683 = arith.constant 9.99999996E-13 : f32
        %broadcast_in_dim3A_684 = vector.broadcast %jit3A_683 : f32 to vector<16xf32>
        %select_n3A_685 = arith.select %eq3A_682, %broadcast_in_dim3A_684, %sub3A_679 : vector<16xi1>, vector<16xf32>
        %broadcast_in_dim3A_686 = arith.constant 2129859011 : i32
        %broadcast_in_dim3A_687 = vector.broadcast %broadcast_in_dim3A_686 : i32 to vector<16xi32>
        %bitcast3A_688 = vector.bitcast %select_n3A_685 : vector<16xf32> to vector<16xi32>
        %sub3A_689 = arith.subi %broadcast_in_dim3A_687, %bitcast3A_688 : vector<16xi32>
        %bitcast3A_690 = vector.bitcast %sub3A_689 : vector<16xi32> to vector<16xf32>
        %mul3A_691 = arith.mulf %select_n3A_685, %bitcast3A_690 : vector<16xf32>
        %sub3A_692 = arith.constant 2.000000e+00 : f32
        %sub3A_693 = vector.broadcast %sub3A_692 : f32 to vector<16xf32>
        %sub3A_694 = arith.subf %sub3A_693, %mul3A_691 : vector<16xf32>
        %mul3A_695 = arith.mulf %bitcast3A_690, %sub3A_694 : vector<16xf32>
        %mul3A_696 = arith.mulf %select_n3A_685, %mul3A_695 : vector<16xf32>
        %sub3A_697 = arith.constant 2.000000e+00 : f32
        %sub3A_698 = vector.broadcast %sub3A_697 : f32 to vector<16xf32>
        %sub3A_699 = arith.subf %sub3A_698, %mul3A_696 : vector<16xf32>
        %mul3A_700 = arith.mulf %mul3A_695, %sub3A_699 : vector<16xf32>
        %mul3A_701 = arith.mulf %select_n3A_685, %mul3A_700 : vector<16xf32>
        %sub3A_702 = arith.constant 2.000000e+00 : f32
        %sub3A_703 = vector.broadcast %sub3A_702 : f32 to vector<16xf32>
        %sub3A_704 = arith.subf %sub3A_703, %mul3A_701 : vector<16xf32>
        %mul3A_705 = arith.mulf %mul3A_700, %sub3A_704 : vector<16xf32>
        %mul3A_706 = arith.mulf %select_n3A_677, %mul3A_705 : vector<16xf32>
        %lt3A_707 = arith.constant 5.000000e-01 : f32
        %lt3A_708 = vector.broadcast %lt3A_707 : f32 to vector<16xf32>
        %lt3A_709 = arith.cmpf olt, %get3A_667, %lt3A_708 : vector<16xf32>
        %mul3A_710 = arith.constant 5.000000e-01 : f32
        %mul3A_711 = vector.broadcast %mul3A_710 : f32 to vector<16xf32>
        %mul3A_712 = arith.mulf %mul3A_711, %select_n3A_685 : vector<16xf32>
        %gt3A_713 = arith.cmpf ogt, %select_n3A_677, %mul3A_712 : vector<16xf32>
        %and3A_714 = arith.andi %lt3A_709, %gt3A_713 : vector<16xi1>
        %add3A_715 = arith.constant 48 : i32
        %add3A_716 = vector.broadcast %add3A_715 : i32 to vector<16xi32>
        %add3A_717 = arith.addi %iota3A, %add3A_716 : vector<16xi32>
        %lt3A_718 = arith.cmpi slt, %add3A_717, %broadcast_in_dim3A_254 : vector<16xi32>
        %and3A_719 = arith.andi %and3A_714, %lt3A_718 : vector<16xi1>
        %jit3A_720 = arith.constant -1.000000e+30 : f32
        %broadcast_in_dim3A_721 = vector.broadcast %jit3A_720 : f32 to vector<16xf32>
        %select_n3A_722 = arith.select %and3A_719, %mul3A_706, %broadcast_in_dim3A_721 : vector<16xi1>, vector<16xf32>
        %max3A_723 = arith.maximumf %select_n3A_533, %select_n3A_596 : vector<16xf32>
        %max3A_724 = arith.maximumf %select_n3A_659, %select_n3A_722 : vector<16xf32>
        %max3A_725 = arith.maximumf %max3A_723, %max3A_724 : vector<16xf32>
        %reduce_max3A_726 = arith.constant true
        %reduce_max3A_727 = vector.broadcast %reduce_max3A_726 : i1 to vector<16xi1>
        %reduce_max3A_728 = tpu.scan <max>, %max3A_725 masked %reduce_max3A_727 : vector<16xf32>, vector<16xi1> -> vector<16xf32>
        %reduce_max3A_729 = vector.extract %reduce_max3A_728[15] : f32 from vector<16xf32>
        %gt3A_730 = arith.constant 2.500000e-01 : f32
        %gt3A_731 = arith.cmpf ogt, %reduce_max3A_729, %gt3A_730 : f32
        %broadcast_in_dim3A_732 = arith.constant 0 : i32
        %broadcast_in_dim3A_733 = vector.broadcast %broadcast_in_dim3A_732 : i32 to vector<16xi32>
        %broadcast_in_dim3A_734 = arith.constant 0 : i32
        %broadcast_in_dim3A_735 = vector.broadcast %broadcast_in_dim3A_734 : i32 to vector<16xi32>
        %eq3A_736 = vector.broadcast %reduce_max3A_729 : f32 to vector<16xf32>
        %eq3A_737 = arith.cmpf oeq, %select_n3A_533, %eq3A_736 : vector<16xf32>
        %all_reduce_ffs3A_738 = tpu.all_reduce %eq3A_737 {dim = 0 : i64, kind = #tpu.reduction_kind<find_first_set>} : vector<16xi1> -> vector<16xi32>
        %all_reduce_population_count3A = tpu.all_reduce %eq3A_737 {dim = 0 : i64, kind = #tpu.reduction_kind<sum>} : vector<16xi1> -> vector<16xi32>
        %gt3A_739 = arith.constant 0 : i32
        %gt3A_740 = vector.broadcast %gt3A_739 : i32 to vector<16xi32>
        %gt3A_741 = arith.cmpi sgt, %all_reduce_population_count3A, %gt3A_740 : vector<16xi32>
        %eq3A_742 = arith.constant 0 : i32
        %eq3A_743 = vector.broadcast %eq3A_742 : i32 to vector<16xi32>
        %eq3A_744 = arith.cmpi eq, %broadcast_in_dim3A_733, %eq3A_743 : vector<16xi32>
        %and3A_745 = arith.andi %gt3A_741, %eq3A_744 : vector<16xi1>
        %gt3A_746 = arith.constant 2.500000e-01 : f32
        %gt3A_747 = vector.broadcast %gt3A_746 : f32 to vector<16xf32>
        %gt3A_748 = arith.cmpf ogt, %select_n3A_533, %gt3A_747 : vector<16xf32>
        %lt3A_749 = arith.cmpi slt, %iota3A, %all_reduce_ffs3A_738 : vector<16xi32>
        %and3A_750 = arith.andi %gt3A_748, %lt3A_749 : vector<16xi1>
        %all_reduce_population_count3A_751 = tpu.all_reduce %and3A_750 {dim = 0 : i64, kind = #tpu.reduction_kind<sum>} : vector<16xi1> -> vector<16xi32>
        %all_reduce_population_count3A_752 = tpu.all_reduce %gt3A_748 {dim = 0 : i64, kind = #tpu.reduction_kind<sum>} : vector<16xi1> -> vector<16xi32>
        %gt3A_753 = arith.constant 0 : i32
        %gt3A_754 = vector.broadcast %gt3A_753 : i32 to vector<16xi32>
        %gt3A_755 = arith.cmpi sgt, %broadcast_in_dim3A_733, %gt3A_754 : vector<16xi32>
        %select_n3A_756 = arith.select %and3A_745, %all_reduce_population_count3A_751, %all_reduce_population_count3A_752 : vector<16xi1>, vector<16xi32>
        %jit3A_757 = arith.constant 0 : i32
        %broadcast_in_dim3A_758 = vector.broadcast %jit3A_757 : i32 to vector<16xi32>
        %select_n3A_759 = arith.select %gt3A_755, %broadcast_in_dim3A_758, %select_n3A_756 : vector<16xi1>, vector<16xi32>
        %add3A_760 = arith.addi %broadcast_in_dim3A_735, %select_n3A_759 : vector<16xi32>
        %jit3A_761 = arith.constant 1 : i32
        %broadcast_in_dim3A_762 = vector.broadcast %jit3A_761 : i32 to vector<16xi32>
        %select_n3A_763 = arith.select %and3A_745, %broadcast_in_dim3A_762, %broadcast_in_dim3A_733 : vector<16xi1>, vector<16xi32>
        %eq3A_764 = vector.broadcast %reduce_max3A_729 : f32 to vector<16xf32>
        %eq3A_765 = arith.cmpf oeq, %select_n3A_596, %eq3A_764 : vector<16xf32>
        %all_reduce_ffs3A_766 = tpu.all_reduce %eq3A_765 {dim = 0 : i64, kind = #tpu.reduction_kind<find_first_set>} : vector<16xi1> -> vector<16xi32>
        %all_reduce_population_count3A_767 = tpu.all_reduce %eq3A_765 {dim = 0 : i64, kind = #tpu.reduction_kind<sum>} : vector<16xi1> -> vector<16xi32>
        %gt3A_768 = arith.constant 0 : i32
        %gt3A_769 = vector.broadcast %gt3A_768 : i32 to vector<16xi32>
        %gt3A_770 = arith.cmpi sgt, %all_reduce_population_count3A_767, %gt3A_769 : vector<16xi32>
        %eq3A_771 = arith.constant 0 : i32
        %eq3A_772 = vector.broadcast %eq3A_771 : i32 to vector<16xi32>
        %eq3A_773 = arith.cmpi eq, %select_n3A_763, %eq3A_772 : vector<16xi32>
        %and3A_774 = arith.andi %gt3A_770, %eq3A_773 : vector<16xi1>
        %gt3A_775 = arith.constant 2.500000e-01 : f32
        %gt3A_776 = vector.broadcast %gt3A_775 : f32 to vector<16xf32>
        %gt3A_777 = arith.cmpf ogt, %select_n3A_596, %gt3A_776 : vector<16xf32>
        %lt3A_778 = arith.cmpi slt, %iota3A, %all_reduce_ffs3A_766 : vector<16xi32>
        %and3A_779 = arith.andi %gt3A_777, %lt3A_778 : vector<16xi1>
        %all_reduce_population_count3A_780 = tpu.all_reduce %and3A_779 {dim = 0 : i64, kind = #tpu.reduction_kind<sum>} : vector<16xi1> -> vector<16xi32>
        %all_reduce_population_count3A_781 = tpu.all_reduce %gt3A_777 {dim = 0 : i64, kind = #tpu.reduction_kind<sum>} : vector<16xi1> -> vector<16xi32>
        %gt3A_782 = arith.constant 0 : i32
        %gt3A_783 = vector.broadcast %gt3A_782 : i32 to vector<16xi32>
        %gt3A_784 = arith.cmpi sgt, %select_n3A_763, %gt3A_783 : vector<16xi32>
        %select_n3A_785 = arith.select %and3A_774, %all_reduce_population_count3A_780, %all_reduce_population_count3A_781 : vector<16xi1>, vector<16xi32>
        %jit3A_786 = arith.constant 0 : i32
        %broadcast_in_dim3A_787 = vector.broadcast %jit3A_786 : i32 to vector<16xi32>
        %select_n3A_788 = arith.select %gt3A_784, %broadcast_in_dim3A_787, %select_n3A_785 : vector<16xi1>, vector<16xi32>
        %add3A_789 = arith.addi %add3A_760, %select_n3A_788 : vector<16xi32>
        %jit3A_790 = arith.constant 1 : i32
        %broadcast_in_dim3A_791 = vector.broadcast %jit3A_790 : i32 to vector<16xi32>
        %select_n3A_792 = arith.select %and3A_774, %broadcast_in_dim3A_791, %select_n3A_763 : vector<16xi1>, vector<16xi32>
        %eq3A_793 = vector.broadcast %reduce_max3A_729 : f32 to vector<16xf32>
        %eq3A_794 = arith.cmpf oeq, %select_n3A_659, %eq3A_793 : vector<16xf32>
        %all_reduce_ffs3A_795 = tpu.all_reduce %eq3A_794 {dim = 0 : i64, kind = #tpu.reduction_kind<find_first_set>} : vector<16xi1> -> vector<16xi32>
        %all_reduce_population_count3A_796 = tpu.all_reduce %eq3A_794 {dim = 0 : i64, kind = #tpu.reduction_kind<sum>} : vector<16xi1> -> vector<16xi32>
        %gt3A_797 = arith.constant 0 : i32
        %gt3A_798 = vector.broadcast %gt3A_797 : i32 to vector<16xi32>
        %gt3A_799 = arith.cmpi sgt, %all_reduce_population_count3A_796, %gt3A_798 : vector<16xi32>
        %eq3A_800 = arith.constant 0 : i32
        %eq3A_801 = vector.broadcast %eq3A_800 : i32 to vector<16xi32>
        %eq3A_802 = arith.cmpi eq, %select_n3A_792, %eq3A_801 : vector<16xi32>
        %and3A_803 = arith.andi %gt3A_799, %eq3A_802 : vector<16xi1>
        %gt3A_804 = arith.constant 2.500000e-01 : f32
        %gt3A_805 = vector.broadcast %gt3A_804 : f32 to vector<16xf32>
        %gt3A_806 = arith.cmpf ogt, %select_n3A_659, %gt3A_805 : vector<16xf32>
        %lt3A_807 = arith.cmpi slt, %iota3A, %all_reduce_ffs3A_795 : vector<16xi32>
        %and3A_808 = arith.andi %gt3A_806, %lt3A_807 : vector<16xi1>
        %all_reduce_population_count3A_809 = tpu.all_reduce %and3A_808 {dim = 0 : i64, kind = #tpu.reduction_kind<sum>} : vector<16xi1> -> vector<16xi32>
        %all_reduce_population_count3A_810 = tpu.all_reduce %gt3A_806 {dim = 0 : i64, kind = #tpu.reduction_kind<sum>} : vector<16xi1> -> vector<16xi32>
        %gt3A_811 = arith.constant 0 : i32
        %gt3A_812 = vector.broadcast %gt3A_811 : i32 to vector<16xi32>
        %gt3A_813 = arith.cmpi sgt, %select_n3A_792, %gt3A_812 : vector<16xi32>
        %select_n3A_814 = arith.select %and3A_803, %all_reduce_population_count3A_809, %all_reduce_population_count3A_810 : vector<16xi1>, vector<16xi32>
        %jit3A_815 = arith.constant 0 : i32
        %broadcast_in_dim3A_816 = vector.broadcast %jit3A_815 : i32 to vector<16xi32>
        %select_n3A_817 = arith.select %gt3A_813, %broadcast_in_dim3A_816, %select_n3A_814 : vector<16xi1>, vector<16xi32>
        %add3A_818 = arith.addi %add3A_789, %select_n3A_817 : vector<16xi32>
        %jit3A_819 = arith.constant 1 : i32
        %broadcast_in_dim3A_820 = vector.broadcast %jit3A_819 : i32 to vector<16xi32>
        %select_n3A_821 = arith.select %and3A_803, %broadcast_in_dim3A_820, %select_n3A_792 : vector<16xi1>, vector<16xi32>
        %eq3A_822 = vector.broadcast %reduce_max3A_729 : f32 to vector<16xf32>
        %eq3A_823 = arith.cmpf oeq, %select_n3A_722, %eq3A_822 : vector<16xf32>
        %all_reduce_ffs3A_824 = tpu.all_reduce %eq3A_823 {dim = 0 : i64, kind = #tpu.reduction_kind<find_first_set>} : vector<16xi1> -> vector<16xi32>
        %all_reduce_population_count3A_825 = tpu.all_reduce %eq3A_823 {dim = 0 : i64, kind = #tpu.reduction_kind<sum>} : vector<16xi1> -> vector<16xi32>
        %gt3A_826 = arith.constant 0 : i32
        %gt3A_827 = vector.broadcast %gt3A_826 : i32 to vector<16xi32>
        %gt3A_828 = arith.cmpi sgt, %all_reduce_population_count3A_825, %gt3A_827 : vector<16xi32>
        %eq3A_829 = arith.constant 0 : i32
        %eq3A_830 = vector.broadcast %eq3A_829 : i32 to vector<16xi32>
        %eq3A_831 = arith.cmpi eq, %select_n3A_821, %eq3A_830 : vector<16xi32>
        %and3A_832 = arith.andi %gt3A_828, %eq3A_831 : vector<16xi1>
        %gt3A_833 = arith.constant 2.500000e-01 : f32
        %gt3A_834 = vector.broadcast %gt3A_833 : f32 to vector<16xf32>
        %gt3A_835 = arith.cmpf ogt, %select_n3A_722, %gt3A_834 : vector<16xf32>
        %lt3A_836 = arith.cmpi slt, %iota3A, %all_reduce_ffs3A_824 : vector<16xi32>
        %and3A_837 = arith.andi %gt3A_835, %lt3A_836 : vector<16xi1>
        %all_reduce_population_count3A_838 = tpu.all_reduce %and3A_837 {dim = 0 : i64, kind = #tpu.reduction_kind<sum>} : vector<16xi1> -> vector<16xi32>
        %all_reduce_population_count3A_839 = tpu.all_reduce %gt3A_835 {dim = 0 : i64, kind = #tpu.reduction_kind<sum>} : vector<16xi1> -> vector<16xi32>
        %gt3A_840 = arith.constant 0 : i32
        %gt3A_841 = vector.broadcast %gt3A_840 : i32 to vector<16xi32>
        %gt3A_842 = arith.cmpi sgt, %select_n3A_821, %gt3A_841 : vector<16xi32>
        %select_n3A_843 = arith.select %and3A_832, %all_reduce_population_count3A_838, %all_reduce_population_count3A_839 : vector<16xi1>, vector<16xi32>
        %jit3A_844 = arith.constant 0 : i32
        %broadcast_in_dim3A_845 = vector.broadcast %jit3A_844 : i32 to vector<16xi32>
        %select_n3A_846 = arith.select %gt3A_842, %broadcast_in_dim3A_845, %select_n3A_843 : vector<16xi1>, vector<16xi32>
        %add3A_847 = arith.addi %add3A_818, %select_n3A_846 : vector<16xi32>
        %jit3A_848 = arith.constant 1 : i32
        %broadcast_in_dim3A_849 = vector.broadcast %jit3A_848 : i32 to vector<16xi32>
        %select_n3A_850 = arith.select %and3A_832, %broadcast_in_dim3A_849, %select_n3A_821 : vector<16xi1>, vector<16xi32>
        %add3A_851 = arith.constant 192 : i32
        %add3A_852 = vector.broadcast %add3A_851 : i32 to vector<16xi32>
        %add3A_853 = arith.addi %add3A_847, %add3A_852 : vector<16xi32>
        %eq3A_854 = arith.constant 0 : i32
        %eq3A_855 = vector.broadcast %eq3A_854 : i32 to vector<16xi32>
        %eq3A_856 = arith.cmpi eq, %iota3A, %eq3A_855 : vector<16xi32>
        %and3A_857 = vector.broadcast %gt3A_731 : i1 to vector<16xi1>
        %and3A_858 = arith.andi %eq3A_856, %and3A_857 : vector<16xi1>
        tpu.vector_store_idx %arg16[%add3A_853], %broadcast_in_dim3A_318 masked %and3A_858 : memref<256xf32, #tpu.memory_space<vmem>>[vector<16xi32>], vector<16xf32>, vector<16xi1>
      }
      %broadcast_in_dim3A_331 = arith.constant 0.000000e+00 : f32
      %broadcast_in_dim3A_332 = vector.broadcast %broadcast_in_dim3A_331 : f32 to vector<16xf32>
      %get3A_333 = arith.constant 192 : index
      %get3A_334 = tpu.vector_load %arg16[%get3A_333] {strides = array<i32>} : memref<256xf32, #tpu.memory_space<vmem>>, vector<16xf32>,
      %add3A_335 = arith.addf %broadcast_in_dim3A_332, %get3A_334 : vector<16xf32>
      %get3A_336 = arith.constant 208 : index
      %get3A_337 = tpu.vector_load %arg16[%get3A_336] {strides = array<i32>} : memref<256xf32, #tpu.memory_space<vmem>>, vector<16xf32>,
      %add3A_338 = arith.addf %add3A_335, %get3A_337 : vector<16xf32>
      %get3A_339 = arith.constant 224 : index
      %get3A_340 = tpu.vector_load %arg16[%get3A_339] {strides = array<i32>} : memref<256xf32, #tpu.memory_space<vmem>>, vector<16xf32>,
      %add3A_341 = arith.addf %add3A_338, %get3A_340 : vector<16xf32>
      %get3A_342 = arith.constant 240 : index
      %get3A_343 = tpu.vector_load %arg16[%get3A_342] {strides = array<i32>} : memref<256xf32, #tpu.memory_space<vmem>>, vector<16xf32>,
      %add3A_344 = arith.addf %add3A_341, %get3A_343 : vector<16xf32>
      %reduce_sum3A = arith.constant true
      %reduce_sum3A_345 = vector.broadcast %reduce_sum3A : i1 to vector<16xi1>
      %reduce_sum3A_346 = tpu.scan <sum>, %add3A_344 masked %reduce_sum3A_345 : vector<16xf32>, vector<16xi1> -> vector<16xf32>
      %reduce_sum3A_347 = vector.extract %reduce_sum3A_346[15] : f32 from vector<16xf32>
      %broadcast_in_dim3A_348 = vector.broadcast %reduce_sum3A_347 : f32 to vector<16xf32>
      %convert_element_type3A_349 = arith.sitofp %broadcast_in_dim3A_254 : vector<16xi32> to vector<16xf32>
      %convert_element_type3A_350 = arith.sitofp %reduce_max3A_269 : i32 to f32
      %broadcast_in_dim3A_351 = vector.broadcast %convert_element_type3A_350 : f32 to vector<16xf32>
      %gt3A = arith.constant 0 : i32
      %gt3A_352 = arith.cmpi sgt, %reduce_max3A_269, %gt3A : i32
      %max3A = arith.constant 1.000000e+00 : f32
      %max3A_353 = vector.broadcast %max3A : f32 to vector<16xf32>
      %max3A_354 = arith.maximumf %broadcast_in_dim3A_351, %max3A_353 : vector<16xf32>
      %broadcast_in_dim3A_355 = arith.constant 2129859011 : i32
      %broadcast_in_dim3A_356 = vector.broadcast %broadcast_in_dim3A_355 : i32 to vector<16xi32>
      %bitcast3A = vector.bitcast %max3A_354 : vector<16xf32> to vector<16xi32>
      %sub3A_357 = arith.subi %broadcast_in_dim3A_356, %bitcast3A : vector<16xi32>
      %bitcast3A_358 = vector.bitcast %sub3A_357 : vector<16xi32> to vector<16xf32>
      %mul3A_359 = arith.mulf %max3A_354, %bitcast3A_358 : vector<16xf32>
      %sub3A_360 = arith.constant 2.000000e+00 : f32
      %sub3A_361 = vector.broadcast %sub3A_360 : f32 to vector<16xf32>
      %sub3A_362 = arith.subf %sub3A_361, %mul3A_359 : vector<16xf32>
      %mul3A_363 = arith.mulf %bitcast3A_358, %sub3A_362 : vector<16xf32>
      %mul3A_364 = arith.mulf %max3A_354, %mul3A_363 : vector<16xf32>
      %sub3A_365 = arith.constant 2.000000e+00 : f32
      %sub3A_366 = vector.broadcast %sub3A_365 : f32 to vector<16xf32>
      %sub3A_367 = arith.subf %sub3A_366, %mul3A_364 : vector<16xf32>
      %mul3A_368 = arith.mulf %mul3A_363, %sub3A_367 : vector<16xf32>
      %mul3A_369 = arith.mulf %max3A_354, %mul3A_368 : vector<16xf32>
      %sub3A_370 = arith.constant 2.000000e+00 : f32
      %sub3A_371 = vector.broadcast %sub3A_370 : f32 to vector<16xf32>
      %sub3A_372 = arith.subf %sub3A_371, %mul3A_369 : vector<16xf32>
      %mul3A_373 = arith.mulf %mul3A_368, %sub3A_372 : vector<16xf32>
      %mul3A_374 = arith.mulf %broadcast_in_dim3A_348, %mul3A_373 : vector<16xf32>
      %jit3A_375 = arith.constant 0.000000e+00 : f32
      %broadcast_in_dim3A_376 = vector.broadcast %jit3A_375 : f32 to vector<16xf32>
      %select_n3A_377 = arith.select %gt3A_352, %mul3A_374, %broadcast_in_dim3A_376 : vector<16xf32>
      %max3A_378 = arith.constant 1.000000e+00 : f32
      %max3A_379 = vector.broadcast %max3A_378 : f32 to vector<16xf32>
      %max3A_380 = arith.maximumf %convert_element_type3A_349, %max3A_379 : vector<16xf32>
      %broadcast_in_dim3A_381 = arith.constant 2129859011 : i32
      %broadcast_in_dim3A_382 = vector.broadcast %broadcast_in_dim3A_381 : i32 to vector<16xi32>
      %bitcast3A_383 = vector.bitcast %max3A_380 : vector<16xf32> to vector<16xi32>
      %sub3A_384 = arith.subi %broadcast_in_dim3A_382, %bitcast3A_383 : vector<16xi32>
      %bitcast3A_385 = vector.bitcast %sub3A_384 : vector<16xi32> to vector<16xf32>
      %mul3A_386 = arith.mulf %max3A_380, %bitcast3A_385 : vector<16xf32>
      %sub3A_387 = arith.constant 2.000000e+00 : f32
      %sub3A_388 = vector.broadcast %sub3A_387 : f32 to vector<16xf32>
      %sub3A_389 = arith.subf %sub3A_388, %mul3A_386 : vector<16xf32>
      %mul3A_390 = arith.mulf %bitcast3A_385, %sub3A_389 : vector<16xf32>
      %mul3A_391 = arith.mulf %max3A_380, %mul3A_390 : vector<16xf32>
      %sub3A_392 = arith.constant 2.000000e+00 : f32
      %sub3A_393 = vector.broadcast %sub3A_392 : f32 to vector<16xf32>
      %sub3A_394 = arith.subf %sub3A_393, %mul3A_391 : vector<16xf32>
      %mul3A_395 = arith.mulf %mul3A_390, %sub3A_394 : vector<16xf32>
      %mul3A_396 = arith.mulf %max3A_380, %mul3A_395 : vector<16xf32>
      %sub3A_397 = arith.constant 2.000000e+00 : f32
      %sub3A_398 = vector.broadcast %sub3A_397 : f32 to vector<16xf32>
      %sub3A_399 = arith.subf %sub3A_398, %mul3A_396 : vector<16xf32>
      %mul3A_400 = arith.mulf %mul3A_395, %sub3A_399 : vector<16xf32>
      %mul3A_401 = arith.mulf %broadcast_in_dim3A_348, %mul3A_400 : vector<16xf32>
      %jit3A_402 = arith.constant 0.000000e+00 : f32
      %broadcast_in_dim3A_403 = vector.broadcast %jit3A_402 : f32 to vector<16xf32>
      %select_n3A_404 = arith.select %gt3A_352, %mul3A_401, %broadcast_in_dim3A_403 : vector<16xf32>
      %eq3A_405 = vector.broadcast %arg1 : i32 to vector<16xi32>
      %eq3A_406 = arith.cmpi eq, %iota3A, %eq3A_405 : vector<16xi32>
      %jit3A_407 = arith.constant 0.000000e+00 : f32
      %broadcast_in_dim3A_408 = vector.broadcast %jit3A_407 : f32 to vector<16xf32>
      %select_n3A_409 = arith.select %eq3A_406, %select_n3A_377, %broadcast_in_dim3A_408 : vector<16xi1>, vector<16xf32>
      %swap3A_410 = arith.constant 0 : index
      %swap3A_411 = tpu.vector_load %arg17[%swap3A_410] {strides = array<i32>} : memref<16xf32, #tpu.memory_space<vmem>>, vector<16xf32>,
      tpu.vector_store %arg17[%swap3A_410], %select_n3A_409 {strides = array<i32>} : memref<16xf32, #tpu.memory_space<vmem>>, vector<16xf32>,
      %mul3A_412 = arith.constant 16 : i32
      %mul3A_413 = arith.muli %arg1, %mul3A_412 : i32
      "tpu.region"() ({
        %run_scoped3A = tpu.sem_alloc : memref<!tpu.dma_semaphore, #tpu.memory_space<semaphore_mem>>
        %dma_start3A = tpu.memref_slice %arg21[%mul3A_413] : memref<256xf32, #tpu.memory_space<vmem_shared>> -> memref<16xf32, #tpu.memory_space<vmem_shared>>
        %dma_start3A_425 = tpu.memref_slice %arg21[%mul3A_413] : memref<256xf32, #tpu.memory_space<vmem_shared>> -> memref<16xf32, #tpu.memory_space<vmem_shared>>
        tpu.enqueue_dma source(%arg17 : memref<16xf32, #tpu.memory_space<vmem>>) target(%dma_start3A_425 : memref<16xf32, #tpu.memory_space<vmem_shared>>) target_semaphore(%run_scoped3A : memref<!tpu.dma_semaphore, #tpu.memory_space<semaphore_mem>>)
        %dma_wait3A = tpu.memref_slice %arg21[%mul3A_413] : memref<256xf32, #tpu.memory_space<vmem_shared>> -> memref<16xf32, #tpu.memory_space<vmem_shared>>
        %dma_wait3A_426 = tpu.memref_slice %arg21[%mul3A_413] : memref<256xf32, #tpu.memory_space<vmem_shared>> -> memref<16xf32, #tpu.memory_space<vmem_shared>>
        tpu.wait_dma2 semaphore(%run_scoped3A : memref<!tpu.dma_semaphore, #tpu.memory_space<semaphore_mem>>) src(%arg17 : memref<16xf32, #tpu.memory_space<vmem>>) dst(%dma_wait3A_426 : memref<16xf32, #tpu.memory_space<vmem_shared>>)
        tpu.yield
      }) : () -> ()
      %eq3A_414 = vector.broadcast %arg1 : i32 to vector<16xi32>
      %eq3A_415 = arith.cmpi eq, %iota3A, %eq3A_414 : vector<16xi32>
      %jit3A_416 = arith.constant 0.000000e+00 : f32
      %broadcast_in_dim3A_417 = vector.broadcast %jit3A_416 : f32 to vector<16xf32>
      %select_n3A_418 = arith.select %eq3A_415, %select_n3A_404, %broadcast_in_dim3A_417 : vector<16xi1>, vector<16xf32>
      %swap3A_419 = arith.constant 0 : index
      %swap3A_420 = tpu.vector_load %arg17[%swap3A_419] {strides = array<i32>} : memref<16xf32, #tpu.memory_space<vmem>>, vector<16xf32>,
      tpu.vector_store %arg17[%swap3A_419], %select_n3A_418 {strides = array<i32>} : memref<16xf32, #tpu.memory_space<vmem>>, vector<16xf32>,
      %add3A_421 = arith.constant 8 : i32
      %add3A_422 = arith.addi %add3A_421, %arg1 : i32
      %mul3A_423 = arith.constant 16 : i32
      %mul3A_424 = arith.muli %add3A_422, %mul3A_423 : i32
      "tpu.region"() ({
        %run_scoped3A = tpu.sem_alloc : memref<!tpu.dma_semaphore, #tpu.memory_space<semaphore_mem>>
        %dma_start3A = tpu.memref_slice %arg21[%mul3A_424] : memref<256xf32, #tpu.memory_space<vmem_shared>> -> memref<16xf32, #tpu.memory_space<vmem_shared>>
        %dma_start3A_425 = tpu.memref_slice %arg21[%mul3A_424] : memref<256xf32, #tpu.memory_space<vmem_shared>> -> memref<16xf32, #tpu.memory_space<vmem_shared>>
        tpu.enqueue_dma source(%arg17 : memref<16xf32, #tpu.memory_space<vmem>>) target(%dma_start3A_425 : memref<16xf32, #tpu.memory_space<vmem_shared>>) target_semaphore(%run_scoped3A : memref<!tpu.dma_semaphore, #tpu.memory_space<semaphore_mem>>)
        %dma_wait3A = tpu.memref_slice %arg21[%mul3A_424] : memref<256xf32, #tpu.memory_space<vmem_shared>> -> memref<16xf32, #tpu.memory_space<vmem_shared>>
        %dma_wait3A_426 = tpu.memref_slice %arg21[%mul3A_424] : memref<256xf32, #tpu.memory_space<vmem_shared>> -> memref<16xf32, #tpu.memory_space<vmem_shared>>
        tpu.wait_dma2 semaphore(%run_scoped3A : memref<!tpu.dma_semaphore, #tpu.memory_space<semaphore_mem>>) src(%arg17 : memref<16xf32, #tpu.memory_space<vmem>>) dst(%dma_wait3A_426 : memref<16xf32, #tpu.memory_space<vmem_shared>>)
        tpu.yield
      }) : () -> ()
    } else {
    }
    %barrier3A = arith.constant 0 : index
    tpu.barrier barrier_id(%barrier3A)
    %eq3A_3 = arith.constant 0 : i32
    %eq3A_4 = arith.cmpi eq, %arg0, %eq3A_3 : i32
    %eq3A_5 = arith.constant 0 : i32
    %eq3A_6 = arith.cmpi eq, %arg1, %eq3A_5 : i32
    %and3A_7 = arith.andi %eq3A_4, %eq3A_6 : i1
    %convert_element_type3A_8 = arith.extui %and3A_7 : i1 to i32
    %cond3A_9 = arith.constant 0 : i32
    %cond3A_10 = arith.cmpi ne, %convert_element_type3A_8, %cond3A_9 : i32
    scf.if %cond3A_10 {
      "tpu.region"() ({
        %run_scoped3A = tpu.sem_alloc : memref<!tpu.dma_semaphore, #tpu.memory_space<semaphore_mem>>
        tpu.enqueue_dma source(%arg21 : memref<256xf32, #tpu.memory_space<vmem_shared>>) target(%arg18 : memref<256xf32, #tpu.memory_space<vmem>>) target_semaphore(%run_scoped3A : memref<!tpu.dma_semaphore, #tpu.memory_space<semaphore_mem>>)
        tpu.wait_dma2 semaphore(%run_scoped3A : memref<!tpu.dma_semaphore, #tpu.memory_space<semaphore_mem>>) src(%arg21 : memref<256xf32, #tpu.memory_space<vmem_shared>>) dst(%arg18 : memref<256xf32, #tpu.memory_space<vmem>>)
        tpu.yield
      }) : () -> ()
      %broadcast_in_dim3A = arith.constant 0.000000e+00 : f32
      %broadcast_in_dim3A_11 = vector.broadcast %broadcast_in_dim3A : f32 to vector<16xf32>
      %broadcast_in_dim3A_12 = arith.constant 0.000000e+00 : f32
      %broadcast_in_dim3A_13 = vector.broadcast %broadcast_in_dim3A_12 : f32 to vector<16xf32>
      %get3A = arith.constant 0 : index
      %get3A_14 = tpu.vector_load %arg18[%get3A] {strides = array<i32>} : memref<256xf32, #tpu.memory_space<vmem>>, vector<16xf32>,
      %add3A = arith.addf %broadcast_in_dim3A_11, %get3A_14 : vector<16xf32>
      %get3A_15 = arith.constant 128 : index
      %get3A_16 = tpu.vector_load %arg18[%get3A_15] {strides = array<i32>} : memref<256xf32, #tpu.memory_space<vmem>>, vector<16xf32>,
      %add3A_17 = arith.addf %broadcast_in_dim3A_13, %get3A_16 : vector<16xf32>
      %get3A_18 = arith.constant 16 : index
      %get3A_19 = tpu.vector_load %arg18[%get3A_18] {strides = array<i32>} : memref<256xf32, #tpu.memory_space<vmem>>, vector<16xf32>,
      %add3A_20 = arith.addf %add3A, %get3A_19 : vector<16xf32>
      %get3A_21 = arith.constant 144 : index
      %get3A_22 = tpu.vector_load %arg18[%get3A_21] {strides = array<i32>} : memref<256xf32, #tpu.memory_space<vmem>>, vector<16xf32>,
      %add3A_23 = arith.addf %add3A_17, %get3A_22 : vector<16xf32>
      %get3A_24 = arith.constant 32 : index
      %get3A_25 = tpu.vector_load %arg18[%get3A_24] {strides = array<i32>} : memref<256xf32, #tpu.memory_space<vmem>>, vector<16xf32>,
      %add3A_26 = arith.addf %add3A_20, %get3A_25 : vector<16xf32>
      %get3A_27 = arith.constant 160 : index
      %get3A_28 = tpu.vector_load %arg18[%get3A_27] {strides = array<i32>} : memref<256xf32, #tpu.memory_space<vmem>>, vector<16xf32>,
      %add3A_29 = arith.addf %add3A_23, %get3A_28 : vector<16xf32>
      %get3A_30 = arith.constant 48 : index
      %get3A_31 = tpu.vector_load %arg18[%get3A_30] {strides = array<i32>} : memref<256xf32, #tpu.memory_space<vmem>>, vector<16xf32>,
      %add3A_32 = arith.addf %add3A_26, %get3A_31 : vector<16xf32>
      %get3A_33 = arith.constant 176 : index
      %get3A_34 = tpu.vector_load %arg18[%get3A_33] {strides = array<i32>} : memref<256xf32, #tpu.memory_space<vmem>>, vector<16xf32>,
      %add3A_35 = arith.addf %add3A_29, %get3A_34 : vector<16xf32>
      %get3A_36 = arith.constant 64 : index
      %get3A_37 = tpu.vector_load %arg18[%get3A_36] {strides = array<i32>} : memref<256xf32, #tpu.memory_space<vmem>>, vector<16xf32>,
      %add3A_38 = arith.addf %add3A_32, %get3A_37 : vector<16xf32>
      %get3A_39 = arith.constant 192 : index
      %get3A_40 = tpu.vector_load %arg18[%get3A_39] {strides = array<i32>} : memref<256xf32, #tpu.memory_space<vmem>>, vector<16xf32>,
      %add3A_41 = arith.addf %add3A_35, %get3A_40 : vector<16xf32>
      %get3A_42 = arith.constant 80 : index
      %get3A_43 = tpu.vector_load %arg18[%get3A_42] {strides = array<i32>} : memref<256xf32, #tpu.memory_space<vmem>>, vector<16xf32>,
      %add3A_44 = arith.addf %add3A_38, %get3A_43 : vector<16xf32>
      %get3A_45 = arith.constant 208 : index
      %get3A_46 = tpu.vector_load %arg18[%get3A_45] {strides = array<i32>} : memref<256xf32, #tpu.memory_space<vmem>>, vector<16xf32>,
      %add3A_47 = arith.addf %add3A_41, %get3A_46 : vector<16xf32>
      %get3A_48 = arith.constant 96 : index
      %get3A_49 = tpu.vector_load %arg18[%get3A_48] {strides = array<i32>} : memref<256xf32, #tpu.memory_space<vmem>>, vector<16xf32>,
      %add3A_50 = arith.addf %add3A_44, %get3A_49 : vector<16xf32>
      %get3A_51 = arith.constant 224 : index
      %get3A_52 = tpu.vector_load %arg18[%get3A_51] {strides = array<i32>} : memref<256xf32, #tpu.memory_space<vmem>>, vector<16xf32>,
      %add3A_53 = arith.addf %add3A_47, %get3A_52 : vector<16xf32>
      %get3A_54 = arith.constant 112 : index
      %get3A_55 = tpu.vector_load %arg18[%get3A_54] {strides = array<i32>} : memref<256xf32, #tpu.memory_space<vmem>>, vector<16xf32>,
      %add3A_56 = arith.addf %add3A_50, %get3A_55 : vector<16xf32>
      %get3A_57 = arith.constant 240 : index
      %get3A_58 = tpu.vector_load %arg18[%get3A_57] {strides = array<i32>} : memref<256xf32, #tpu.memory_space<vmem>>, vector<16xf32>,
      %add3A_59 = arith.addf %add3A_53, %get3A_58 : vector<16xf32>
      %broadcast_in_dim3A_60 = arith.constant 0.000000e+00 : f32
      %broadcast_in_dim3A_61 = vector.broadcast %broadcast_in_dim3A_60 : f32 to vector<16xf32>
      %swap3A = arith.constant 0 : index
      %swap3A_62 = tpu.vector_load %arg19[%swap3A] {strides = array<i32>} : memref<32xf32, #tpu.memory_space<vmem>>, vector<16xf32>,
      tpu.vector_store %arg19[%swap3A], %broadcast_in_dim3A_61 {strides = array<i32>} : memref<32xf32, #tpu.memory_space<vmem>>, vector<16xf32>,
      %swap3A_63 = arith.constant 16 : index
      %swap3A_64 = tpu.vector_load %arg19[%swap3A_63] {strides = array<i32>} : memref<32xf32, #tpu.memory_space<vmem>>, vector<16xf32>,
      tpu.vector_store %arg19[%swap3A_63], %broadcast_in_dim3A_61 {strides = array<i32>} : memref<32xf32, #tpu.memory_space<vmem>>, vector<16xf32>,
      %swap3A_65 = arith.constant 0 : index
      %swap3A_66 = tpu.vector_load %arg20[%swap3A_65] {strides = array<i32>} : memref<32xf32, #tpu.memory_space<vmem>>, vector<16xf32>,
      tpu.vector_store %arg20[%swap3A_65], %broadcast_in_dim3A_61 {strides = array<i32>} : memref<32xf32, #tpu.memory_space<vmem>>, vector<16xf32>,
      %swap3A_67 = arith.constant 16 : index
      %swap3A_68 = tpu.vector_load %arg20[%swap3A_67] {strides = array<i32>} : memref<32xf32, #tpu.memory_space<vmem>>, vector<16xf32>,
      tpu.vector_store %arg20[%swap3A_67], %broadcast_in_dim3A_61 {strides = array<i32>} : memref<32xf32, #tpu.memory_space<vmem>>, vector<16xf32>,
      %add3A_69 = arith.constant 1 : i32
      %add3A_70 = vector.broadcast %add3A_69 : i32 to vector<16xi32>
      %add3A_71 = arith.addi %iota3A, %add3A_70 : vector<16xi32>
      %lt3A_72 = arith.constant 8 : i32
      %lt3A_73 = vector.broadcast %lt3A_72 : i32 to vector<16xi32>
      %lt3A_74 = arith.cmpi slt, %iota3A, %lt3A_73 : vector<16xi32>
      tpu.vector_store_idx %arg19[%add3A_71], %add3A_59 masked %lt3A_74 : memref<32xf32, #tpu.memory_space<vmem>>[vector<16xi32>], vector<16xf32>, vector<16xi1>
      %broadcast_in_dim3A_75 = arith.constant 9 : i32
      %broadcast_in_dim3A_76 = vector.broadcast %broadcast_in_dim3A_75 : i32 to vector<16xi32>
      %broadcast_in_dim3A_77 = arith.constant 1.000000e+00 : f32
      %broadcast_in_dim3A_78 = vector.broadcast %broadcast_in_dim3A_77 : f32 to vector<16xf32>
      %eq3A_79 = arith.constant 0 : i32
      %eq3A_80 = vector.broadcast %eq3A_79 : i32 to vector<16xi32>
      %eq3A_81 = arith.cmpi eq, %iota3A, %eq3A_80 : vector<16xi32>
      tpu.vector_store_idx %arg19[%broadcast_in_dim3A_76], %broadcast_in_dim3A_78 masked %eq3A_81 : memref<32xf32, #tpu.memory_space<vmem>>[vector<16xi32>], vector<16xf32>, vector<16xi1>
      %add3A_82 = arith.constant 1 : i32
      %add3A_83 = vector.broadcast %add3A_82 : i32 to vector<16xi32>
      %add3A_84 = arith.addi %iota3A, %add3A_83 : vector<16xi32>
      %lt3A_85 = arith.constant 8 : i32
      %lt3A_86 = vector.broadcast %lt3A_85 : i32 to vector<16xi32>
      %lt3A_87 = arith.cmpi slt, %iota3A, %lt3A_86 : vector<16xi32>
      tpu.vector_store_idx %arg20[%add3A_84], %add3A_56 masked %lt3A_87 : memref<32xf32, #tpu.memory_space<vmem>>[vector<16xi32>], vector<16xf32>, vector<16xi1>
      %get3A_88 = arith.constant 0 : index
      %get3A_89 = tpu.vector_load %arg20[%get3A_88] {strides = array<i32>} : memref<32xf32, #tpu.memory_space<vmem>>, vector<16xf32>,
      %rev3A = arith.constant 15 : i32
      %rev3A_90 = vector.broadcast %rev3A : i32 to vector<16xi32>
      %rev3A_91 = tpu.iota {dimensions = array<i32: 0>} : vector<16xi32>
      %rev3A_92 = arith.subi %rev3A_90, %rev3A_91 : vector<16xi32>
      %rev3A_93 = tpu.dynamic_gather %get3A_89[%rev3A_92] in [0] : vector<16xf32>, vector<16xi32> -> vector<16xf32>
      %broadcast_in_dim3A_94 = arith.constant true
      %broadcast_in_dim3A_95 = vector.broadcast %broadcast_in_dim3A_94 : i1 to vector<16xi1>
      %masked_cummax3A = tpu.scan <max>, %rev3A_93 masked %broadcast_in_dim3A_95 : vector<16xf32>, vector<16xi1> -> vector<16xf32>
      %rev3A_96 = arith.constant 15 : i32
      %rev3A_97 = vector.broadcast %rev3A_96 : i32 to vector<16xi32>
      %rev3A_98 = tpu.iota {dimensions = array<i32: 0>} : vector<16xi32>
      %rev3A_99 = arith.subi %rev3A_97, %rev3A_98 : vector<16xi32>
      %rev3A_100 = tpu.dynamic_gather %masked_cummax3A[%rev3A_99] in [0] : vector<16xf32>, vector<16xi32> -> vector<16xf32>
      %swap3A_101 = arith.constant 0 : index
      %swap3A_102 = tpu.vector_load %arg20[%swap3A_101] {strides = array<i32>} : memref<32xf32, #tpu.memory_space<vmem>>, vector<16xf32>,
      tpu.vector_store %arg20[%swap3A_101], %rev3A_100 {strides = array<i32>} : memref<32xf32, #tpu.memory_space<vmem>>, vector<16xf32>,
      %get3A_103 = arith.constant 0 : index
      %get3A_104 = tpu.vector_load %arg19[%get3A_103] {strides = array<i32>} : memref<32xf32, #tpu.memory_space<vmem>>, vector<16xf32>,
      %add3A_105 = arith.constant 1 : i32
      %add3A_106 = vector.broadcast %add3A_105 : i32 to vector<16xi32>
      %add3A_107 = arith.addi %iota3A, %add3A_106 : vector<16xi32>
      %gather3A = tpu.vector_load_idx %arg19[%add3A_107] : memref<32xf32, #tpu.memory_space<vmem>>[vector<16xi32>], vector<16xf32>,
      %add3A_108 = arith.constant 1 : i32
      %add3A_109 = vector.broadcast %add3A_108 : i32 to vector<16xi32>
      %add3A_110 = arith.addi %iota3A, %add3A_109 : vector<16xi32>
      %gather3A_111 = tpu.vector_load_idx %arg20[%add3A_110] : memref<32xf32, #tpu.memory_space<vmem>>[vector<16xi32>], vector<16xf32>,
      %lt3A_112 = arith.constant 9 : i32
      %lt3A_113 = vector.broadcast %lt3A_112 : i32 to vector<16xi32>
      %lt3A_114 = arith.cmpi slt, %iota3A, %lt3A_113 : vector<16xi32>
      %sub3A = arith.subf %gather3A, %get3A_104 : vector<16xf32>
      %mul3A = arith.mulf %sub3A, %gather3A_111 : vector<16xf32>
      %jit3A = arith.constant 0.000000e+00 : f32
      %broadcast_in_dim3A_115 = vector.broadcast %jit3A : f32 to vector<16xf32>
      %select_n3A = arith.select %lt3A_114, %mul3A, %broadcast_in_dim3A_115 : vector<16xi1>, vector<16xf32>
      %reduce_sum3A = arith.constant true
      %reduce_sum3A_116 = vector.broadcast %reduce_sum3A : i1 to vector<16xi1>
      %reduce_sum3A_117 = tpu.scan <sum>, %select_n3A masked %reduce_sum3A_116 : vector<16xf32>, vector<16xi1> -> vector<16xf32>
      %reduce_sum3A_118 = vector.extract %reduce_sum3A_117[15] : f32 from vector<16xf32>
      %add3A_119 = vector.broadcast %reduce_sum3A_118 : f32 to vector<16xf32>
      %add3A_120 = arith.addf %broadcast_in_dim3A_61, %add3A_119 : vector<16xf32>
      %swap3A_121 = arith.constant 0 : index
      %swap3A_122 = tpu.vector_load %arg17[%swap3A_121] {strides = array<i32>} : memref<16xf32, #tpu.memory_space<vmem>>, vector<16xf32>,
      tpu.vector_store %arg17[%swap3A_121], %add3A_120 {strides = array<i32>} : memref<16xf32, #tpu.memory_space<vmem>>, vector<16xf32>,
      "tpu.region"() ({
        %run_scoped3A = tpu.sem_alloc : memref<!tpu.dma_semaphore, #tpu.memory_space<semaphore_mem>>
        tpu.enqueue_dma source(%arg17 : memref<16xf32, #tpu.memory_space<vmem>>) target(%arg4 : memref<16xf32, #tpu.memory_space<hbm>>) target_semaphore(%run_scoped3A : memref<!tpu.dma_semaphore, #tpu.memory_space<semaphore_mem>>)
        tpu.wait_dma2 semaphore(%run_scoped3A : memref<!tpu.dma_semaphore, #tpu.memory_space<semaphore_mem>>) src(%arg17 : memref<16xf32, #tpu.memory_space<vmem>>) dst(%arg4 : memref<16xf32, #tpu.memory_space<hbm>>)
        tpu.yield
      }) : () -> ()
    } else {
    }
    return
  }
}

</mosaic_0001>

<sc_bundles>
// kernel: kernel.3.cloned.1.call-start
scs
__scs_entry_jumppad:
0x0: {  	(pc) =	sbr.rel $0x88, $3  }
0x1: {  	(tag) =	ssettag $0x0;
	lr =	simm.s32 $0x1  }
0x2: {  	[smem:$0x3F9E] =	sst lr;
	_ =	strace $0xD0000000  }
0x3: {  	_ = 	snop  }
0x4: {  	_ = 	snop  }
0x5: {  	_ = 	snop  }
0x6: {  	_ = 	snop  }
0x7: {  	_ = 	snop  }
__scs_overlays_trampoline_lowered:
0x8: {  	[smem:$0x3FAD] =	sst s0  }
0x9: {  	[smem:$0x3FAE] =	sst s1  }
0xa: {  	[smem:$0x3FAF] =	sst s2  }
0xb: {  	[smem:$0x3FB0] =	sst s3  }
0xc: {  	[smem:$0x3FB1] =	sst s4  }
0xd: {  	[smem:$0x3FB2] =	sst s5  }
0xe: {  	[smem:$0x3FB3] =	sst s6  }
0xf: {  	[smem:$0x3FB4] =	sst s7  }
0x10: {  	[smem:$0x3FB5] =	sst s8  }
0x11: {  	[smem:$0x3FB6] =	sst s9;
	s0 =	simm.s32 @!p0 $0x0  }
0x12: {  	s1 =	sld [smem:$0x3F9C];
	s0 =	simm.s32 @p0 $0x1  }
0x13: {  	[smem:$0x3FB7] =	sst s0;
	s0 =	simm.s32 @!p1 $0x0  }
0x14: {  	s2 =	sld [smem:$0x3F9B];
	s0 =	simm.s32 @p1 $0x1  }
0x15: {  	[smem:$0x3FB8] =	sst s0;
	s0 =	simm.s32 @!p2 $0x0  }
0x16: {  	s3 =	sld [smem:$0x3FDB];
	s0 =	simm.s32 @p2 $0x1  }
0x17: {  	s4 =	simm.s32 $0x1BF5;
	[smem:$0x3FBA] =	sst s0  }
0x18: {  	s0 =	sld [smem:$0x3F9D];
	_ =	swait.ge [sflag:s4], $0x0  }
0x19: {  	s7 =	sld [smem:$0x3F9E]  }
0x1a: {  	s8 =	sadd.s32 $0xFFFFE003, lr  }
0x1b: {  	s9 =	sadd.s32 $0xFFFFFEF7, lr;
	s5 =	simm.s32 $0xFFFFFFFF;
	p2 =	slt.u32 s8, $0xFFFFF086  }
0x1c: {  	p1 =	slt.u32 s9, $0xF7A;
	s5 =	simm.s32 @!p2 $0x0  }
0x1d: {  	s5 =	simm.s32 @p1 $0x1;
	p0 =	seq.s32 s7, s2  }
0x1e: {  	s7 =	smul.u32 @!p0 $0xF7A, s2;
	p2 =	seq.s32 @!p0 s5, $0x0  }
0x1f: {  	s9 =	smul.u32 $0xF7A, s1;
	s8 =	simm.s32 @!p0 $0x1BF5;
	p2 =	por !p2, p0  }
0x20: {  	[sflag:s8] =	ssyncset.s32 @!p0 $0xFFFFF086;
	s6 =	sadd.s32 @!p0 s3, s7;
	s7 =	simm.s32 @!p0 $0x108  }
0x21: {  	s3 =	sadd.s32 s3, s9;
	s6 =	sadd.s32 @!p0 $0x88, s6;
	s7 =	simm.s32 @p2 $0x1082  }
0x22: {  	[simem:s7], [sflag:s8] =	dma.local @!p0 [hbm:s6], $0xF7A  }
0x23: {  	s9 =	sor.u32 $0xD0000000, s2;
	s6 =	simm.s32 $0x108;
	_ =	swait.ge @!p0 [sflag:s8], $0x0  }
0x24: {  	s3 =	sadd.s32 $0x88, s3;
	s6 =	simm.s32 @!p1 $0x1082;
	[sflag:s4] =	ssyncset.s32 $0xFFFFF086  }
0x25: {  	[simem:s6], [sflag:s4] =	dma.local [hbm:s3], $0xF7A  }
0x26: {  	[smem:$0x3F9E] =	sst s1;
	(tag) =	ssettag s2;
	_ =	strace s9  }
0x27: {  	s1 =	sld [smem:$0x3FAE]  }
0x28: {  	s2 =	sld [smem:$0x3FAF]  }
0x29: {  	s4 =	sld [smem:$0x3FB1]  }
0x2a: {  	p0 =	seq.s32 s5, $0x0;
	s5 =	sld [smem:$0x3FB2]  }
0x2b: {  	s6 =	sld [smem:$0x3FB3]  }
0x2c: {  	s7 =	sld [smem:$0x3FB4]  }
0x2d: {  	s3 =	simm.s32 $0x108;
	s8 =	sld [smem:$0x3FB5]  }
0x2e: {  	s3 =	simm.s32 @!p0 $0x1082;
	s9 =	sld [smem:$0x3FB6]  }
0x2f: {  	lr =	sadd.s32 s0, s3;
	s0 =	sld [smem:$0x3FAD]  }
0x30: {  	s3 =	sld [smem:$0x3FB0]  }
0x31: {  	[smem:$0x3FB9] =	sst s10  }
0x32: {  	s10 =	sld [smem:$0x3FB7];
	_ =	sdelay $0x3  }
0x33: {  	p0 =	seq.s32 s10, $0x1;
	s10 =	sld [smem:$0x3FB9];
	_ =	sdelay $0x3  }
0x34: {  	[smem:$0x3FB9] =	sst s10  }
0x35: {  	s10 =	sld [smem:$0x3FB8];
	_ =	sdelay $0x3  }
0x36: {  	p1 =	seq.s32 s10, $0x1;
	s10 =	sld [smem:$0x3FB9];
	_ =	sdelay $0x3  }
0x37: {  	[smem:$0x3FB9] =	sst s10  }
0x38: {  	s10 =	sld [smem:$0x3FBA]  }
0x39: {  	_ = 	snop;
	(pc) =	sbr.ind lr, $3  }
0x3a: {  	_ = 	snop  }
0x3b: {  	_ = 	snop  }
0x3c: {  	p2 =	seq.s32 s10, $0x1;
	s10 =	sld [smem:$0x3FB9]  }
0x3d: {  	_ =	shalt  }
0x3e: {  	_ =	shalt  }
0x3f: {  	_ =	shalt  }
0x40: {  	_ =	shalt  }
0x41: {  	_ =	shalt  }
0x42: {  	_ =	shalt  }
0x43: {  	_ =	shalt  }
0x44: {  	_ =	shalt  }
0x45: {  	_ =	shalt  }
0x46: {  	_ =	shalt  }
0x47: {  	_ =	shalt  }
0x48: {  	_ =	shalt  }
0x49: {  	_ =	shalt  }
0x4a: {  	_ =	shalt  }
0x4b: {  	_ =	shalt  }
0x4c: {  	_ =	shalt  }
0x4d: {  	_ =	shalt  }
0x4e: {  	_ =	shalt  }
0x4f: {  	_ =	shalt  }
0x50: {  	_ =	shalt  }
0x51: {  	_ =	shalt  }
0x52: {  	_ =	shalt  }
0x53: {  	_ =	shalt  }
0x54: {  	_ =	shalt  }
0x55: {  	_ =	shalt  }
0x56: {  	_ =	shalt  }
0x57: {  	_ =	shalt  }
0x58: {  	_ =	shalt  }
0x59: {  	_ =	shalt  }
0x5a: {  	_ =	shalt  }
0x5b: {  	_ =	shalt  }
0x5c: {  	_ =	shalt  }
0x5d: {  	_ =	shalt  }
0x5e: {  	_ =	shalt  }
0x5f: {  	_ =	shalt  }
0x60: {  	_ =	shalt  }
0x61: {  	_ =	shalt  }
0x62: {  	_ =	shalt  }
0x63: {  	_ =	shalt  }
0x64: {  	_ =	shalt  }
0x65: {  	_ =	shalt  }
0x66: {  	_ =	shalt  }
0x67: {  	_ =	shalt  }
0x68: {  	_ =	shalt  }
0x69: {  	_ =	shalt  }
0x6a: {  	_ =	shalt  }
0x6b: {  	_ =	shalt  }
0x6c: {  	_ =	shalt  }
0x6d: {  	_ =	shalt  }
0x6e: {  	_ =	shalt  }
0x6f: {  	_ =	shalt  }
0x70: {  	_ =	shalt  }
0x71: {  	_ =	shalt  }
0x72: {  	_ =	shalt  }
0x73: {  	_ =	shalt  }
0x74: {  	_ =	shalt  }
0x75: {  	_ =	shalt  }
0x76: {  	_ =	shalt  }
0x77: {  	_ =	shalt  }
0x78: {  	_ =	shalt  }
0x79: {  	_ =	shalt  }
0x7a: {  	_ =	shalt  }
0x7b: {  	_ =	shalt  }
0x7c: {  	_ =	shalt  }
0x7d: {  	_ =	shalt  }
0x7e: {  	_ =	shalt  }
0x7f: {  	_ =	shalt  }
0x80: {  	_ =	shalt  }
0x81: {  	_ =	shalt  }
0x82: {  	_ =	shalt  }
0x83: {  	_ =	shalt  }
0x84: {  	_ =	shalt  }
0x85: {  	_ =	shalt  }
0x86: {  	_ =	shalt  }
0x87: {  	_ =	shalt  }
.Lfunc_end0:
.L_simem_size_0:
called_computation_lowered:
.L_overlay_start_0:
0x88: {  	s2 =	sld [smem:$0x3FD9]  }
0x89: {  	s3 =	sld [smem:$0x3FFE];
	_ =	sdelay $0x1  }
0x8a: {  	s1 =	srdreg.scid  }
0x8b: {  	s0 =	sand.u32 $0x1, s1  }
0x8c: {  	s17 =	sshll.u32 s0, $0xA;
	s2 =	sadd.s32 s3, s2  }
0x8d: {  	s2 =	sadd.s32 s2, s17  }
0x8e: {  	[smem:$0x3FC5] =	sst s2  }
0x8f: {  	_ = 	snop  }
0x90: {  	s2 =	sld [smem:$0x3FD0];
	(tm) =	ssettm $0x1  }
0x91: {  	s18 =	sld [smem:$0x3FFB];
	_ =	sdelay $0x3  }
0x92: {  	_ =	strace s18  }
0x93: {  	s3 =	sld [smem:$0x3FFC];
	_ =	sdelay $0x3  }
0x94: {  	_ =	strace s3  }
0x95: {  	s3 =	sld [smem:$0x3FFD];
	_ =	sdelay $0x3  }
0x96: {  	_ =	strace s3  }
0x97: {  	_ =	strace $0x8FFFFFFF  }
0x98: {  	s19 =	sld [smem:$0x3FDB];
	_ =	sdelay $0x1  }
0x99: {  	s4 =	simm.s32 $_scs_section_size  }
0x9a: {  	s5 =	simm.s32 $_size__tile_overlayer_lowered;
	s6 =	simm.s32 $_tile_overlayer_lowered  }
0x9b: {  	s22 =	simm.s32 $0x1BFF;
	s21 =	sshll.u32 s6, $0x1;
	s3 =	sadd.s32 s4, s19  }
0x9c: {  	s7 =	simm.s32 $0x0;
	s20 =	sshll.u32 s5, $0x1;
	s5 =	sadd.s32 s21, s3  }
0x9d: {  	[timem:s7], [sflag:s22] =	dma.local [hbm:s5], s20  }
0x9e: {  	_ =	swait.ge [sflag:s22], s20  }
0x9f: {  	s4 =	ssub.s32 $0x0, s20;
	[sflag:s22] =	ssyncset.done $0x0  }
0xa0: {  	[sflag:s22] =	ssyncadd.s32 s4;
	_ =	sdelay $0x1  }
0xa1: {  	s23 =	simm.s32 $0x1B8B  }
0xa2: {  	_ =	swait.ge [sflag:s23], $0x1  }
0xa3: {  	[sflag:s23] =	ssyncset.done $0x0  }
0xa4: {  	s25 =	simm.s32 $0x1B8E;
	s24 =	sld [smem:$0x3FFE];
	[sflag:s23] =	ssyncadd.s32 $0xFFFFFFFF  }
0xa5: {  	s26 =	simm.s32 $execute0_lowered;
	[smem:$0x3FD2] =	sst s25  }
0xa6: {  	s5 =	sshll.u32 s26, $0x1;
	_ =	strace $0x80000046;
	[dreg:$0x1] =	wrdreg $0xFFFFFFFF  }
0xa7: {  	s28 =	simm.s32 $_size_execute0_lowered;
	s3 =	sadd.s32 s3, s5;
	[dreg:$0x0] =	wrdreg $0x0  }
0xa8: {  	s5 =	sshll.u32 s28, $0x1;
	[dreg:$0x2] =	wrdreg s3  }
0xa9: {  	[dreg:$0x3] =	wrdreg s5  }
0xaa: {  	[dreg:$0x4] =	wrdreg $0xC0  }
0xab: {  	_ =	task [dreg:s7], $0x5FFFF  }
0xac: {  	[dreg:$0x1] =	wrdreg $0xFFFFFFFF  }
0xad: {  	[dreg:$0x0] =	wrdreg $0x60  }
0xae: {  	[dreg:$0x2] =	wrdreg s24  }
0xaf: {  	[dreg:$0x3] =	wrdreg s2  }
0xb0: {  	[dreg:$0x4] =	wrdreg $0x41000  }
0xb1: {  	[dreg:$0x5] =	wrdreg $0x9  }
0xb2: {  	_ =	task.clear_ibuf [dreg:s7], $0x6FFFF;
	_ =	strace $0x90000046  }
0xb3: {  	s29 =	simm.s32 $0x9;
	_ =	strace $0x80000048  }
0xb4: {  	_ =	swait.ge [sflag:s29], $0x1  }
0xb5: {  	[sflag:s29] =	ssyncadd.s32 $0xFFFFFFFF  }
0xb6: {  	_ =	strace $0x90000048  }
0xb7: {  	_ =	sfence  }
0xb8: {  	s30 =	sld [smem:$0x0];
	_ =	sdelay $0x2  }
0xb9: {  	s31 =	sshll.u32 s1, $0xD;
	s1 =	sshrl.u32 s1, $0x2  }
0xba: {  	s3 =	sand.u32 $0x4000, s31;
	s1 =	sadd.s32 s1, s30  }
0xbb: {  	s0 =	sor.u32 s3, s0;
	s1 =	sshll.u32 s1, $0x11  }
0xbc: {  	s0 =	sor.u32 s1, s0  }
0xbd: {  	s0 =	sadd.s32 $0x8F2B, s0  }
0xbe: {  	[sflag:s0] =	ssyncadd.remote.s32 $0x1  }
0xbf: {  	_ =	sfence.sel $0xFFFF  }
0xc0: {  	[dreg:$0x0] =	wrdreg $0xFFFFFFFF;
	(pc) =	sbr.abs _section_cstart, $3  }
0xc1: {  	[dreg:$0x1] =	wrdreg $0xFFFFFFFF  }
0xc2: {  	_ =	task.clear_ibuf [dreg:s7], $0x2FFFF;
	_ =	strace $0x9FFFFFFF  }
0xc3: {  	(tm) =	ssettm $0x7FFFFFFF  }
tec
execute0_lowered:
.L_overlay_start_1:
0x0: {  	(tag) =	ssettag $0x1  }
0x1: {  	s0 =	rddreg [dreg:$0x0]  }
0x2: {  	s5 =	rddreg [dreg:$0x2];
	s1 =	simm.s32 $0x0;
	s10 =	stileid.u32  }
0x3: {  	s30 =	srdreg.scid;
	s11 =	simm.s32 $0x400;
	s12 =	simm.s32 $0x1  }
0x4: {  	s13 =	simm.s32 $0x1800;
	s14 =	simm.s32 $0x3D80;
	s15 =	simm.s32 $0x1980  }
0x5: {  	s16 =	simm.s32 $0x1D80;
	s17 =	simm.s32 $0x2180;
	[smem:$0x7FF] =	sst s1  }
0x6: {  	v0 =	vimm.f32 $-1.000000000e+00;
	s18 =	simm.s32 $0x2580;
	s19 =	simm.s32 $0x2D80;
	_ =	strace $0x80000047  }
0x7: {  	s20 =	simm.s32 $0x3180;
	s21 =	simm.s32 $0x3580;
	s22 =	simm.s32 $0x3980;
	(xrf0) =	vmax.scan.msk.f32 $0xffff, v0  }
0x8: {  	s23 =	simm.s32 $0x3E80;
	s25 =	simm.s32 $0x4000;
	s28 =	simm.s32 $0x0  }
0x9: {  	s2 =	sshll.u32 s10, $0x4;
	s1 =	sand.u32 $0x1, s30;
	p1 =	slt.u32 s10, $0x8  }
.Ltmp0:
0xa: {  	v3 =	vimm.s32 $0x140;
	s3 =	ssub.s32 $0x2, s1;
	p0 =	seq.s32 s1, $0x0;
	(pc) =	sbr.rel .LBB2_1-.Ltmp0, $4  }
0xb: {  	v4 =	vimm.s32 $0x141;
	v5 =	vimm.f32 $0.0e+00;
	v6 =	vimm.s32 $0x0;
	s0 =	sadd.s32 s2, s0;
	s5 =	sadd.s32 s2, s5;
	s31 =	sor.u32 s10, s1  }
0xc: {  	v7 =	vlaneseq.u32;
	vm0 =	vmmov $0x1;
	vm1 =	vmxor vm1, vm1;
	s4 =	sshrl.u32 s3, $0x1;
	p0 =	por !p0, !p1;
	s6 =	sadd.s32 $0xA00, s0  }
0xd: {  	v10 =	vimm.f32 $1.000000000e+00;
	v11 =	vimm.s32 $0x9;
	v1 =	vmov s10;
	s7 =	sadd.s32 $0x800, s0;
	s8 =	sadd.s32 $0x80, s5;
	s3 =	ssub.s32 s3, s4;
	v2, _, _ =	vpop (xrf0)  }
0xe: {  	v8 =	vor.u32 $0x30, v7;
	v9 =	vor.u32 $0x20, v7;
	p1 =	sne.s32 s31, $0x0;
	p0 =	por !p0, !p0;
	s9 =	smax.u32 s3, $0x1;
	v2 =	vbroadcast v2, $0xF  }
.LBB2_32:
0xf: {  	s0 =	sxor.u32 $0x80000000, s29;
	v13 =	vld [tilespmem:$0x3E40]  }
0x10: {  	s1 =	scvt.s32.f32 s0  }
0x11: {  	v14 =	vld [tilespmem:$0x3E50]  }
0x12: {  	v15 =	vmov s1  }
0x13: {  	v16 =	vld [tilespmem:$0x3E60];
	v15 =	vmax.f32 v15, $1.000000000e+00  }
0x14: {  	v13 =	vadd.f32 $0.0e+00, v13;
	v15 =	vbroadcast v15, $0x0  }
0x15: {  	v17 =	vld [tilespmem:$0x3E70]  }
0x16: {  	v13 =	vadd.f32 v14, v13;
	v57 =	vsub.s32 $0x7EF311C3, v15  }
0x17: {  	v18 =	vmul.f32 v57, v15  }
0x18: {  	v12 =	vcvt.s32.f32 v12;
	v13 =	vadd.f32 v16, v13  }
0x19: {  	v58 =	vsub.f32 $2.000000000e+00, v18  }
0x1a: {  	v12 =	vmax.f32 v12, $1.000000000e+00;
	v13 =	vadd.f32 v17, v13  }
0x1b: {  	v59 =	vsub.s32 $0x7EF311C3, v12;
	v14 =	vmul.f32 v57, v58  }
0x1c: {  	v60 =	vmul.f32 v59, v12;
	(xrf2) =	vadd.scan.msk.f32 $0xffff, v13  }
0x1d: {  	v61 =	vmul.f32 v14, v15  }
0x1e: {  	v13 =	vsub.f32 $2.000000000e+00, v60  }
0x1f: {  	v17 =	vsub.f32 $2.000000000e+00, v61  }
0x20: {  	v13 =	vmul.f32 v59, v13  }
0x21: {  	v14 =	vmul.f32 v17, v14  }
0x22: {  	v16 =	vmul.f32 v13, v12  }
0x23: {  	v15 =	vmul.f32 v14, v15  }
0x24: {  	v16 =	vsub.f32 $2.000000000e+00, v16  }
0x25: {  	v15 =	vsub.f32 $2.000000000e+00, v15  }
0x26: {  	v13 =	vmul.f32 v16, v13;
	v62, _, _ =	vpop (xrf2)  }
0x27: {  	v16 =	vbroadcast v62, $0xF;
	v14 =	vmul.f32 v15, v14  }
0x28: {  	v12 =	vmul.f32 v13, v12  }
0x29: {  	v14 =	vmul.f32 v16, v14  }
0x2a: {  	p2 =	sgt.s32 s0, $0x0;
	v12 =	vsub.f32 $2.000000000e+00, v12  }
0x2b: {  	vm2 =	veq.s32 v1, v7;
	v14 =	vpsel !p2, $0x0, v14  }
0x2c: {  	v12 =	vmul.f32 v12, v13;
	v63 =	vnsel vm2, $0x0, v14  }
0x2d: {  	[tilespmem:$0x3E80] =	vst v63  }
0x2e: {  	v12 =	vmul.f32 v16, v12;
	[spmem:s5] =	stream.linear.scatter [tilespmem:s23], [sflag:$0x1], $0x10, $0x38;
	[tilespmem:$0x4110] =	vst v63  }
0x2f: {  	_ =	swait.ge [sflag:s12], $0x10  }
0x30: {  	v12 =	vpsel !p2, $0x0, v12;
	[sflag:s12] =	ssyncset.done $0x0  }
0x31: {  	v12 =	vnsel vm2, $0x0, v12;
	[sflag:s12] =	ssyncadd.s32 $0xFFFFFFF0  }
0x32: {  	[tilespmem:$0x3E80] =	vst v12  }
0x33: {  	[spmem:s8] =	stream.linear.scatter [tilespmem:s23], [sflag:$0x1], $0x10, $0x38;
	[tilespmem:$0x4110] =	vst v63  }
0x34: {  	_ =	swait.ge [sflag:s12], $0x10  }
0x35: {  	[sflag:s12] =	ssyncset.done $0x0  }
0x36: {  	[sflag:s12] =	ssyncadd.s32 $0xFFFFFFF0  }
.LBB2_33:
.Ltmp1:
0x37: {  	(pc) =	sbr.rel @!p1 .LBB2_34-.Ltmp1, $2  }
0x38: {  	_ =	sdelay $0x1  }
0x39: {  	[bflag:$0x0] =	sbarrier.arrive $0xFFFF;
	_ =	sdelay $0x1  }
.LBB2_35:
0x3a: {  	s28 =	sadd.s32 $0x1, s28  }
0x3b: {  	p2 =	sne.s32 s28, s9  }
.Ltmp2:
0x3c: {  	_ = 	snop;
	(pc) =	sbr.rel @!p2 .LBB2_36-.Ltmp2, $1  }
0x3d: {  	_ =	sdelay $0x3  }
.LBB2_1:
.Ltmp3:
0x3e: {  	(pc) =	sbr.rel @!p0 .LBB2_33-.Ltmp3, $1  }
0x3f: {  	_ =	sdelay $0x3  }
0x40: {  	s0 =	simm.s32 $0x0;
	s1 =	simm.s32 $0x80  }
0x41: {  	[tilespmem:s0], [sflag:$0x1] =	stream.strided.gather [hbm4b:s6+s1], $0x1800, s11, s1, $0x38;
	[tilespmem:$0x4110] =	vst v63  }
0x42: {  	_ =	swait.ge [sflag:s12], $0x1800  }
0x43: {  	[sflag:s12] =	ssyncset.done $0x0  }
0x44: {  	[sflag:s12] =	ssyncadd.s32 $0xFFFFE800  }
0x45: {  	[tilespmem:s13], [sflag:$0x1] =	stream.strided.gather [hbm4b:s7+s1], $0x180, s11, s1, $0x38;
	[tilespmem:$0x4110] =	vst v63  }
0x46: {  	_ =	swait.ge [sflag:s12], $0x180  }
0x47: {  	[sflag:s12] =	ssyncset.done $0x0  }
0x48: {  	[sflag:s12] =	ssyncadd.s32 $0xFFFFFE80  }
0x49: {  	v12 =	vld [tilespmem:$0x1800];
	_ =	sdelay $0x3  }
0x4a: {  	v13 =	vld.idx.msk [tilespmem:v3+s13+$0x0], $0xffff  }
0x4b: {  	v14 =	vld.idx.msk [tilespmem:v4+s13+$0x0], $0xffff;
	vm2 =	veq.f32 v12, $0.0e+00  }
0x4c: {  	v17 =	vld [tilespmem:$0x1900];
	v16 =	vsel vm2, $0x1, v6  }
0x4d: {  	v12 =	vld [tilespmem:$0x18C0];
	(xrf0) =	vadd.scan.msk.s32 $0xffff, v16  }
0x4e: {  	v15 =	vld [tilespmem:$0x1840]  }
0x4f: {  	v16 =	vld [tilespmem:$0x1880];
	_ =	sdelay $0x1  }
0x50: {  	v17 =	vmul.f32 v17, v14  }
0x51: {  	v12 =	vmul.f32 v12, v13  }
0x52: {  	v15 =	vmul.f32 v15, v13;
	v20 =	vmul.f32 $5.000000000e-01, v17;
	v18, _, _ =	vpop (xrf0)  }
0x53: {  	v16 =	vmul.f32 v16, v14;
	v19 =	vmul.f32 $5.000000000e-01, v12;
	v21 =	vxor.u32 $0x80000000, v18  }
0x54: {  	(xrf0) =	vmax.scan.msk.u32 $0xffff, v21  }
0x55: {  	v15 =	vsub.f32 v15, v19;
	v16 =	vsub.f32 v16, v20  }
0x56: {  	v47 =	vadd.s32 $0xFFFFFFFF, v18  }
0x57: {  	[tilespmem:$0x3E40] =	vst v5;
	v48 =	vadd.s32 $0x3F, v18;
	v12 =	vadd.f32 v15, v12;
	v17 =	vadd.f32 v16, v17  }
0x58: {  	[tilespmem:$0x3E50] =	vst v5;
	v18 =	vadd.s32 $0x7F, v18  }
0x59: {  	[tilespmem:$0x3E60] =	vst v5;
	v12 =	vsub.f32 v12, v15;
	v17 =	vsub.f32 v17, v16  }
0x5a: {  	[tilespmem:$0x3E70] =	vst v5;
	v21, _, _ =	vpop (xrf0)  }
0x5b: {  	[tilespmem:v47+s14+$0x0] =	vst.idx.msk vm2, v15;
	v12 =	vmul.f32 v17, v12;
	(v2sf) =	vpush v21, $0xF  }
0x5c: {  	[tilespmem:v48+s14+$0x0] =	vst.idx.msk vm2, v16  }
0x5d: {  	[tilespmem:v18+s14+$0x0] =	vst.idx.msk vm2, v12  }
0x5e: {  	v12 =	vld [tilespmem:$0x1810];
	_ =	sdelay $0x4  }
0x5f: {  	vm2 =	veq.f32 v12, $0.0e+00  }
0x60: {  	v15 =	vsel vm2, $0x1, v6  }
0x61: {  	v16 =	vld [tilespmem:$0x18D0];
	(xrf0) =	vadd.scan.msk.s32 $0xffff, v15  }
0x62: {  	v15 =	vld [tilespmem:$0x1910]  }
0x63: {  	v17 =	vld [tilespmem:$0x1890]  }
0x64: {  	v12 =	vld [tilespmem:$0x1850];
	_ =	sdelay $0x1  }
0x65: {  	v16 =	vmul.f32 v16, v13;
	s26 =	spop (v2sf)  }
0x66: {  	v15 =	vmul.f32 v15, v14;
	v49, _, _ =	vpop (xrf0);
	s1 =	sxor.u32 $0x80000000, s26  }
0x67: {  	v17 =	vmul.f32 v17, v14;
	v50 =	vmul.f32 $5.000000000e-01, v16;
	v18 =	vadd.s32 s1, v49  }
0x68: {  	v12 =	vmul.f32 v12, v13;
	v51 =	vmul.f32 $5.000000000e-01, v15;
	v52 =	vxor.u32 $0x80000000, v18  }
0x69: {  	(xrf0) =	vmax.scan.msk.u32 $0xffff, v52  }
0x6a: {  	v12 =	vsub.f32 v12, v50;
	v17 =	vsub.f32 v17, v51  }
0x6b: {  	v53 =	vadd.s32 $0xFFFFFFFF, v18  }
0x6c: {  	v16 =	vadd.f32 v12, v16;
	v54 =	vadd.s32 $0x3F, v18;
	v15 =	vadd.f32 v17, v15  }
0x6d: {  	v18 =	vadd.s32 $0x7F, v18  }
0x6e: {  	v16 =	vsub.f32 v16, v12;
	v15 =	vsub.f32 v15, v17  }
0x6f: {  	v21, _, _ =	vpop (xrf0)  }
0x70: {  	v15 =	vmul.f32 v15, v16;
	[tilespmem:v53+s14+$0x0] =	vst.idx.msk vm2, v12;
	(v2sf) =	vpush v21, $0xF  }
0x71: {  	[tilespmem:v54+s14+$0x0] =	vst.idx.msk vm2, v17  }
0x72: {  	[tilespmem:v18+s14+$0x0] =	vst.idx.msk vm2, v15  }
0x73: {  	v12 =	vld [tilespmem:$0x1820];
	_ =	sdelay $0x4  }
0x74: {  	vm2 =	veq.f32 v12, $0.0e+00  }
0x75: {  	v15 =	vsel vm2, $0x1, v6  }
0x76: {  	v16 =	vld [tilespmem:$0x18E0];
	(xrf0) =	vadd.scan.msk.s32 $0xffff, v15  }
0x77: {  	v15 =	vld [tilespmem:$0x1920]  }
0x78: {  	v17 =	vld [tilespmem:$0x18A0]  }
0x79: {  	v12 =	vld [tilespmem:$0x1860];
	_ =	sdelay $0x1  }
0x7a: {  	v16 =	vmul.f32 v16, v13;
	s29 =	spop (v2sf)  }
0x7b: {  	v15 =	vmul.f32 v15, v14;
	v55, _, _ =	vpop (xrf0);
	s1 =	sxor.u32 $0x80000000, s29  }
0x7c: {  	v17 =	vmul.f32 v17, v14;
	v56 =	vmul.f32 $5.000000000e-01, v16;
	v18 =	vadd.s32 s1, v55  }
0x7d: {  	v12 =	vmul.f32 v12, v13;
	v57 =	vmul.f32 $5.000000000e-01, v15;
	v58 =	vxor.u32 $0x80000000, v18  }
0x7e: {  	(xrf0) =	vmax.scan.msk.u32 $0xffff, v58  }
0x7f: {  	v12 =	vsub.f32 v12, v56;
	v17 =	vsub.f32 v17, v57  }
0x80: {  	v59 =	vadd.s32 $0xFFFFFFFF, v18  }
0x81: {  	v16 =	vadd.f32 v12, v16;
	v15 =	vadd.f32 v17, v15;
	v60 =	vadd.s32 $0x3F, v18  }
0x82: {  	v18 =	vadd.s32 $0x7F, v18  }
0x83: {  	v16 =	vsub.f32 v16, v12;
	v15 =	vsub.f32 v15, v17  }
0x84: {  	v21, _, _ =	vpop (xrf0)  }
0x85: {  	v15 =	vmul.f32 v15, v16;
	[tilespmem:v59+s14+$0x0] =	vst.idx.msk vm2, v12;
	(v2sf) =	vpush v21, $0xF  }
0x86: {  	[tilespmem:v60+s14+$0x0] =	vst.idx.msk vm2, v17  }
0x87: {  	[tilespmem:v18+s14+$0x0] =	vst.idx.msk vm2, v15  }
0x88: {  	v12 =	vld [tilespmem:$0x1830];
	_ =	sdelay $0x3  }
0x89: {  	v17 =	vld [tilespmem:$0x1930]  }
0x8a: {  	v16 =	vld [tilespmem:$0x18F0];
	vm2 =	veq.f32 v12, $0.0e+00  }
0x8b: {  	v15 =	vld [tilespmem:$0x1870];
	v61 =	vsel vm2, $0x1, v6  }
0x8c: {  	v12 =	vld [tilespmem:$0x18B0];
	(xrf0) =	vadd.scan.msk.s32 $0xffff, v61;
	_ =	sdelay $0x1  }
0x8d: {  	v17 =	vmul.f32 v17, v14  }
0x8e: {  	v16 =	vmul.f32 v16, v13  }
0x8f: {  	v13 =	vmul.f32 v15, v13;
	v15 =	vmul.f32 $5.000000000e-01, v17  }
0x90: {  	v12 =	vmul.f32 v12, v14;
	v14 =	vmul.f32 $5.000000000e-01, v16;
	s30 =	spop (v2sf)  }
0x91: {  	v18, _, _ =	vpop (xrf0);
	s1 =	sxor.u32 $0x80000000, s30  }
0x92: {  	v13 =	vsub.f32 v13, v14;
	v14 =	vsub.f32 v12, v15;
	v12 =	vadd.s32 s1, v18  }
0x93: {  	v15 =	vadd.s32 $0xFFFFFFFF, v12  }
0x94: {  	v16 =	vadd.f32 v13, v16;
	v17 =	vadd.f32 v14, v17;
	v18 =	vadd.s32 $0x3F, v12  }
0x95: {  	v62 =	vadd.s32 $0x7F, v12  }
0x96: {  	v16 =	vsub.f32 v16, v13;
	v17 =	vsub.f32 v17, v14;
	_ =	sdelay $0x1  }
0x97: {  	v16 =	vmul.f32 v17, v16;
	[tilespmem:v15+s14+$0x0] =	vst.idx.msk vm2, v13  }
0x98: {  	[tilespmem:v18+s14+$0x0] =	vst.idx.msk vm2, v14  }
0x99: {  	[tilespmem:v62+s14+$0x0] =	vst.idx.msk vm2, v16  }
0x9a: {  	s31 =	sand.u32 $0x3F0, s0;
	v13 =	vld [tilespmem:s0+$0x0]  }
0x9b: {  	v15 =	vld [tilespmem:s31+$0x400];
	_ =	sdelay $0x4  }
0x9c: {  	vm2 =	veq.f32 v13, $0.0e+00;
	vm3 =	vge.f32 v15, $6.999999880e-01  }
0x9d: {  	vm2 =	vmand vm2, vm3  }
0x9e: {  	v13 =	vsel vm2, $0x1, v6  }
0x9f: {  	(xrf0) =	vadd.scan.msk.s32 $0xffff, v13;
	_ =	sdelay $0x4  }
0xa0: {  	v16 =	vld [tilespmem:s31+$0x1400]  }
0xa1: {  	v17 =	vld [tilespmem:s31+$0x1000];
	v13 =	vimm.s32 $0x0;
	v14, _, _ =	vpop (xrf0)  }
0xa2: {  	v18 =	vld [tilespmem:s31+$0xC00];
	v14 =	vadd.s32 v14, v13  }
0xa3: {  	v19 =	vld [tilespmem:s31+$0x800];
	v14 =	vadd.s32 $0xFFFFFFFF, v14;
	_ =	sdelay $0x4  }
0xa4: {  	v19 =	vsub.f32 v17, v19;
	v18 =	vsub.f32 v16, v18;
	v63 =	vmpcnt.ones.xlane vm2;
	[tilespmem:v14+s15+$0x0] =	vst.idx.msk vm2, v15  }
0xa5: {  	[tilespmem:v14+s16+$0x0] =	vst.idx.msk vm2, v17  }
0xa6: {  	s1 =	simm.s32 $0x10;
	v13 =	vadd.s32 v13, v63;
	v15 =	vmul.f32 v18, v19;
	[tilespmem:v14+s17+$0x0] =	vst.idx.msk vm2, v16  }
.LBB2_3:
0xa7: {  	p2 =	sne.s32 s1, $0x3F0  }
0xa8: {  	[tilespmem:v14+s18+$0x0] =	vst.idx.msk vm2, v15;
	s0 =	sadd.s32 $0x10, s0;
	v14 =	vmov v13;
	s2 =	smov.u32 s1;
	s1 =	sadd.s32 $0x10, s1  }
0xa9: {  	v15 =	vld [tilespmem:s0+$0x0];
	s2 =	sand.u32 $0x3F0, s2  }
0xaa: {  	v16 =	vld [tilespmem:s2+$0x400];
	_ =	sdelay $0x4  }
0xab: {  	vm2 =	veq.f32 v15, $0.0e+00;
	vm3 =	vge.f32 v16, $6.999999880e-01  }
0xac: {  	vm2 =	vmand vm2, vm3  }
0xad: {  	v15 =	vsel vm2, $0x1, v6;
	v17 =	vmpcnt.ones.xlane vm2  }
0xae: {  	(xrf0) =	vadd.scan.msk.s32 $0xffff, v15  }
0xaf: {  	v13 =	vadd.s32 v13, v17;
	_ =	sdelay $0x2  }
0xb0: {  	v17 =	vld [tilespmem:s2+$0x1400]  }
0xb1: {  	v15 =	vld [tilespmem:s2+$0x1000]  }
0xb2: {  	v18 =	vld [tilespmem:s2+$0xC00];
	v19, _, _ =	vpop (xrf0)  }
0xb3: {  	v20 =	vld [tilespmem:s2+$0x800];
	v14 =	vadd.s32 v19, v14  }
0xb4: {  	v14 =	vadd.s32 $0xFFFFFFFF, v14;
	_ =	sdelay $0x2  }
.Ltmp4:
0xb5: {  	(pc) =	sbr.rel @p2 .LBB2_3-.Ltmp4, $4  }
0xb6: {  	v18 =	vsub.f32 v17, v18;
	v19 =	vsub.f32 v15, v20  }
0xb7: {  	[tilespmem:v14+s15+$0x0] =	vst.idx.msk vm2, v16  }
0xb8: {  	[tilespmem:v14+s16+$0x0] =	vst.idx.msk vm2, v15;
	v15 =	vmul.f32 v18, v19  }
0xb9: {  	[tilespmem:v14+s17+$0x0] =	vst.idx.msk vm2, v17  }
0xba: {  	v12 =	vxor.u32 $0x80000000, v12  }
0xbb: {  	(xrf0) =	vmax.scan.msk.u32 $0xffff, v12;
	_ =	sdelay $0x5  }
0xbc: {  	v12, _, _ =	vpop (xrf0)  }
0xbd: {  	(v2sf) =	vpush v12, $0xF;
	_ =	sdelay $0xe  }
0xbe: {  	s0 =	spop (v2sf)  }
0xbf: {  	s0 =	sxor.u32 $0x80000000, s0  }
0xc0: {  	v60 =	vmov s0  }
0xc1: {  	v12 =	vxor.u32 $0x80000000, v60  }
0xc2: {  	v12 =	vbroadcast v12, $0x0;
	_ =	sdelay $0x1  }
0xc3: {  	v61 =	vxor.u32 $0x80000000, v13;
	(xrf0) =	vmax.scan.msk.u32 $0xffff, v12  }
0xc4: {  	(xrf0) =	vmax.scan.msk.u32 $0xffff, v61;
	_ =	sdelay $0x4  }
0xc5: {  	v62, _, _ =	vpop (xrf0)  }
0xc6: {  	(v2sf) =	vpush v62, $0xF;
	v63, _, _ =	vpop (xrf0)  }
0xc7: {  	(v2sf) =	vpush v63, $0xF;
	_ =	sdelay $0xd  }
0xc8: {  	s0 =	spop (v2sf)  }
0xc9: {  	s29 =	spop (v2sf)  }
0xca: {  	s1 =	sadd.s32 $0x8000000F, s29  }
0xcb: {  	s30 =	sshrl.u32 s1, $0x4  }
0xcc: {  	p2 =	sne.s32 s30, $0x0  }
.Ltmp5:
0xcd: {  	_ = 	snop;
	(pc) =	sbr.rel @!p2 .LBB2_7-.Ltmp5, $2  }
0xce: {  	_ =	sdelay $0x2  }
0xcf: {  	[tilespmem:v14+s18+$0x0] =	vst.idx.msk vm2, v15  }
0xd0: {  	p2 =	seq.s32 s30, $0x1  }
.Ltmp6:
0xd1: {  	_ = 	snop;
	(pc) =	sbr.rel @p2 .LBB2_7-.Ltmp6, $4  }
0xd2: {  	_ = 	snop  }
0xd3: {  	s2 =	simm.s32 $0x2980  }
0xd4: {  	s1 =	simm.s32 $0x2D80;
	[tilespmem:s2+$0x0] =	vst v5  }
0xd5: {  	s3 =	simm.s32 $0x2990;
	s2 =	sadd.s32 $0xFFFFFFFF, s30;
	[tilespmem:s1+$0x0] =	vst v0  }
.LBB2_6:
0xd6: {  	[tilespmem:s3+$0x0] =	vst v5;
	s1 =	sadd.s32 $0x10, s1;
	p2 =	seq.s32 s2, $0x1  }
.Ltmp7:
0xd7: {  	s2 =	sadd.s32 $0xFFFFFFFF, s2;
	[tilespmem:s1+$0x0] =	vst v0;
	(pc) =	sbr.rel @!p2 .LBB2_6-.Ltmp7, $2  }
0xd8: {  	_ =	sdelay $0x2  }
0xd9: {  	s3 =	sadd.s32 $0x10, s3  }
.LBB2_7:
0xda: {  	s0 =	sxor.u32 $0x80000000, s0  }
0xdb: {  	p2 =	slt.s32 s0, $0x1  }
.Ltmp8:
0xdc: {  	_ = 	snop;
	(pc) =	sbr.rel @p2 .LBB2_14-.Ltmp8, $1  }
0xdd: {  	_ =	sdelay $0x3  }
.Ltmp9:
0xde: {  	(pc) =	sbr.rel .LBB2_9-.Ltmp9, $4  }
0xdf: {  	_ = 	snop  }
0xe0: {  	s1 =	sadd.s32 $0x1, s30  }
0xe1: {  	s31 =	sshrl.u32 s1, $0x1  }
0xe2: {  	s2 =	simm.s32 $0x0;
	p2 =	seq.s32 s31, $0x0  }
.LBB2_12:
0xe3: {  	v12 =	vsel vm2, $0x3F800000, v15  }
0xe4: {  	[tilespmem:s3+$0x0] =	vst v12  }
.LBB2_13:
0xe5: {  	s2 =	sadd.s32 $0x1, s2  }
0xe6: {  	p3 =	seq.s32 s2, s0  }
.Ltmp10:
0xe7: {  	_ = 	snop;
	(pc) =	sbr.rel @p3 .LBB2_14-.Ltmp10, $1  }
0xe8: {  	_ =	sdelay $0x3  }
.LBB2_9:
.Ltmp11:
0xe9: {  	(pc) =	sbr.rel @p2 .LBB2_13-.Ltmp11, $1  }
0xea: {  	_ =	sdelay $0x3  }
0xeb: {  	v13 =	vmov s2  }
0xec: {  	v14 =	vadd.s32 $0x40, v13;
	_ =	sdelay $0x1  }
0xed: {  	s1 =	simm.s32 $0x2190  }
0xee: {  	v16 =	vld [tilespmem:s1+$0xFFFFFFF0]  }
0xef: {  	v15 =	vand.u32 $0x7FFFFFFF, v13;
	v12 =	vld.idx.msk [tilespmem:v13+s14+$0x0], $0xffff  }
0xf0: {  	s4 =	simm.s32 $0x1D90;
	v13 =	vld.idx.msk [tilespmem:v14+s14+$0x0], $0xffff;
	v14 =	vadd.s32 $0x80, v15  }
0xf1: {  	v15 =	vld [tilespmem:s4+$0xFFFFFFF0];
	_ =	sdelay $0x1  }
0xf2: {  	s24 =	simm.s32 $0x2590  }
0xf3: {  	v17 =	vld [tilespmem:s24+$0xFFFFFFF0]  }
0xf4: {  	v14 =	vld.idx.msk [tilespmem:v14+s14+$0x0], $0xffff  }
0xf5: {  	v15 =	vsub.f32 v15, v12;
	v16 =	vsub.f32 v16, v13;
	_ =	sdelay $0x1  }
0xf6: {  	v15 =	vmul.f32 v16, v15;
	_ =	sdelay $0x1  }
0xf7: {  	v15 =	vand.u32 $0x7FFFFFFF, v15;
	v16 =	vmin.f32 v14, v17  }
0xf8: {  	vm2 =	vgt.f32 v15, v16;
	v16 =	vadd.f32 v17, v14  }
0xf9: {  	s3 =	simm.s32 $0x2990;
	v15 =	vsel vm2, $0x0, v15  }
0xfa: {  	v17 =	vld [tilespmem:s3+$0xFFFFFFF0];
	v16 =	vsub.f32 v16, v15;
	_ =	sdelay $0x1  }
0xfb: {  	v16 =	vmul.f32 $5.000000000e-01, v16;
	_ =	sdelay $0x1  }
0xfc: {  	vm2 =	vgt.f32 v15, v16  }
0xfd: {  	v15 =	vsel vm2, $0x3F800000, v17  }
0xfe: {  	[tilespmem:s3+$0xFFFFFFF0] =	vst v15  }
0xff: {  	v15 =	vld [tilespmem:s4+$0x0]  }
0x100: {  	v16 =	vld [tilespmem:s1+$0x0];
	_ =	sdelay $0x3  }
0x101: {  	v17 =	vld [tilespmem:s24+$0x0]  }
0x102: {  	v15 =	vsub.f32 v15, v12;
	v16 =	vsub.f32 v16, v13;
	_ =	sdelay $0x1  }
0x103: {  	v15 =	vmul.f32 v16, v15;
	_ =	sdelay $0x1  }
0x104: {  	v16 =	vmin.f32 v14, v17;
	v15 =	vand.u32 $0x7FFFFFFF, v15  }
0x105: {  	v17 =	vadd.f32 v17, v14;
	vm2 =	vgt.f32 v15, v16  }
0x106: {  	v16 =	vsel vm2, $0x0, v15  }
0x107: {  	v15 =	vsub.f32 v17, v16  }
0x108: {  	p3 =	sne.s32 s31, $0x1  }
.Ltmp12:
0x109: {  	v17 =	vmul.f32 $5.000000000e-01, v15;
	v15 =	vld [tilespmem:s3+$0x0];
	(pc) =	sbr.rel @!p3 .LBB2_12-.Ltmp12, $2  }
0x10a: {  	_ =	sdelay $0x2  }
0x10b: {  	s26 =	simm.s32 $0x1DB0;
	s10 =	simm.s32 $0x2990;
	s4 =	sadd.s32 $0xFFFFFFFF, s31;
	vm2 =	vgt.f32 v16, v17  }
.LBB2_11:
0x10c: {  	v15 =	vsel vm2, $0x3F800000, v15;
	s10 =	sadd.s32 $0x20, s10;
	s24 =	sadd.s32 $0x20, s24;
	s1 =	sadd.s32 $0x20, s1  }
0x10d: {  	p3 =	sne.s32 s4, $0x1;
	s4 =	sadd.s32 $0xFFFFFFFF, s4;
	[tilespmem:s3+$0x0] =	vst v15;
	s3 =	smov.u32 s10  }
0x10e: {  	v15 =	vld [tilespmem:s26+$0xFFFFFFF0]  }
0x10f: {  	v16 =	vld [tilespmem:s1+$0xFFFFFFF0];
	_ =	sdelay $0x3  }
0x110: {  	v17 =	vld [tilespmem:s24+$0xFFFFFFF0]  }
0x111: {  	v15 =	vsub.f32 v15, v12;
	v16 =	vsub.f32 v16, v13;
	_ =	sdelay $0x1  }
0x112: {  	v15 =	vmul.f32 v16, v15;
	_ =	sdelay $0x1  }
0x113: {  	v15 =	vand.u32 $0x7FFFFFFF, v15;
	v16 =	vmin.f32 v14, v17  }
0x114: {  	vm2 =	vgt.f32 v15, v16;
	v16 =	vadd.f32 v17, v14  }
0x115: {  	v15 =	vsel vm2, $0x0, v15  }
0x116: {  	v16 =	vsub.f32 v16, v15;
	v17 =	vld [tilespmem:s10+$0xFFFFFFF0];
	_ =	sdelay $0x1  }
0x117: {  	v16 =	vmul.f32 $5.000000000e-01, v16;
	_ =	sdelay $0x1  }
0x118: {  	vm2 =	vgt.f32 v15, v16  }
0x119: {  	v15 =	vsel vm2, $0x3F800000, v17  }
0x11a: {  	[tilespmem:s10+$0xFFFFFFF0] =	vst v15  }
0x11b: {  	v15 =	vld [tilespmem:s26+$0x0]  }
0x11c: {  	v16 =	vld [tilespmem:s1+$0x0];
	_ =	sdelay $0x2  }
0x11d: {  	v17 =	vld [tilespmem:s24+$0x0]  }
0x11e: {  	v15 =	vsub.f32 v15, v12  }
0x11f: {  	v16 =	vsub.f32 v16, v13;
	_ =	sdelay $0x1  }
0x120: {  	v15 =	vmul.f32 v16, v15  }
0x121: {  	v16 =	vmin.f32 v14, v17  }
0x122: {  	v17 =	vadd.f32 v17, v14;
	v15 =	vand.u32 $0x7FFFFFFF, v15  }
0x123: {  	vm2 =	vgt.f32 v15, v16  }
0x124: {  	v16 =	vsel vm2, $0x0, v15;
	v15 =	vld [tilespmem:s10+$0x0]  }
.Ltmp13:
0x125: {  	v17 =	vsub.f32 v17, v16;
	(pc) =	sbr.rel @p3 .LBB2_11-.Ltmp13, $3  }
0x126: {  	_ = 	snop  }
0x127: {  	v17 =	vmul.f32 $5.000000000e-01, v17;
	_ =	sdelay $0x1  }
0x128: {  	s26 =	sadd.s32 $0x20, s26;
	vm2 =	vgt.f32 v16, v17  }
.Ltmp14:
0x129: {  	_ = 	snop;
	(pc) =	sbr.rel .LBB2_12-.Ltmp14, $1  }
0x12a: {  	_ =	sdelay $0x3  }
.LBB2_14:
0x12b: {  	p2 =	seq.s32 s30, $0x0  }
.Ltmp15:
0x12c: {  	_ = 	snop;
	(pc) =	sbr.rel @p2 .LBB2_18-.Ltmp15, $1  }
0x12d: {  	_ =	sdelay $0x3  }
0x12e: {  	s1 =	simm.s32 $0x2980  }
0x12f: {  	v13 =	vld [tilespmem:s1+$0x0];
	_ =	sdelay $0x4  }
0x130: {  	vm2 =	vgt.f32 v13, $5.000000000e-01  }
0x131: {  	v13 =	vsel vm2, $0x1, v6  }
0x132: {  	(xrf0) =	vadd.scan.msk.s32 $0xffff, v13;
	_ =	sdelay $0x5  }
0x133: {  	v12 =	vimm.s32 $0x0;
	v13, _, _ =	vpop (xrf0)  }
0x134: {  	s2 =	simm.s32 $0x1980;
	v13 =	vadd.s32 v13, v12  }
0x135: {  	v14 =	vld [tilespmem:s2+$0x0];
	v13 =	vadd.s32 $0xFFFFFFFF, v13;
	_ =	sdelay $0x4  }
0x136: {  	s3 =	simm.s32 $0x1D80;
	[tilespmem:v13+s19+$0x0] =	vst.idx.msk vm2, v14  }
0x137: {  	v14 =	vld [tilespmem:s3+$0x0];
	_ =	sdelay $0x4  }
0x138: {  	s4 =	simm.s32 $0x2180;
	[tilespmem:v13+s20+$0x0] =	vst.idx.msk vm2, v14  }
0x139: {  	v14 =	vld [tilespmem:s4+$0x0];
	_ =	sdelay $0x4  }
0x13a: {  	s10 =	simm.s32 $0x2580;
	p2 =	sne.s32 s30, $0x1;
	[tilespmem:v13+s21+$0x0] =	vst.idx.msk vm2, v14  }
.Ltmp16:
0x13b: {  	v14 =	vld [tilespmem:s10+$0x0];
	(pc) =	sbr.rel @!p2 .LBB2_17-.Ltmp16, $3  }
0x13c: {  	_ = 	snop  }
0x13d: {  	v15 =	vmpcnt.ones.xlane vm2;
	_ =	sdelay $0x1  }
0x13e: {  	s24 =	simm.s32 $0x2590;
	v12 =	vadd.s32 v12, v15;
	s4 =	sadd.s32 $0xFFFFFFFF, s30;
	s10 =	simm.s32 $0x2190  }
.LBB2_16:
0x13f: {  	[tilespmem:v13+s22+$0x0] =	vst.idx.msk vm2, v14;
	s1 =	sadd.s32 $0x10, s1;
	s2 =	sadd.s32 $0x10, s2;
	s3 =	sadd.s32 $0x10, s3;
	v13 =	vmov v12  }
0x140: {  	p2 =	sne.s32 s4, $0x1;
	s4 =	sadd.s32 $0xFFFFFFFF, s4;
	v14 =	vld [tilespmem:s1+$0x0];
	_ =	sdelay $0x4  }
0x141: {  	vm2 =	vgt.f32 v14, $5.000000000e-01  }
0x142: {  	v14 =	vsel vm2, $0x1, v6;
	v15 =	vmpcnt.ones.xlane vm2  }
0x143: {  	(xrf0) =	vadd.scan.msk.s32 $0xffff, v14  }
0x144: {  	v12 =	vadd.s32 v12, v15;
	_ =	sdelay $0x4  }
0x145: {  	v14, _, _ =	vpop (xrf0)  }
0x146: {  	v13 =	vadd.s32 v14, v13  }
0x147: {  	v13 =	vadd.s32 $0xFFFFFFFF, v13;
	v14 =	vld [tilespmem:s2+$0x0];
	_ =	sdelay $0x4  }
0x148: {  	[tilespmem:v13+s19+$0x0] =	vst.idx.msk vm2, v14  }
0x149: {  	v14 =	vld [tilespmem:s3+$0x0];
	_ =	sdelay $0x4  }
0x14a: {  	[tilespmem:v13+s20+$0x0] =	vst.idx.msk vm2, v14  }
0x14b: {  	v14 =	vld [tilespmem:s10+$0x0];
	_ =	sdelay $0x4  }
0x14c: {  	[tilespmem:v13+s21+$0x0] =	vst.idx.msk vm2, v14  }
.Ltmp17:
0x14d: {  	v14 =	vld [tilespmem:s24+$0x0];
	(pc) =	sbr.rel @p2 .LBB2_16-.Ltmp17, $2  }
0x14e: {  	_ =	sdelay $0x2  }
0x14f: {  	s10 =	sadd.s32 $0x10, s10;
	s24 =	sadd.s32 $0x10, s24  }
.LBB2_17:
0x150: {  	_ = 	snop  }
.Ltmp18:
0x151: {  	_ = 	snop;
	(pc) =	sbr.rel .LBB2_19-.Ltmp18, $2  }
0x152: {  	_ =	sdelay $0x2  }
0x153: {  	[tilespmem:v13+s22+$0x0] =	vst.idx.msk vm2, v14;
	v12 =	vxor.u32 $0x80000000, v12  }
.LBB2_34:
0x154: {  	s0 =	rddreg [dreg:$0x2];
	s1 =	simm.s32 $0x3F00  }
0x155: {  	[tilespmem:s1], [sflag:$0x1] =	stream.linear.gather [spmem:s0], $0x100, $0x38;
	[tilespmem:$0x4110] =	vst v63  }
0x156: {  	_ =	swait.ge [sflag:s12], $0x100  }
0x157: {  	[sflag:s12] =	ssyncset.done $0x0  }
0x158: {  	[sflag:s12] =	ssyncadd.s32 $0xFFFFFF00  }
0x159: {  	v12 =	vld [tilespmem:$0x3F80]  }
0x15a: {  	v13 =	vld [tilespmem:$0x3F00]  }
0x15b: {  	v14 =	vld [tilespmem:$0x3F90]  }
0x15c: {  	v15 =	vld [tilespmem:$0x3F10]  }
0x15d: {  	v16 =	vld [tilespmem:$0x3FA0]  }
0x15e: {  	v17 =	vld [tilespmem:$0x3F20];
	v12 =	vadd.f32 $0.0e+00, v12  }
0x15f: {  	v18 =	vld [tilespmem:$0x3FB0]  }
0x160: {  	v51 =	vld [tilespmem:$0x3F30];
	v13 =	vadd.f32 $0.0e+00, v13;
	v12 =	vadd.f32 v14, v12  }
0x161: {  	v19 =	vld [tilespmem:$0x3FC0]  }
0x162: {  	v52 =	vld [tilespmem:$0x3F40];
	v13 =	vadd.f32 v15, v13;
	v12 =	vadd.f32 v16, v12  }
0x163: {  	v53 =	vld [tilespmem:$0x3FD0]  }
0x164: {  	v54 =	vld [tilespmem:$0x3F50];
	v13 =	vadd.f32 v17, v13;
	v12 =	vadd.f32 v18, v12  }
0x165: {  	v55 =	vld [tilespmem:$0x3FE0]  }
0x166: {  	v56 =	vld [tilespmem:$0x3F60];
	v13 =	vadd.f32 v51, v13;
	v12 =	vadd.f32 v19, v12  }
0x167: {  	v57 =	vld [tilespmem:$0x3FF0]  }
0x168: {  	v13 =	vadd.f32 v52, v13;
	v12 =	vadd.f32 v53, v12  }
0x169: {  	v59 =	vadd.s32 $0x1, v7;
	v58 =	vld [tilespmem:$0x3F70]  }
0x16a: {  	[tilespmem:$0x4000] =	vst v5;
	v13 =	vadd.f32 v54, v13;
	v12 =	vadd.f32 v55, v12  }
0x16b: {  	[tilespmem:$0x4010] =	vst v5  }
0x16c: {  	[tilespmem:$0x4080] =	vst v5;
	v13 =	vadd.f32 v56, v13;
	v12 =	vadd.f32 v57, v12  }
0x16d: {  	[tilespmem:$0x4090] =	vst v5  }
0x16e: {  	v13 =	vadd.f32 v58, v13;
	[tilespmem:v59+s25+$0x0] =	vst.idx.msk $0xff, v12  }
0x16f: {  	s29 =	simm.s32 $0x4080;
	[tilespmem:v11+s25+$0x0] =	vst.idx.msk $0x1, v10  }
0x170: {  	[tilespmem:v59+s29+$0x0] =	vst.idx.msk $0xff, v13  }
0x171: {  	v12 =	vld [tilespmem:$0x4080];
	_ =	sdelay $0x1  }
0x172: {  	v60 =	vmul.u32 $0xFFFFFFFF, v7;
	_ =	sdelay $0x1  }
0x173: {  	v13 =	vadd.s32 $0xF, v60  }
0x174: {  	v12 =	vperm.xlane v12, v13;
	_ =	sdelay $0x1  }
0x175: {  	(xrf0) =	vmax.scan.msk.f32 $0xffff, v12;
	_ =	sdelay $0x5  }
0x176: {  	v12, _, _ =	vpop (xrf0)  }
0x177: {  	v12 =	vperm.xlane v12, v13;
	_ =	sdelay $0x1  }
0x178: {  	v61 =	vld [tilespmem:$0x4000];
	[tilespmem:$0x4080] =	vst v12  }
0x179: {  	v62 =	vld.idx.msk [tilespmem:v59+s25+$0x0], $0xffff;
	_ =	sdelay $0x1  }
0x17a: {  	v63 =	vld.idx.msk [tilespmem:v59+s29+$0x0], $0xffff;
	_ =	sdelay $0x2  }
0x17b: {  	v12 =	vsub.f32 v62, v61;
	_ =	sdelay $0x1  }
0x17c: {  	v12 =	vmul.f32 v63, v12  }
0x17d: {  	vm2 =	vmmov $0x1ff  }
0x17e: {  	v12 =	vnsel vm2, $0x0, v12  }
0x17f: {  	(xrf2) =	vadd.scan.msk.f32 $0xffff, v12;
	_ =	sdelay $0x9  }
0x180: {  	v12, _, _ =	vpop (xrf2)  }
0x181: {  	v12 =	vadd.f32 $0.0e+00, v12;
	_ =	sdelay $0x1  }
0x182: {  	v12 =	vbroadcast v12, $0xF;
	_ =	sdelay $0x1  }
.Ltmp19:
0x183: {  	s31 =	simm.s32 $0x0;
	s30 =	rddreg [dreg:$0x1];
	[tilespmem:$0x3E80] =	vst v12;
	(pc) =	sbr.rel .LBB2_35-.Ltmp19, $4  }
0x184: {  	[hbm4b:s30+s31] =	stream.linear.scatter [tilespmem:s23], [sflag:$0x1], $0x80, $0x38;
	[tilespmem:$0x4110] =	vst v63  }
0x185: {  	_ =	swait.ge [sflag:s12], $0x80  }
0x186: {  	[sflag:s12] =	ssyncset.done $0x0  }
0x187: {  	[sflag:s12] =	ssyncadd.s32 $0xFFFFFF80  }
.LBB2_18:
0x188: {  	v12 =	vimm.s32 $0x80000000  }
.LBB2_19:
0x189: {  	(xrf0) =	vmax.scan.msk.u32 $0xffff, v12;
	_ =	sdelay $0x5  }
0x18a: {  	v12, _, _ =	vpop (xrf0)  }
0x18b: {  	(v2sf) =	vpush v12, $0xF;
	_ =	sdelay $0xe  }
0x18c: {  	s1 =	spop (v2sf)  }
0x18d: {  	s30 =	sxor.u32 $0x80000000, s1  }
0x18e: {  	p2 =	slt.s32 s30, $0x1  }
.Ltmp20:
0x18f: {  	_ = 	snop;
	(pc) =	sbr.rel @p2 .LBB2_32-.Ltmp20, $2  }
0x190: {  	_ =	sdelay $0x2  }
0x191: {  	v12 =	vmov s0  }
.Ltmp21:
0x192: {  	(pc) =	sbr.rel .LBB2_21-.Ltmp21, $3  }
0x193: {  	_ =	sdelay $0x1  }
0x194: {  	s0 =	sadd.s32 $0x8000000F, s1  }
0x195: {  	s31 =	sshrl.u32 s0, $0x4;
	s0 =	simm.s32 $0x0  }
.LBB2_37:
0x196: {  	_ = 	snop  }
0x197: {  	v14 =	vimm.s32 $0x0;
	v13 =	vmov v2  }
.LBB2_31:
0x198: {  	v15 =	vor.u32 v7, v14;
	_ =	sdelay $0x4  }
0x199: {  	v15 =	vld.idx.msk [tilespmem:v15+s19+$0x0], $0xffff;
	_ =	sdelay $0x4  }
0x19a: {  	vm2 =	veq.f32 v15, v13  }
0x19b: {  	v13 =	vmctz.xlane vm2;
	_ =	sdelay $0x1  }
0x19c: {  	v13 =	vadd.s32 v14, v13;
	_ =	sdelay $0x4  }
0x19d: {  	[tilespmem:v13+s19+$0x0] =	vst.idx.msk $0x1, v0  }
0x19e: {  	v14 =	vld.idx.msk [tilespmem:v13+s20+$0x0], $0xffff  }
0x19f: {  	v15 =	vld.idx.msk [tilespmem:v13+s21+$0x0], $0xffff  }
0x1a0: {  	v16 =	vld [tilespmem:$0x3D80]  }
0x1a1: {  	v17 =	vld [tilespmem:$0x3DC0];
	_ =	sdelay $0x1  }
0x1a2: {  	v13 =	vld.idx.msk [tilespmem:v13+s22+$0x0], $0xffff  }
0x1a3: {  	v18 =	vld [tilespmem:$0x3D90]  }
0x1a4: {  	v20 =	vld [tilespmem:$0x3E00]  }
0x1a5: {  	v19 =	vld [tilespmem:$0x3DD0];
	v16 =	vsub.f32 v14, v16;
	v17 =	vsub.f32 v15, v17  }
0x1a6: {  	v58 =	vld [tilespmem:$0x3E10]  }
0x1a7: {  	v22 =	vld [tilespmem:$0x3DE0];
	v16 =	vmul.f32 v17, v16  }
0x1a8: {  	v23 =	vld [tilespmem:$0x3DF0]  }
0x1a9: {  	v59 =	vld [tilespmem:$0x3DA0];
	v18 =	vsub.f32 v14, v18;
	v21 =	vmin.f32 v20, v13;
	v16 =	vand.u32 $0x7FFFFFFF, v16  }
0x1aa: {  	v61 =	vld [tilespmem:$0x3DB0];
	v19 =	vsub.f32 v15, v19;
	v20 =	vadd.f32 v20, v13;
	vm2 =	vgt.f32 v16, v21  }
0x1ab: {  	v16 =	vsel vm2, $0x0, v16  }
0x1ac: {  	v25 =	vld [tilespmem:$0x3E20];
	v22 =	vsub.f32 v15, v22;
	v18 =	vmul.f32 v19, v18;
	v20 =	vsub.f32 v20, v16  }
0x1ad: {  	v27 =	vld [tilespmem:$0x3E30];
	v60 =	vmin.f32 v58, v13;
	v15 =	vsub.f32 v15, v23;
	v17 =	vadd.f32 v58, v13  }
0x1ae: {  	v19 =	vsub.f32 v14, v59;
	v18 =	vand.u32 $0x7FFFFFFF, v18;
	vm3 =	veq.f32 v20, $0.0e+00  }
0x1af: {  	v14 =	vsub.f32 v14, v61;
	vm2 =	vgt.f32 v18, v60;
	v20 =	vsel vm3, $0x2B8CBCCC, v20  }
0x1b0: {  	v19 =	vmul.f32 v22, v19;
	v18 =	vsel vm2, $0x0, v18;
	v24 =	vsub.s32 $0x7EF311C3, v20  }
0x1b1: {  	v29 =	vadd.f32 v25, v13;
	v17 =	vsub.f32 v17, v18;
	v26 =	vmul.f32 v24, v20  }
0x1b2: {  	v30 =	vmin.f32 v27, v13;
	v14 =	vmul.f32 v15, v14;
	v19 =	vand.u32 $0x7FFFFFFF, v19  }
0x1b3: {  	vm2 =	veq.f32 v17, $0.0e+00;
	v62 =	vsub.f32 $2.000000000e+00, v26;
	v26 =	vmin.f32 v25, v13  }
0x1b4: {  	v14 =	vand.u32 $0x7FFFFFFF, v14;
	v17 =	vsel vm2, $0x2B8CBCCC, v17;
	vm2 =	vgt.f32 v19, v26  }
0x1b5: {  	v13 =	vadd.f32 v27, v13;
	v19 =	vsel vm2, $0x0, v19;
	vm2 =	vgt.f32 v14, v30  }
0x1b6: {  	v23 =	vsub.f32 v29, v19;
	v14 =	vsel vm2, $0x0, v14  }
0x1b7: {  	v63 =	vsub.s32 $0x7EF311C3, v17;
	v13 =	vsub.f32 v13, v14  }
0x1b8: {  	v28 =	vmul.f32 v63, v17;
	vm2 =	veq.f32 v23, $0.0e+00  }
0x1b9: {  	v39 =	vld [tilespmem:$0x3E50];
	v32 =	vsel vm2, $0x2B8CBCCC, v23;
	vm2 =	veq.f32 v13, $0.0e+00  }
0x1ba: {  	vm5 =	vgt.s32 v12, v7;
	v42 =	vld [tilespmem:$0x3E60];
	v21 =	vsub.f32 $2.000000000e+00, v28;
	v13 =	vsel vm2, $0x2B8CBCCC, v13  }
0x1bb: {  	v46 =	vld [tilespmem:$0x3E70];
	v15 =	vmul.f32 v24, v62;
	v23 =	vsub.s32 $0x7EF311C3, v32;
	v35 =	vsub.s32 $0x7EF311C3, v13  }
0x1bc: {  	vm10 =	vgt.s32 v12, v8;
	v34 =	vmul.f32 v23, v32;
	v28 =	vmul.f32 v35, v13  }
0x1bd: {  	vm7 =	vgt.s32 v12, v9;
	v37 =	vld [tilespmem:$0x3E40];
	v21 =	vmul.f32 v63, v21;
	v31 =	vmul.f32 v15, v20  }
0x1be: {  	vm4 =	vlt.f32 v39, $5.000000000e-01;
	v25 =	vsub.f32 $2.000000000e+00, v34;
	v28 =	vsub.f32 $2.000000000e+00, v28  }
0x1bf: {  	vm9 =	vlt.f32 v42, $5.000000000e-01;
	v33 =	vmul.f32 v21, v17;
	v24 =	vsub.f32 $2.000000000e+00, v31  }
0x1c0: {  	vm11 =	vlt.f32 v46, $5.000000000e-01;
	v23 =	vmul.f32 v23, v25;
	v38 =	vmul.f32 v35, v28  }
0x1c1: {  	v45 =	vmul.f32 $5.000000000e-01, v32;
	v15 =	vmul.f32 v24, v15;
	v24 =	vsub.f32 $2.000000000e+00, v33  }
0x1c2: {  	vm3 =	vlt.f32 v37, $5.000000000e-01;
	v41 =	vmul.f32 v23, v32;
	v29 =	vmul.f32 v38, v13  }
0x1c3: {  	vm6 =	vgt.f32 v19, v45;
	v36 =	vmul.f32 v15, v20;
	v21 =	vmul.f32 v24, v21  }
0x1c4: {  	v20 =	vmul.f32 $5.000000000e-01, v20;
	v28 =	vsub.f32 $2.000000000e+00, v41;
	v43 =	vsub.f32 $2.000000000e+00, v29  }
0x1c5: {  	v27 =	vsub.f32 $2.000000000e+00, v36;
	v40 =	vmul.f32 v21, v17;
	v17 =	vmul.f32 $5.000000000e-01, v17  }
0x1c6: {  	vm2 =	vgt.f32 v16, v20;
	v23 =	vmul.f32 v28, v23;
	v20 =	vmul.f32 v43, v38  }
0x1c7: {  	vm2 =	vmand vm3, vm2;
	v15 =	vmul.f32 v27, v15;
	v27 =	vsub.f32 $2.000000000e+00, v40  }
0x1c8: {  	vm3 =	vgt.f32 v18, v17;
	v44 =	vmul.f32 v23, v32;
	v47 =	vmul.f32 v20, v13  }
0x1c9: {  	vm2 =	vmand vm5, vm2;
	v15 =	vmul.f32 v15, v16;
	v21 =	vmul.f32 v27, v21  }
0x1ca: {  	v13 =	vmul.f32 $5.000000000e-01, v13;
	v17 =	vsub.f32 $2.000000000e+00, v44;
	v16 =	vsub.f32 $2.000000000e+00, v47  }
0x1cb: {  	v21 =	vmul.f32 v21, v18;
	v15 =	vnsel vm2, $0xF149F2CA, v15;
	vm2 =	vmand vm4, vm3  }
0x1cc: {  	vm12 =	vgt.f32 v14, v13;
	v17 =	vmul.f32 v17, v23;
	v16 =	vmul.f32 v16, v20  }
0x1cd: {  	vm3 =	vmand vm9, vm6;
	v13 =	vor.u32 $0x10, v7;
	vm5 =	vmand vm11, vm12  }
0x1ce: {  	vm13 =	vgt.s32 v12, v13;
	v13 =	vmul.f32 v17, v19;
	v14 =	vmul.f32 v16, v14  }
0x1cf: {  	vm3 =	vmand vm7, vm3;
	vm2 =	vmand vm13, vm2;
	vm4 =	vmand vm10, vm5  }
0x1d0: {  	v48 =	vnsel vm2, $0xF149F2CA, v21;
	v13 =	vnsel vm3, $0xF149F2CA, v13;
	v14 =	vnsel vm4, $0xF149F2CA, v14  }
0x1d1: {  	v49 =	vmax.f32 v15, v48;
	v50 =	vmax.f32 v13, v14  }
0x1d2: {  	v17 =	vmax.f32 v49, v50  }
0x1d3: {  	(xrf0) =	vmax.scan.msk.f32 $0xffff, v17;
	_ =	sdelay $0x5  }
0x1d4: {  	v17, _, _ =	vpop (xrf0)  }
0x1d5: {  	v51 =	vbroadcast v17, $0xF  }
0x1d6: {  	(v2sf) =	vpush v17, $0xF  }
0x1d7: {  	vm2 =	veq.f32 v15, v51  }
0x1d8: {  	vm3 =	veq.f32 v48, v51;
	v52 =	vmctz.xlane vm2  }
0x1d9: {  	v53 =	vmctz.xlane vm3;
	v54 =	vmpcnt.ones.xlane vm2  }
0x1da: {  	vm2 =	vgt.f32 v15, $2.500000000e-01;
	v15 =	vmpcnt.ones.xlane vm3;
	vm3 =	vgt.f32 v48, $2.500000000e-01  }
0x1db: {  	vm11 =	vgt.f32 v13, $2.500000000e-01;
	vm10 =	veq.f32 v14, v51;
	v56 =	vmpcnt.ones.xlane vm3  }
0x1dc: {  	v57 =	vmpcnt.ones.xlane vm2;
	vm14 =	vgt.s32 v52, v7;
	vm15 =	vgt.s32 v53, v7  }
0x1dd: {  	vm6 =	vgt.s32 v54, $0x0;
	vm9 =	vlt.s32 v15, $0x1;
	vm4 =	vmand vm14, vm2  }
0x1de: {  	vm5 =	vmand vm15, vm3;
	vm3 =	veq.f32 v13, v51;
	v13 =	vmctz.xlane vm10  }
0x1df: {  	vm2 =	vmor vm6, vm9;
	v55 =	vmpcnt.ones.xlane vm5;
	v59 =	vmctz.xlane vm3  }
0x1e0: {  	v58 =	vmpcnt.ones.xlane vm4;
	v60 =	vmpcnt.ones.xlane vm3;
	vm13 =	vgt.s32 v13, v7  }
0x1e1: {  	v13 =	vmpcnt.ones.xlane vm11;
	v16 =	vsel vm2, v56, v55;
	vm12 =	vgt.s32 v59, v7  }
0x1e2: {  	vm2 =	vge.s32 v15, $0x1;
	vm15 =	vgt.s32 v60, $0x0;
	vm3 =	vmand vm12, vm11  }
0x1e3: {  	v15 =	vadd.s32 v57, v16;
	v61 =	vmpcnt.ones.xlane vm3;
	vm3 =	vgt.f32 v14, $2.500000000e-01  }
0x1e4: {  	vm2 =	vmor vm6, vm2;
	v14 =	vmpcnt.ones.xlane vm10;
	vm14 =	vmand vm13, vm3  }
0x1e5: {  	v63 =	vmpcnt.ones.xlane vm3;
	v62 =	vmpcnt.ones.xlane vm14;
	v13 =	vsel vm15, v61, v13;
	s1 =	spop (v2sf)  }
0x1e6: {  	v15 =	vsel vm6, v58, v15;
	vm3 =	vlt.s32 v14, $0x1;
	v13 =	vsel vm2, $0x0, v13;
	p2 =	sgt.f32 s1, $2.500000000e-01  }
0x1e7: {  	vm2 =	vmor vm2, vm15;
	v14 =	vsel vm3, v63, v62;
	vm3 =	vmmov vm1  }
0x1e8: {  	v13 =	vadd.s32 v13, v15;
	v14 =	vsel vm2, $0x0, v14;
	vm3 =	vmneg @p2 vm3  }
0x1e9: {  	s0 =	sadd.s32 $0x1, s0;
	v13 =	vadd.s32 v14, v13;
	vm2 =	vmand vm3, vm0  }
0x1ea: {  	v13 =	vadd.s32 $0xC0, v13;
	p2 =	sne.s32 s0, s30  }
.Ltmp22:
0x1eb: {  	_ = 	snop;
	(pc) =	sbr.rel @!p2 .LBB2_32-.Ltmp22, $2  }
0x1ec: {  	_ =	sdelay $0x2  }
0x1ed: {  	[tilespmem:v13+s14+$0x0] =	vst.idx.msk vm2, v10  }
.LBB2_21:
0x1ee: {  	p2 =	seq.s32 s31, $0x0  }
.Ltmp23:
0x1ef: {  	_ = 	snop;
	(pc) =	sbr.rel @p2 .LBB2_37-.Ltmp23, $1  }
0x1f0: {  	_ =	sdelay $0x3  }
0x1f1: {  	p2 =	sne.s32 s31, $0x1  }
.Ltmp24:
0x1f2: {  	_ = 	snop;
	(pc) =	sbr.rel @!p2 .LBB2_24-.Ltmp24, $3  }
0x1f3: {  	_ =	sdelay $0x1  }
0x1f4: {  	s1 =	simm.s32 $0x2D80  }
0x1f5: {  	v13 =	vimm.f32 $-1.000000000e+00;
	s2 =	sadd.s32 $0xFFFFFFFF, s31;
	v14 =	vld [tilespmem:s1+$0x0]  }
.LBB2_23:
0x1f6: {  	p2 =	sne.s32 s2, $0x1  }
.Ltmp25:
0x1f7: {  	_ = 	snop;
	(pc) =	sbr.rel @p2 .LBB2_23-.Ltmp25, $3  }
0x1f8: {  	_ =	sdelay $0x1  }
0x1f9: {  	s2 =	sadd.s32 $0xFFFFFFFF, s2;
	s1 =	sadd.s32 $0x10, s1;
	v13 =	vmax.f32 v13, v14  }
0x1fa: {  	v14 =	vld [tilespmem:s1+$0x0]  }
.LBB2_24:
0x1fb: {  	_ =	sdelay $0x3  }
0x1fc: {  	v13 =	vmax.f32 v13, v14  }
0x1fd: {  	(xrf0) =	vmax.scan.msk.f32 $0xffff, v13;
	_ =	sdelay $0x1  }
0x1fe: {  	p3 =	sne.s32 s31, $0x1  }
.Ltmp26:
0x1ff: {  	_ = 	snop;
	(pc) =	sbr.rel @!p3 .LBB2_25-.Ltmp26, $3  }
0x200: {  	_ =	sdelay $0x1  }
0x201: {  	s3 =	simm.s32 $0x2D80;
	v13, _, _ =	vpop (xrf0)  }
0x202: {  	s1 =	simm.s32 $0x0;
	s2 =	simm.s32 $0x1;
	p2 =	por $0x0, $0x0;
	v15 =	vld [tilespmem:s3+$0x0];
	v14 =	vimm.s32 $0x0;
	v13 =	vbroadcast v13, $0xF  }
0x203: {  	_ =	sdelay $0x3  }
0x204: {  	p3 =	sne.s32 s31, $0x2;
	vm2 =	veq.f32 v15, v13  }
.Ltmp27:
0x205: {  	v15 =	vmpcnt.ones.xlane vm2;
	(pc) =	sbr.rel @!p3 .LBB2_27-.Ltmp27, $4  }
0x206: {  	s3 =	simm.s32 $0x2D90  }
0x207: {  	vm3 =	vgt.s32 v15, $0x0;
	v15 =	vld [tilespmem:s3+$0x0]  }
0x208: {  	vm2 =	veq.s32 v14, $0x0  }
0x209: {  	s4 =	simm.s32 $0x2;
	p2 =	por $0x1, $0x1;
	v17 =	vimm.s32 $0x0;
	vm2 =	vmand vm2, vm3;
	v16 =	vsel vm3, $0x1, v14  }
.LBB2_28:
0x20a: {  	v17 =	vsel vm2, s1, v17;
	s1 =	smov.u32 s2;
	s2 =	smov.u32 s4;
	s4 =	sadd.s32 $0x1, s4  }
0x20b: {  	p3 =	sne.s32 s31, s4  }
.Ltmp28:
0x20c: {  	s3 =	sadd.s32 $0x10, s3;
	vm2 =	veq.f32 v15, v13;
	(pc) =	sbr.rel @p3 .LBB2_28-.Ltmp28, $3  }
0x20d: {  	v15 =	vld [tilespmem:s3+$0x0];
	v18 =	vmpcnt.ones.xlane vm2;
	_ =	sdelay $0x1  }
0x20e: {  	vm2 =	veq.s32 v16, $0x0;
	vm3 =	vgt.s32 v18, $0x0  }
0x20f: {  	vm2 =	vmand vm2, vm3;
	v16 =	vsel vm3, $0x1, v16  }
0x210: {  	s3 =	smov.u32 s1;
	s1 =	smov.u32 s2  }
.LBB2_30:
0x211: {  	vm3 =	veq.f32 v15, v13  }
0x212: {  	v15 =	vmpcnt.ones.xlane vm3  }
.Ltmp29:
0x213: {  	_ = 	snop;
	(pc) =	sbr.rel .LBB2_31-.Ltmp29, $4  }
0x214: {  	v17 =	vsel @p2 vm2, s3, v17;
	vm3 =	veq.s32 v16, $0x0;
	vm2 =	vgt.s32 v15, $0x0  }
0x215: {  	v14 =	vpsel p2, v17, v14;
	vm2 =	vmand vm3, vm2  }
0x216: {  	v14 =	vsel vm2, s1, v14  }
0x217: {  	v14 =	vshll.u32 v14, $0x4  }
.LBB2_25:
.Ltmp30:
0x218: {  	(pc) =	sbr.rel .LBB2_30-.Ltmp30, $2  }
0x219: {  	_ =	sdelay $0x2  }
0x21a: {  	v17 =	vimm.s32 $0x0;
	v16 =	vimm.s32 $0x0  }
.LBB2_27:
.Ltmp31:
0x21b: {  	(pc) =	sbr.rel .LBB2_30-.Ltmp31, $2  }
0x21c: {  	_ =	sdelay $0x2  }
0x21d: {  	s3 =	simm.s32 $0x0;
	v17 =	vimm.s32 $0x0;
	s1 =	simm.s32 $0x1  }
.LBB2_36:
0x21e: {  	_ =	sfence.sel $0x180000  }
0x21f: {  	[bflag:$0x0] =	sbarrier.arrive $0xFFFF  }
0x220: {  	_ =	strace $0x90000047  }
0x221: {  	s0 =	stileid.u32;
	[bflag:$0x2] =	sbarrier.arrive $0xFFFF  }
0x222: {  	p0 =	sne.s32 s0, $0x0;
	s0 =	rddreg [dreg:$0x3]  }
0x223: {  	s0 =	sadd.s32 @!p0 $0x100000, s0  }
0x224: {  	[sflag:s0] =	ssyncadd.tile.s32 @!p0 $0x1;
	_ =	shalt  }
.Lfunc_end2:
_tile_overlayer_lowered:
.L_overlay_start_2:
0x225: {  	(tag) =	ssettag $0x2  }
0x226: {  	s0 =	rddreg [dreg:$0x0];
	s2 =	stileid.u32  }
0x227: {  	s1 =	rddreg [dreg:$0x1];
	p0 =	sne.s32 s2, $0x0  }
0x228: {  	s3 =	rddreg [dreg:$0x2];
	[bflag:$0x3] =	sbarrier.arrive $0xFFFF;
	s2 =	simm.s32 @!p0 $0x1C01  }
0x229: {  	[timem:s3], [sflag:s2] =	dma.local @!p0 [hbm:s0], s1  }
0x22a: {  	s0 =	simm.s32 @!p0 $0x1  }
0x22b: {  	_ =	swait.ge @!p0 [sflag:s0], s1  }
0x22c: {  	s1 =	ssub.s32 @!p0 $0x0, s1;
	[sflag:s0] =	ssyncset.done @!p0 $0x0  }
0x22d: {  	[sflag:s0] =	ssyncadd.s32 @!p0 s1  }
0x22e: {  	[bflag:$0x3] =	sbarrier.arrive $0xFFFF  }
0x22f: {  	_ =	shalt  }

</sc_bundles>
